<compile_context>
chip_gen: v7x
topology: tpu7x:2x2x1
jax: 0.10.2.dev20260603
libtpu: 0.0.44.dev20260713+nightly
codegen_flags: <defaults>
</compile_context>

<pallas_src>
import jax
import jax.numpy as jnp
from jax import lax
from jax.experimental import pallas as pl
from jax.experimental.pallas import tpu as pltpu
from jax.experimental.pallas import tpu_sc as plsc

DIM = 64
BATCH = 16384
N_FIELDS = 26
B_TOTAL = BATCH * N_FIELDS
N_EMB = 1_000_000

_info = plsc.get_sparse_core_info()
_NC, _NS = _info.num_cores, _info.num_subcores
NW = _NC * _NS
S_PER_W = BATCH // NW
SB = 128
N_SB = S_PER_W // SB
N_BLK = N_SB * N_FIELDS

TBLK = 512
T_GRID = (N_EMB + TBLK - 1) // TBLK


def _transpose_body(in_ref, out_ref):
    t = jnp.transpose(in_ref[...], (1, 0))
    out_ref[...] = jnp.concatenate([t, jnp.zeros_like(t)], axis=1)


def _emb_body(table_hbm, idx_hbm, out_hbm,
              idx_v, ch0, ch1, gb0, gb1, ob0, ob1, sg0, sg1, sw0, sw1):
    wid = lax.axis_index("s") * _NC + lax.axis_index("c")
    base = wid * (S_PER_W * N_FIELDS)
    pltpu.sync_copy(idx_hbm.at[pl.ds(base, S_PER_W * N_FIELDS)], idx_v)

    iota = lax.iota(jnp.int32, 16)
    gcols = [iota * N_FIELDS + (16 * N_FIELDS) * k for k in range(SB // 16)]
    trows = [iota + 16 * k for k in range(DIM // 16)]

    def blk_fs(b):
        f = lax.rem(b, N_FIELDS)
        s_tl = b // N_FIELDS
        return f, s_tl

    def build_chunk(b, ch):
        f, s_tl = blk_fs(b)
        p0 = s_tl * (SB * N_FIELDS) + f
        for k in range(SB // 16):
            v = plsc.load_gather(idx_v, [gcols[k] + p0])
            ch[pl.ds(16 * k, 16)] = v

    def fire(ch, gb, sem):
        pltpu.async_copy(table_hbm.at[ch], gb, sem)

    def drain_gather(gb, sem):
        pltpu.make_async_copy(table_hbm.at[pl.ds(0, SB)], gb, sem).wait()

    def transpose_blk(gb, ob):
        def body(t, carry):
            for u in range(4):
                sl = t * 4 + u
                colv = jnp.full((16,), sl, jnp.int32)
                for k in range(DIM // 16):
                    v = gb[sl, pl.ds(16 * k, 16)]
                    plsc.store_scatter(ob, [trows[k], colv], v)
            return carry
        lax.fori_loop(0, SB // 4, body, 0)

    def wb_start(b, ob, sem):
        f, s_tl = blk_fs(b)
        s0 = wid * S_PER_W + s_tl * SB
        pltpu.async_copy(ob, out_hbm.at[f, :, pl.ds(s0, SB)], sem)

    def wb_wait(b, ob, sem):
        f, s_tl = blk_fs(b)
        s0 = wid * S_PER_W + s_tl * SB
        pltpu.make_async_copy(ob, out_hbm.at[f, :, pl.ds(s0, SB)], sem).wait()

    build_chunk(0, ch0)
    fire(ch0, gb0, sg0)
    build_chunk(1, ch1)
    fire(ch1, gb1, sg1)

    drain_gather(gb0, sg0)
    transpose_blk(gb0, ob0)
    wb_start(0, ob0, sw0)
    build_chunk(2, ch0)
    fire(ch0, gb0, sg0)
    drain_gather(gb1, sg1)
    transpose_blk(gb1, ob1)
    wb_start(1, ob1, sw1)
    build_chunk(3, ch1)
    fire(ch1, gb1, sg1)

    def pair(i, carry):
        b = 2 * i
        drain_gather(gb0, sg0)
        wb_wait(b - 2, ob0, sw0)
        transpose_blk(gb0, ob0)
        wb_start(b, ob0, sw0)
        build_chunk(b + 2, ch0)
        fire(ch0, gb0, sg0)
        drain_gather(gb1, sg1)
        wb_wait(b - 1, ob1, sw1)
        transpose_blk(gb1, ob1)
        wb_start(b + 1, ob1, sw1)
        build_chunk(b + 3, ch1)
        fire(ch1, gb1, sg1)
        return carry

    lax.fori_loop(1, N_BLK // 2 - 1, pair, 0)

    b = N_BLK - 2
    drain_gather(gb0, sg0)
    wb_wait(b - 2, ob0, sw0)
    transpose_blk(gb0, ob0)
    wb_start(b, ob0, sw0)
    drain_gather(gb1, sg1)
    wb_wait(b - 1, ob1, sw1)
    transpose_blk(gb1, ob1)
    wb_start(b + 1, ob1, sw1)
    wb_wait(b, ob0, sw0)
    wb_wait(b + 1, ob1, sw1)


@jax.jit
def kernel(idx, weight):
    wT = weight.T
    table = pl.pallas_call(
        _transpose_body,
        grid=(T_GRID,),
        in_specs=[pl.BlockSpec((DIM, TBLK), lambda j: (0, j))],
        out_specs=pl.BlockSpec((TBLK, 128), lambda j: (j, 0)),
        out_shape=jax.ShapeDtypeStruct((N_EMB, 128), jnp.float32),
    )(wT)

    idx_flat = idx.reshape(-1).astype(jnp.int32)
    out = pl.kernel(
        _emb_body,
        out_type=jax.ShapeDtypeStruct((N_FIELDS, DIM, BATCH), jnp.float32),
        mesh=plsc.VectorSubcoreMesh(core_axis_name="c", subcore_axis_name="s"),
        scratch_types=[
            pltpu.VMEM((S_PER_W * N_FIELDS,), jnp.int32),
            pltpu.VMEM((SB,), jnp.int32),
            pltpu.VMEM((SB,), jnp.int32),
            pltpu.VMEM((SB, 128), jnp.float32),
            pltpu.VMEM((SB, 128), jnp.float32),
            pltpu.VMEM((DIM, SB), jnp.float32),
            pltpu.VMEM((DIM, SB), jnp.float32),
            pltpu.SemaphoreType.DMA,
            pltpu.SemaphoreType.DMA,
            pltpu.SemaphoreType.DMA,
            pltpu.SemaphoreType.DMA,
        ],
        compiler_params=pltpu.CompilerParams(
            use_tc_tiling_on_sc=True, needs_layout_passes=False),
    )(table, idx_flat)
    return out.transpose(2, 0, 1)

# --- scband reference (transcript-rebuilt; emitter-appended) ---
"""Pipeline reference for scband-embedding-3272765079588 (READ-ONLY COPY).

The authoritative reference and input builder live on the scoring server;
editing this copy changes nothing except your own understanding.
"""

import jax, jax.numpy as jnp
import numpy as np

NUM_EMBEDDINGS = 1000000
EMBEDDING_DIM = 64
BATCH = 16384
N_FIELDS = 26


def setup_inputs(seed: int = 0) -> dict:
    key = jax.random.key(seed)
    k_idx, k_w = jax.random.split(key)
    idx = jax.random.randint(k_idx, (BATCH, N_FIELDS), 0, NUM_EMBEDDINGS, dtype=jnp.int64 if jax.config.jax_enable_x64 else jnp.int32)
    # xavier_uniform init: bound = sqrt(6 / (fan_in + fan_out))
    bound = float(np.sqrt(6.0 / (NUM_EMBEDDINGS + EMBEDDING_DIM)))
    weight = jax.random.uniform(k_w, (NUM_EMBEDDINGS, EMBEDDING_DIM), minval=-bound, maxval=bound, dtype=jnp.float32)
    return {"idx": idx, "weight": weight}


def reference(idx, weight):
    # Embedding lookup: weight[idx] -> (BATCH, N_FIELDS, EMBEDDING_DIM)
    return jnp.take(weight, idx, axis=0)

if __name__ == "__main__":
    import jax
    _d = setup_inputs()
    print(jax.jit(kernel)(*tuple(_d.values())))

</pallas_src>

<mosaic_0001>
#map = affine_map<(d0, d1) -> (0, 0)>
#map1 = affine_map<(d0, d1) -> (0)>
#map2 = affine_map<(d0, d1) -> (0, 0, 0)>
module attributes {stable_mosaic.version = 14 : i64} {
  func.func @_emb_body(%arg0: i32, %arg1: i32, %arg2: memref<1000000x128xf32, #tpu.memory_space<hbm>>, %arg3: memref<425984xi32, #tpu.memory_space<hbm>>, %arg4: memref<26x64x16384xf32, #tpu.memory_space<hbm>>, %arg5: memref<13312xi32, #tpu.memory_space<vmem>>, %arg6: memref<128xi32, #tpu.memory_space<vmem>>, %arg7: memref<128xi32, #tpu.memory_space<vmem>>, %arg8: memref<128x128xf32, #tpu.memory_space<vmem>>, %arg9: memref<128x128xf32, #tpu.memory_space<vmem>>, %arg10: memref<64x128xf32, #tpu.memory_space<vmem>>, %arg11: memref<64x128xf32, #tpu.memory_space<vmem>>, %arg12: memref<!tpu.dma_semaphore, #tpu.memory_space<semaphore_mem>>, %arg13: memref<!tpu.dma_semaphore, #tpu.memory_space<semaphore_mem>>, %arg14: memref<!tpu.dma_semaphore, #tpu.memory_space<semaphore_mem>>, %arg15: memref<!tpu.dma_semaphore, #tpu.memory_space<semaphore_mem>>) attributes {dimension_semantics = [#tpu.dimension_semantics<core_parallel>, #tpu.dimension_semantics<subcore_parallel>], iteration_bounds = array<i64: 2, 16>, scalar_prefetch = 0 : i64, scratch_operands = 11 : i64, tpu.core_type = #tpu.core_type<sc_vector_subcore>, window_params = [{transform_indices = #map}, {transform_indices = #map1}, {transform_indices = #map2}]} {
    %mul3A = arith.constant 2 : i32
    %mul3A_0 = arith.muli %arg1, %mul3A : i32
    %add3A = arith.addi %mul3A_0, %arg0 : i32
    %mul3A_1 = arith.constant 13312 : i32
    %mul3A_2 = arith.muli %add3A, %mul3A_1 : i32
    "tpu.region"() ({
      %run_scoped3A = tpu.sem_alloc : memref<!tpu.dma_semaphore, #tpu.memory_space<semaphore_mem>>
      %dma_start3A_407 = tpu.memref_slice %arg3[%mul3A_2] : memref<425984xi32, #tpu.memory_space<hbm>> -> memref<13312xi32, #tpu.memory_space<hbm>>
      %dma_start3A_408 = tpu.memref_slice %arg3[%mul3A_2] : memref<425984xi32, #tpu.memory_space<hbm>> -> memref<13312xi32, #tpu.memory_space<hbm>>
      tpu.enqueue_dma source(%dma_start3A_408 : memref<13312xi32, #tpu.memory_space<hbm>>) target(%arg5 : memref<13312xi32, #tpu.memory_space<vmem>>) target_semaphore(%run_scoped3A : memref<!tpu.dma_semaphore, #tpu.memory_space<semaphore_mem>>)
      %dma_wait3A_409 = tpu.memref_slice %arg3[%mul3A_2] : memref<425984xi32, #tpu.memory_space<hbm>> -> memref<13312xi32, #tpu.memory_space<hbm>>
      %dma_wait3A_410 = tpu.memref_slice %arg3[%mul3A_2] : memref<425984xi32, #tpu.memory_space<hbm>> -> memref<13312xi32, #tpu.memory_space<hbm>>
      tpu.wait_dma2 semaphore(%run_scoped3A : memref<!tpu.dma_semaphore, #tpu.memory_space<semaphore_mem>>) src(%dma_wait3A_410 : memref<13312xi32, #tpu.memory_space<hbm>>) dst(%arg5 : memref<13312xi32, #tpu.memory_space<vmem>>)
      tpu.yield
    }) : () -> ()
    %iota3A = tpu.iota {dimensions = array<i32: 0>} : vector<16xi32>
    %mul3A_3 = arith.constant 26 : i32
    %mul3A_4 = vector.broadcast %mul3A_3 : i32 to vector<16xi32>
    %mul3A_5 = arith.muli %iota3A, %mul3A_4 : vector<16xi32>
    %add3A_6 = arith.constant 0 : i32
    %add3A_7 = vector.broadcast %add3A_6 : i32 to vector<16xi32>
    %add3A_8 = arith.addi %mul3A_5, %add3A_7 : vector<16xi32>
    %mul3A_9 = arith.constant 26 : i32
    %mul3A_10 = vector.broadcast %mul3A_9 : i32 to vector<16xi32>
    %mul3A_11 = arith.muli %iota3A, %mul3A_10 : vector<16xi32>
    %add3A_12 = arith.constant 416 : i32
    %add3A_13 = vector.broadcast %add3A_12 : i32 to vector<16xi32>
    %add3A_14 = arith.addi %mul3A_11, %add3A_13 : vector<16xi32>
    %mul3A_15 = arith.constant 26 : i32
    %mul3A_16 = vector.broadcast %mul3A_15 : i32 to vector<16xi32>
    %mul3A_17 = arith.muli %iota3A, %mul3A_16 : vector<16xi32>
    %add3A_18 = arith.constant 832 : i32
    %add3A_19 = vector.broadcast %add3A_18 : i32 to vector<16xi32>
    %add3A_20 = arith.addi %mul3A_17, %add3A_19 : vector<16xi32>
    %mul3A_21 = arith.constant 26 : i32
    %mul3A_22 = vector.broadcast %mul3A_21 : i32 to vector<16xi32>
    %mul3A_23 = arith.muli %iota3A, %mul3A_22 : vector<16xi32>
    %add3A_24 = arith.constant 1248 : i32
    %add3A_25 = vector.broadcast %add3A_24 : i32 to vector<16xi32>
    %add3A_26 = arith.addi %mul3A_23, %add3A_25 : vector<16xi32>
    %mul3A_27 = arith.constant 26 : i32
    %mul3A_28 = vector.broadcast %mul3A_27 : i32 to vector<16xi32>
    %mul3A_29 = arith.muli %iota3A, %mul3A_28 : vector<16xi32>
    %add3A_30 = arith.constant 1664 : i32
    %add3A_31 = vector.broadcast %add3A_30 : i32 to vector<16xi32>
    %add3A_32 = arith.addi %mul3A_29, %add3A_31 : vector<16xi32>
    %mul3A_33 = arith.constant 26 : i32
    %mul3A_34 = vector.broadcast %mul3A_33 : i32 to vector<16xi32>
    %mul3A_35 = arith.muli %iota3A, %mul3A_34 : vector<16xi32>
    %add3A_36 = arith.constant 2080 : i32
    %add3A_37 = vector.broadcast %add3A_36 : i32 to vector<16xi32>
    %add3A_38 = arith.addi %mul3A_35, %add3A_37 : vector<16xi32>
    %mul3A_39 = arith.constant 26 : i32
    %mul3A_40 = vector.broadcast %mul3A_39 : i32 to vector<16xi32>
    %mul3A_41 = arith.muli %iota3A, %mul3A_40 : vector<16xi32>
    %add3A_42 = arith.constant 2496 : i32
    %add3A_43 = vector.broadcast %add3A_42 : i32 to vector<16xi32>
    %add3A_44 = arith.addi %mul3A_41, %add3A_43 : vector<16xi32>
    %mul3A_45 = arith.constant 26 : i32
    %mul3A_46 = vector.broadcast %mul3A_45 : i32 to vector<16xi32>
    %mul3A_47 = arith.muli %iota3A, %mul3A_46 : vector<16xi32>
    %add3A_48 = arith.constant 2912 : i32
    %add3A_49 = vector.broadcast %add3A_48 : i32 to vector<16xi32>
    %add3A_50 = arith.addi %mul3A_47, %add3A_49 : vector<16xi32>
    %add3A_51 = arith.constant 0 : i32
    %add3A_52 = vector.broadcast %add3A_51 : i32 to vector<16xi32>
    %add3A_53 = arith.addi %iota3A, %add3A_52 : vector<16xi32>
    %add3A_54 = arith.constant 16 : i32
    %add3A_55 = vector.broadcast %add3A_54 : i32 to vector<16xi32>
    %add3A_56 = arith.addi %iota3A, %add3A_55 : vector<16xi32>
    %add3A_57 = arith.constant 32 : i32
    %add3A_58 = vector.broadcast %add3A_57 : i32 to vector<16xi32>
    %add3A_59 = arith.addi %iota3A, %add3A_58 : vector<16xi32>
    %add3A_60 = arith.constant 48 : i32
    %add3A_61 = vector.broadcast %add3A_60 : i32 to vector<16xi32>
    %add3A_62 = arith.addi %iota3A, %add3A_61 : vector<16xi32>
    %rem3A = arith.constant 0 : i32
    %rem3A_63 = arith.constant 26 : i32
    %rem3A_64 = arith.remsi %rem3A, %rem3A_63 : i32
    %add3A_65 = arith.constant 0 : i32
    %add3A_66 = arith.addi %add3A_65, %rem3A_64 : i32
    %add3A_67 = vector.broadcast %add3A_66 : i32 to vector<16xi32>
    %add3A_68 = arith.addi %add3A_8, %add3A_67 : vector<16xi32>
    %gather3A = tpu.vector_load_idx %arg5[%add3A_68] : memref<13312xi32, #tpu.memory_space<vmem>>[vector<16xi32>], vector<16xi32>,
    %swap3A = arith.constant 0 : index
    %swap3A_69 = tpu.vector_load %arg6[%swap3A] {strides = array<i32>} : memref<128xi32, #tpu.memory_space<vmem>>, vector<16xi32>,
    tpu.vector_store %arg6[%swap3A], %gather3A {strides = array<i32>} : memref<128xi32, #tpu.memory_space<vmem>>, vector<16xi32>,
    %add3A_70 = vector.broadcast %add3A_66 : i32 to vector<16xi32>
    %add3A_71 = arith.addi %add3A_14, %add3A_70 : vector<16xi32>
    %gather3A_72 = tpu.vector_load_idx %arg5[%add3A_71] : memref<13312xi32, #tpu.memory_space<vmem>>[vector<16xi32>], vector<16xi32>,
    %swap3A_73 = arith.constant 16 : index
    %swap3A_74 = tpu.vector_load %arg6[%swap3A_73] {strides = array<i32>} : memref<128xi32, #tpu.memory_space<vmem>>, vector<16xi32>,
    tpu.vector_store %arg6[%swap3A_73], %gather3A_72 {strides = array<i32>} : memref<128xi32, #tpu.memory_space<vmem>>, vector<16xi32>,
    %add3A_75 = vector.broadcast %add3A_66 : i32 to vector<16xi32>
    %add3A_76 = arith.addi %add3A_20, %add3A_75 : vector<16xi32>
    %gather3A_77 = tpu.vector_load_idx %arg5[%add3A_76] : memref<13312xi32, #tpu.memory_space<vmem>>[vector<16xi32>], vector<16xi32>,
    %swap3A_78 = arith.constant 32 : index
    %swap3A_79 = tpu.vector_load %arg6[%swap3A_78] {strides = array<i32>} : memref<128xi32, #tpu.memory_space<vmem>>, vector<16xi32>,
    tpu.vector_store %arg6[%swap3A_78], %gather3A_77 {strides = array<i32>} : memref<128xi32, #tpu.memory_space<vmem>>, vector<16xi32>,
    %add3A_80 = vector.broadcast %add3A_66 : i32 to vector<16xi32>
    %add3A_81 = arith.addi %add3A_26, %add3A_80 : vector<16xi32>
    %gather3A_82 = tpu.vector_load_idx %arg5[%add3A_81] : memref<13312xi32, #tpu.memory_space<vmem>>[vector<16xi32>], vector<16xi32>,
    %swap3A_83 = arith.constant 48 : index
    %swap3A_84 = tpu.vector_load %arg6[%swap3A_83] {strides = array<i32>} : memref<128xi32, #tpu.memory_space<vmem>>, vector<16xi32>,
    tpu.vector_store %arg6[%swap3A_83], %gather3A_82 {strides = array<i32>} : memref<128xi32, #tpu.memory_space<vmem>>, vector<16xi32>,
    %add3A_85 = vector.broadcast %add3A_66 : i32 to vector<16xi32>
    %add3A_86 = arith.addi %add3A_32, %add3A_85 : vector<16xi32>
    %gather3A_87 = tpu.vector_load_idx %arg5[%add3A_86] : memref<13312xi32, #tpu.memory_space<vmem>>[vector<16xi32>], vector<16xi32>,
    %swap3A_88 = arith.constant 64 : index
    %swap3A_89 = tpu.vector_load %arg6[%swap3A_88] {strides = array<i32>} : memref<128xi32, #tpu.memory_space<vmem>>, vector<16xi32>,
    tpu.vector_store %arg6[%swap3A_88], %gather3A_87 {strides = array<i32>} : memref<128xi32, #tpu.memory_space<vmem>>, vector<16xi32>,
    %add3A_90 = vector.broadcast %add3A_66 : i32 to vector<16xi32>
    %add3A_91 = arith.addi %add3A_38, %add3A_90 : vector<16xi32>
    %gather3A_92 = tpu.vector_load_idx %arg5[%add3A_91] : memref<13312xi32, #tpu.memory_space<vmem>>[vector<16xi32>], vector<16xi32>,
    %swap3A_93 = arith.constant 80 : index
    %swap3A_94 = tpu.vector_load %arg6[%swap3A_93] {strides = array<i32>} : memref<128xi32, #tpu.memory_space<vmem>>, vector<16xi32>,
    tpu.vector_store %arg6[%swap3A_93], %gather3A_92 {strides = array<i32>} : memref<128xi32, #tpu.memory_space<vmem>>, vector<16xi32>,
    %add3A_95 = vector.broadcast %add3A_66 : i32 to vector<16xi32>
    %add3A_96 = arith.addi %add3A_44, %add3A_95 : vector<16xi32>
    %gather3A_97 = tpu.vector_load_idx %arg5[%add3A_96] : memref<13312xi32, #tpu.memory_space<vmem>>[vector<16xi32>], vector<16xi32>,
    %swap3A_98 = arith.constant 96 : index
    %swap3A_99 = tpu.vector_load %arg6[%swap3A_98] {strides = array<i32>} : memref<128xi32, #tpu.memory_space<vmem>>, vector<16xi32>,
    tpu.vector_store %arg6[%swap3A_98], %gather3A_97 {strides = array<i32>} : memref<128xi32, #tpu.memory_space<vmem>>, vector<16xi32>,
    %add3A_100 = vector.broadcast %add3A_66 : i32 to vector<16xi32>
    %add3A_101 = arith.addi %add3A_50, %add3A_100 : vector<16xi32>
    %gather3A_102 = tpu.vector_load_idx %arg5[%add3A_101] : memref<13312xi32, #tpu.memory_space<vmem>>[vector<16xi32>], vector<16xi32>,
    %swap3A_103 = arith.constant 112 : index
    %swap3A_104 = tpu.vector_load %arg6[%swap3A_103] {strides = array<i32>} : memref<128xi32, #tpu.memory_space<vmem>>, vector<16xi32>,
    tpu.vector_store %arg6[%swap3A_103], %gather3A_102 {strides = array<i32>} : memref<128xi32, #tpu.memory_space<vmem>>, vector<16xi32>,
    %dma_start3A = arith.constant 0 : i32
    %dma_start3A_105 = arith.constant 0 : i32
    %dma_start3A_106 = tpu.memref_slice %arg2[%dma_start3A, %dma_start3A_105] : memref<1000000x128xf32, #tpu.memory_space<hbm>> -> memref<1000000x128xf32, #tpu.memory_space<hbm>>
    tpu.enqueue_indirect_dma source(%dma_start3A_106 : memref<1000000x128xf32, #tpu.memory_space<hbm>>) target(%arg8 : memref<128x128xf32, #tpu.memory_space<vmem>>) offsets(%arg6 : memref<128xi32, #tpu.memory_space<vmem>>) semaphore(%arg12 : memref<!tpu.dma_semaphore, #tpu.memory_space<semaphore_mem>>)
    %rem3A_107 = arith.constant 1 : i32
    %rem3A_108 = arith.constant 26 : i32
    %rem3A_109 = arith.remsi %rem3A_107, %rem3A_108 : i32
    %add3A_110 = arith.constant 0 : i32
    %add3A_111 = arith.addi %add3A_110, %rem3A_109 : i32
    %add3A_112 = vector.broadcast %add3A_111 : i32 to vector<16xi32>
    %add3A_113 = arith.addi %add3A_8, %add3A_112 : vector<16xi32>
    %gather3A_114 = tpu.vector_load_idx %arg5[%add3A_113] : memref<13312xi32, #tpu.memory_space<vmem>>[vector<16xi32>], vector<16xi32>,
    %swap3A_115 = arith.constant 0 : index
    %swap3A_116 = tpu.vector_load %arg7[%swap3A_115] {strides = array<i32>} : memref<128xi32, #tpu.memory_space<vmem>>, vector<16xi32>,
    tpu.vector_store %arg7[%swap3A_115], %gather3A_114 {strides = array<i32>} : memref<128xi32, #tpu.memory_space<vmem>>, vector<16xi32>,
    %add3A_117 = vector.broadcast %add3A_111 : i32 to vector<16xi32>
    %add3A_118 = arith.addi %add3A_14, %add3A_117 : vector<16xi32>
    %gather3A_119 = tpu.vector_load_idx %arg5[%add3A_118] : memref<13312xi32, #tpu.memory_space<vmem>>[vector<16xi32>], vector<16xi32>,
    %swap3A_120 = arith.constant 16 : index
    %swap3A_121 = tpu.vector_load %arg7[%swap3A_120] {strides = array<i32>} : memref<128xi32, #tpu.memory_space<vmem>>, vector<16xi32>,
    tpu.vector_store %arg7[%swap3A_120], %gather3A_119 {strides = array<i32>} : memref<128xi32, #tpu.memory_space<vmem>>, vector<16xi32>,
    %add3A_122 = vector.broadcast %add3A_111 : i32 to vector<16xi32>
    %add3A_123 = arith.addi %add3A_20, %add3A_122 : vector<16xi32>
    %gather3A_124 = tpu.vector_load_idx %arg5[%add3A_123] : memref<13312xi32, #tpu.memory_space<vmem>>[vector<16xi32>], vector<16xi32>,
    %swap3A_125 = arith.constant 32 : index
    %swap3A_126 = tpu.vector_load %arg7[%swap3A_125] {strides = array<i32>} : memref<128xi32, #tpu.memory_space<vmem>>, vector<16xi32>,
    tpu.vector_store %arg7[%swap3A_125], %gather3A_124 {strides = array<i32>} : memref<128xi32, #tpu.memory_space<vmem>>, vector<16xi32>,
    %add3A_127 = vector.broadcast %add3A_111 : i32 to vector<16xi32>
    %add3A_128 = arith.addi %add3A_26, %add3A_127 : vector<16xi32>
    %gather3A_129 = tpu.vector_load_idx %arg5[%add3A_128] : memref<13312xi32, #tpu.memory_space<vmem>>[vector<16xi32>], vector<16xi32>,
    %swap3A_130 = arith.constant 48 : index
    %swap3A_131 = tpu.vector_load %arg7[%swap3A_130] {strides = array<i32>} : memref<128xi32, #tpu.memory_space<vmem>>, vector<16xi32>,
    tpu.vector_store %arg7[%swap3A_130], %gather3A_129 {strides = array<i32>} : memref<128xi32, #tpu.memory_space<vmem>>, vector<16xi32>,
    %add3A_132 = vector.broadcast %add3A_111 : i32 to vector<16xi32>
    %add3A_133 = arith.addi %add3A_32, %add3A_132 : vector<16xi32>
    %gather3A_134 = tpu.vector_load_idx %arg5[%add3A_133] : memref<13312xi32, #tpu.memory_space<vmem>>[vector<16xi32>], vector<16xi32>,
    %swap3A_135 = arith.constant 64 : index
    %swap3A_136 = tpu.vector_load %arg7[%swap3A_135] {strides = array<i32>} : memref<128xi32, #tpu.memory_space<vmem>>, vector<16xi32>,
    tpu.vector_store %arg7[%swap3A_135], %gather3A_134 {strides = array<i32>} : memref<128xi32, #tpu.memory_space<vmem>>, vector<16xi32>,
    %add3A_137 = vector.broadcast %add3A_111 : i32 to vector<16xi32>
    %add3A_138 = arith.addi %add3A_38, %add3A_137 : vector<16xi32>
    %gather3A_139 = tpu.vector_load_idx %arg5[%add3A_138] : memref<13312xi32, #tpu.memory_space<vmem>>[vector<16xi32>], vector<16xi32>,
    %swap3A_140 = arith.constant 80 : index
    %swap3A_141 = tpu.vector_load %arg7[%swap3A_140] {strides = array<i32>} : memref<128xi32, #tpu.memory_space<vmem>>, vector<16xi32>,
    tpu.vector_store %arg7[%swap3A_140], %gather3A_139 {strides = array<i32>} : memref<128xi32, #tpu.memory_space<vmem>>, vector<16xi32>,
    %add3A_142 = vector.broadcast %add3A_111 : i32 to vector<16xi32>
    %add3A_143 = arith.addi %add3A_44, %add3A_142 : vector<16xi32>
    %gather3A_144 = tpu.vector_load_idx %arg5[%add3A_143] : memref<13312xi32, #tpu.memory_space<vmem>>[vector<16xi32>], vector<16xi32>,
    %swap3A_145 = arith.constant 96 : index
    %swap3A_146 = tpu.vector_load %arg7[%swap3A_145] {strides = array<i32>} : memref<128xi32, #tpu.memory_space<vmem>>, vector<16xi32>,
    tpu.vector_store %arg7[%swap3A_145], %gather3A_144 {strides = array<i32>} : memref<128xi32, #tpu.memory_space<vmem>>, vector<16xi32>,
    %add3A_147 = vector.broadcast %add3A_111 : i32 to vector<16xi32>
    %add3A_148 = arith.addi %add3A_50, %add3A_147 : vector<16xi32>
    %gather3A_149 = tpu.vector_load_idx %arg5[%add3A_148] : memref<13312xi32, #tpu.memory_space<vmem>>[vector<16xi32>], vector<16xi32>,
    %swap3A_150 = arith.constant 112 : index
    %swap3A_151 = tpu.vector_load %arg7[%swap3A_150] {strides = array<i32>} : memref<128xi32, #tpu.memory_space<vmem>>, vector<16xi32>,
    tpu.vector_store %arg7[%swap3A_150], %gather3A_149 {strides = array<i32>} : memref<128xi32, #tpu.memory_space<vmem>>, vector<16xi32>,
    %dma_start3A_152 = arith.constant 0 : i32
    %dma_start3A_153 = arith.constant 0 : i32
    %dma_start3A_154 = tpu.memref_slice %arg2[%dma_start3A_152, %dma_start3A_153] : memref<1000000x128xf32, #tpu.memory_space<hbm>> -> memref<1000000x128xf32, #tpu.memory_space<hbm>>
    tpu.enqueue_indirect_dma source(%dma_start3A_154 : memref<1000000x128xf32, #tpu.memory_space<hbm>>) target(%arg9 : memref<128x128xf32, #tpu.memory_space<vmem>>) offsets(%arg7 : memref<128xi32, #tpu.memory_space<vmem>>) semaphore(%arg13 : memref<!tpu.dma_semaphore, #tpu.memory_space<semaphore_mem>>)
    %dma_wait3A = arith.constant 0 : i32
    %dma_wait3A_155 = arith.constant 0 : i32
    %dma_wait3A_156 = tpu.memref_slice %arg2[%dma_wait3A, %dma_wait3A_155] : memref<1000000x128xf32, #tpu.memory_space<hbm>> -> memref<128x128xf32, #tpu.memory_space<hbm>>
    %dma_wait3A_157 = arith.constant 0 : i32
    %dma_wait3A_158 = arith.constant 0 : i32
    %dma_wait3A_159 = tpu.memref_slice %arg2[%dma_wait3A_157, %dma_wait3A_158] : memref<1000000x128xf32, #tpu.memory_space<hbm>> -> memref<128x128xf32, #tpu.memory_space<hbm>>
    tpu.wait_dma2 semaphore(%arg12 : memref<!tpu.dma_semaphore, #tpu.memory_space<semaphore_mem>>) src(%dma_wait3A_159 : memref<128x128xf32, #tpu.memory_space<hbm>>) dst(%arg8 : memref<128x128xf32, #tpu.memory_space<vmem>>)
    %scan3A = arith.constant 0 : i32
    %scan3A_160 = arith.constant 0 : i32
    %scan3A_161 = arith.constant 32 : i32
    %scan3A_162 = arith.addi %scan3A_160, %scan3A_161 : i32
    %scan3A_163 = arith.constant 1 : i32
    scf.for %scan3A_407 = %scan3A_160 to %scan3A_162 step %scan3A_163  : i32 {
      %mul3A_408 = arith.constant 4 : i32
      %mul3A_409 = arith.muli %scan3A_407, %mul3A_408 : i32
      %add3A_410 = arith.constant 0 : i32
      %add3A_411 = arith.addi %mul3A_409, %add3A_410 : i32
      %broadcast_in_dim3A = vector.broadcast %add3A_411 : i32 to vector<16xi32>
      %get3A = arith.index_cast %add3A_411 : i32 to index
      %get3A_412 = arith.constant 0 : index
      %get3A_413 = tpu.vector_load %arg8[%get3A, %get3A_412] {strides = array<i32>} : memref<128x128xf32, #tpu.memory_space<vmem>>, vector<16xf32>,
      tpu.vector_store_idx %arg10[%add3A_53, %broadcast_in_dim3A], %get3A_413 : memref<64x128xf32, #tpu.memory_space<vmem>>[vector<16xi32>, vector<16xi32>], vector<16xf32>,
      %get3A_414 = arith.index_cast %add3A_411 : i32 to index
      %get3A_415 = arith.constant 16 : index
      %get3A_416 = tpu.vector_load %arg8[%get3A_414, %get3A_415] {strides = array<i32>} : memref<128x128xf32, #tpu.memory_space<vmem>>, vector<16xf32>,
      tpu.vector_store_idx %arg10[%add3A_56, %broadcast_in_dim3A], %get3A_416 : memref<64x128xf32, #tpu.memory_space<vmem>>[vector<16xi32>, vector<16xi32>], vector<16xf32>,
      %get3A_417 = arith.index_cast %add3A_411 : i32 to index
      %get3A_418 = arith.constant 32 : index
      %get3A_419 = tpu.vector_load %arg8[%get3A_417, %get3A_418] {strides = array<i32>} : memref<128x128xf32, #tpu.memory_space<vmem>>, vector<16xf32>,
      tpu.vector_store_idx %arg10[%add3A_59, %broadcast_in_dim3A], %get3A_419 : memref<64x128xf32, #tpu.memory_space<vmem>>[vector<16xi32>, vector<16xi32>], vector<16xf32>,
      %get3A_420 = arith.index_cast %add3A_411 : i32 to index
      %get3A_421 = arith.constant 48 : index
      %get3A_422 = tpu.vector_load %arg8[%get3A_420, %get3A_421] {strides = array<i32>} : memref<128x128xf32, #tpu.memory_space<vmem>>, vector<16xf32>,
      tpu.vector_store_idx %arg10[%add3A_62, %broadcast_in_dim3A], %get3A_422 : memref<64x128xf32, #tpu.memory_space<vmem>>[vector<16xi32>, vector<16xi32>], vector<16xf32>,
      %mul3A_423 = arith.constant 4 : i32
      %mul3A_424 = arith.muli %scan3A_407, %mul3A_423 : i32
      %add3A_425 = arith.constant 1 : i32
      %add3A_426 = arith.addi %mul3A_424, %add3A_425 : i32
      %broadcast_in_dim3A_427 = vector.broadcast %add3A_426 : i32 to vector<16xi32>
      %get3A_428 = arith.index_cast %add3A_426 : i32 to index
      %get3A_429 = arith.constant 0 : index
      %get3A_430 = tpu.vector_load %arg8[%get3A_428, %get3A_429] {strides = array<i32>} : memref<128x128xf32, #tpu.memory_space<vmem>>, vector<16xf32>,
      tpu.vector_store_idx %arg10[%add3A_53, %broadcast_in_dim3A_427], %get3A_430 : memref<64x128xf32, #tpu.memory_space<vmem>>[vector<16xi32>, vector<16xi32>], vector<16xf32>,
      %get3A_431 = arith.index_cast %add3A_426 : i32 to index
      %get3A_432 = arith.constant 16 : index
      %get3A_433 = tpu.vector_load %arg8[%get3A_431, %get3A_432] {strides = array<i32>} : memref<128x128xf32, #tpu.memory_space<vmem>>, vector<16xf32>,
      tpu.vector_store_idx %arg10[%add3A_56, %broadcast_in_dim3A_427], %get3A_433 : memref<64x128xf32, #tpu.memory_space<vmem>>[vector<16xi32>, vector<16xi32>], vector<16xf32>,
      %get3A_434 = arith.index_cast %add3A_426 : i32 to index
      %get3A_435 = arith.constant 32 : index
      %get3A_436 = tpu.vector_load %arg8[%get3A_434, %get3A_435] {strides = array<i32>} : memref<128x128xf32, #tpu.memory_space<vmem>>, vector<16xf32>,
      tpu.vector_store_idx %arg10[%add3A_59, %broadcast_in_dim3A_427], %get3A_436 : memref<64x128xf32, #tpu.memory_space<vmem>>[vector<16xi32>, vector<16xi32>], vector<16xf32>,
      %get3A_437 = arith.index_cast %add3A_426 : i32 to index
      %get3A_438 = arith.constant 48 : index
      %get3A_439 = tpu.vector_load %arg8[%get3A_437, %get3A_438] {strides = array<i32>} : memref<128x128xf32, #tpu.memory_space<vmem>>, vector<16xf32>,
      tpu.vector_store_idx %arg10[%add3A_62, %broadcast_in_dim3A_427], %get3A_439 : memref<64x128xf32, #tpu.memory_space<vmem>>[vector<16xi32>, vector<16xi32>], vector<16xf32>,
      %mul3A_440 = arith.constant 4 : i32
      %mul3A_441 = arith.muli %scan3A_407, %mul3A_440 : i32
      %add3A_442 = arith.constant 2 : i32
      %add3A_443 = arith.addi %mul3A_441, %add3A_442 : i32
      %broadcast_in_dim3A_444 = vector.broadcast %add3A_443 : i32 to vector<16xi32>
      %get3A_445 = arith.index_cast %add3A_443 : i32 to index
      %get3A_446 = arith.constant 0 : index
      %get3A_447 = tpu.vector_load %arg8[%get3A_445, %get3A_446] {strides = array<i32>} : memref<128x128xf32, #tpu.memory_space<vmem>>, vector<16xf32>,
      tpu.vector_store_idx %arg10[%add3A_53, %broadcast_in_dim3A_444], %get3A_447 : memref<64x128xf32, #tpu.memory_space<vmem>>[vector<16xi32>, vector<16xi32>], vector<16xf32>,
      %get3A_448 = arith.index_cast %add3A_443 : i32 to index
      %get3A_449 = arith.constant 16 : index
      %get3A_450 = tpu.vector_load %arg8[%get3A_448, %get3A_449] {strides = array<i32>} : memref<128x128xf32, #tpu.memory_space<vmem>>, vector<16xf32>,
      tpu.vector_store_idx %arg10[%add3A_56, %broadcast_in_dim3A_444], %get3A_450 : memref<64x128xf32, #tpu.memory_space<vmem>>[vector<16xi32>, vector<16xi32>], vector<16xf32>,
      %get3A_451 = arith.index_cast %add3A_443 : i32 to index
      %get3A_452 = arith.constant 32 : index
      %get3A_453 = tpu.vector_load %arg8[%get3A_451, %get3A_452] {strides = array<i32>} : memref<128x128xf32, #tpu.memory_space<vmem>>, vector<16xf32>,
      tpu.vector_store_idx %arg10[%add3A_59, %broadcast_in_dim3A_444], %get3A_453 : memref<64x128xf32, #tpu.memory_space<vmem>>[vector<16xi32>, vector<16xi32>], vector<16xf32>,
      %get3A_454 = arith.index_cast %add3A_443 : i32 to index
      %get3A_455 = arith.constant 48 : index
      %get3A_456 = tpu.vector_load %arg8[%get3A_454, %get3A_455] {strides = array<i32>} : memref<128x128xf32, #tpu.memory_space<vmem>>, vector<16xf32>,
      tpu.vector_store_idx %arg10[%add3A_62, %broadcast_in_dim3A_444], %get3A_456 : memref<64x128xf32, #tpu.memory_space<vmem>>[vector<16xi32>, vector<16xi32>], vector<16xf32>,
      %mul3A_457 = arith.constant 4 : i32
      %mul3A_458 = arith.muli %scan3A_407, %mul3A_457 : i32
      %add3A_459 = arith.constant 3 : i32
      %add3A_460 = arith.addi %mul3A_458, %add3A_459 : i32
      %broadcast_in_dim3A_461 = vector.broadcast %add3A_460 : i32 to vector<16xi32>
      %get3A_462 = arith.index_cast %add3A_460 : i32 to index
      %get3A_463 = arith.constant 0 : index
      %get3A_464 = tpu.vector_load %arg8[%get3A_462, %get3A_463] {strides = array<i32>} : memref<128x128xf32, #tpu.memory_space<vmem>>, vector<16xf32>,
      tpu.vector_store_idx %arg10[%add3A_53, %broadcast_in_dim3A_461], %get3A_464 : memref<64x128xf32, #tpu.memory_space<vmem>>[vector<16xi32>, vector<16xi32>], vector<16xf32>,
      %get3A_465 = arith.index_cast %add3A_460 : i32 to index
      %get3A_466 = arith.constant 16 : index
      %get3A_467 = tpu.vector_load %arg8[%get3A_465, %get3A_466] {strides = array<i32>} : memref<128x128xf32, #tpu.memory_space<vmem>>, vector<16xf32>,
      tpu.vector_store_idx %arg10[%add3A_56, %broadcast_in_dim3A_461], %get3A_467 : memref<64x128xf32, #tpu.memory_space<vmem>>[vector<16xi32>, vector<16xi32>], vector<16xf32>,
      %get3A_468 = arith.index_cast %add3A_460 : i32 to index
      %get3A_469 = arith.constant 32 : index
      %get3A_470 = tpu.vector_load %arg8[%get3A_468, %get3A_469] {strides = array<i32>} : memref<128x128xf32, #tpu.memory_space<vmem>>, vector<16xf32>,
      tpu.vector_store_idx %arg10[%add3A_59, %broadcast_in_dim3A_461], %get3A_470 : memref<64x128xf32, #tpu.memory_space<vmem>>[vector<16xi32>, vector<16xi32>], vector<16xf32>,
      %get3A_471 = arith.index_cast %add3A_460 : i32 to index
      %get3A_472 = arith.constant 48 : index
      %get3A_473 = tpu.vector_load %arg8[%get3A_471, %get3A_472] {strides = array<i32>} : memref<128x128xf32, #tpu.memory_space<vmem>>, vector<16xf32>,
      tpu.vector_store_idx %arg10[%add3A_62, %broadcast_in_dim3A_461], %get3A_473 : memref<64x128xf32, #tpu.memory_space<vmem>>[vector<16xi32>, vector<16xi32>], vector<16xf32>,
    }
    %scan3A_164 = arith.constant 32 : i32
    %rem3A_165 = arith.constant 0 : i32
    %rem3A_166 = arith.constant 26 : i32
    %rem3A_167 = arith.remsi %rem3A_165, %rem3A_166 : i32
    %mul3A_168 = arith.constant 512 : i32
    %mul3A_169 = arith.muli %add3A, %mul3A_168 : i32
    %add3A_170 = arith.constant 0 : i32
    %add3A_171 = arith.addi %mul3A_169, %add3A_170 : i32
    %dma_start3A_172 = arith.constant 0 : i32
    %dma_start3A_173 = tpu.memref_slice %arg4[%rem3A_167, %dma_start3A_172, %add3A_171] : memref<26x64x16384xf32, #tpu.memory_space<hbm>> -> memref<1x64x128xf32, #tpu.memory_space<hbm>>
    %dma_start3A_174 = tpu.memref_squeeze %dma_start3A_173 : memref<1x64x128xf32, #tpu.memory_space<hbm>> -> memref<64x128xf32, #tpu.memory_space<hbm>>
    %dma_start3A_175 = arith.constant 0 : i32
    %dma_start3A_176 = tpu.memref_slice %arg4[%rem3A_167, %dma_start3A_175, %add3A_171] : memref<26x64x16384xf32, #tpu.memory_space<hbm>> -> memref<1x64x128xf32, #tpu.memory_space<hbm>>
    %dma_start3A_177 = tpu.memref_squeeze %dma_start3A_176 : memref<1x64x128xf32, #tpu.memory_space<hbm>> -> memref<64x128xf32, #tpu.memory_space<hbm>>
    tpu.enqueue_dma source(%arg10 : memref<64x128xf32, #tpu.memory_space<vmem>>) target(%dma_start3A_177 : memref<64x128xf32, #tpu.memory_space<hbm>>) target_semaphore(%arg14 : memref<!tpu.dma_semaphore, #tpu.memory_space<semaphore_mem>>)
    %rem3A_178 = arith.constant 2 : i32
    %rem3A_179 = arith.constant 26 : i32
    %rem3A_180 = arith.remsi %rem3A_178, %rem3A_179 : i32
    %add3A_181 = arith.constant 0 : i32
    %add3A_182 = arith.addi %add3A_181, %rem3A_180 : i32
    %add3A_183 = vector.broadcast %add3A_182 : i32 to vector<16xi32>
    %add3A_184 = arith.addi %add3A_8, %add3A_183 : vector<16xi32>
    %gather3A_185 = tpu.vector_load_idx %arg5[%add3A_184] : memref<13312xi32, #tpu.memory_space<vmem>>[vector<16xi32>], vector<16xi32>,
    %swap3A_186 = arith.constant 0 : index
    %swap3A_187 = tpu.vector_load %arg6[%swap3A_186] {strides = array<i32>} : memref<128xi32, #tpu.memory_space<vmem>>, vector<16xi32>,
    tpu.vector_store %arg6[%swap3A_186], %gather3A_185 {strides = array<i32>} : memref<128xi32, #tpu.memory_space<vmem>>, vector<16xi32>,
    %add3A_188 = vector.broadcast %add3A_182 : i32 to vector<16xi32>
    %add3A_189 = arith.addi %add3A_14, %add3A_188 : vector<16xi32>
    %gather3A_190 = tpu.vector_load_idx %arg5[%add3A_189] : memref<13312xi32, #tpu.memory_space<vmem>>[vector<16xi32>], vector<16xi32>,
    %swap3A_191 = arith.constant 16 : index
    %swap3A_192 = tpu.vector_load %arg6[%swap3A_191] {strides = array<i32>} : memref<128xi32, #tpu.memory_space<vmem>>, vector<16xi32>,
    tpu.vector_store %arg6[%swap3A_191], %gather3A_190 {strides = array<i32>} : memref<128xi32, #tpu.memory_space<vmem>>, vector<16xi32>,
    %add3A_193 = vector.broadcast %add3A_182 : i32 to vector<16xi32>
    %add3A_194 = arith.addi %add3A_20, %add3A_193 : vector<16xi32>
    %gather3A_195 = tpu.vector_load_idx %arg5[%add3A_194] : memref<13312xi32, #tpu.memory_space<vmem>>[vector<16xi32>], vector<16xi32>,
    %swap3A_196 = arith.constant 32 : index
    %swap3A_197 = tpu.vector_load %arg6[%swap3A_196] {strides = array<i32>} : memref<128xi32, #tpu.memory_space<vmem>>, vector<16xi32>,
    tpu.vector_store %arg6[%swap3A_196], %gather3A_195 {strides = array<i32>} : memref<128xi32, #tpu.memory_space<vmem>>, vector<16xi32>,
    %add3A_198 = vector.broadcast %add3A_182 : i32 to vector<16xi32>
    %add3A_199 = arith.addi %add3A_26, %add3A_198 : vector<16xi32>
    %gather3A_200 = tpu.vector_load_idx %arg5[%add3A_199] : memref<13312xi32, #tpu.memory_space<vmem>>[vector<16xi32>], vector<16xi32>,
    %swap3A_201 = arith.constant 48 : index
    %swap3A_202 = tpu.vector_load %arg6[%swap3A_201] {strides = array<i32>} : memref<128xi32, #tpu.memory_space<vmem>>, vector<16xi32>,
    tpu.vector_store %arg6[%swap3A_201], %gather3A_200 {strides = array<i32>} : memref<128xi32, #tpu.memory_space<vmem>>, vector<16xi32>,
    %add3A_203 = vector.broadcast %add3A_182 : i32 to vector<16xi32>
    %add3A_204 = arith.addi %add3A_32, %add3A_203 : vector<16xi32>
    %gather3A_205 = tpu.vector_load_idx %arg5[%add3A_204] : memref<13312xi32, #tpu.memory_space<vmem>>[vector<16xi32>], vector<16xi32>,
    %swap3A_206 = arith.constant 64 : index
    %swap3A_207 = tpu.vector_load %arg6[%swap3A_206] {strides = array<i32>} : memref<128xi32, #tpu.memory_space<vmem>>, vector<16xi32>,
    tpu.vector_store %arg6[%swap3A_206], %gather3A_205 {strides = array<i32>} : memref<128xi32, #tpu.memory_space<vmem>>, vector<16xi32>,
    %add3A_208 = vector.broadcast %add3A_182 : i32 to vector<16xi32>
    %add3A_209 = arith.addi %add3A_38, %add3A_208 : vector<16xi32>
    %gather3A_210 = tpu.vector_load_idx %arg5[%add3A_209] : memref<13312xi32, #tpu.memory_space<vmem>>[vector<16xi32>], vector<16xi32>,
    %swap3A_211 = arith.constant 80 : index
    %swap3A_212 = tpu.vector_load %arg6[%swap3A_211] {strides = array<i32>} : memref<128xi32, #tpu.memory_space<vmem>>, vector<16xi32>,
    tpu.vector_store %arg6[%swap3A_211], %gather3A_210 {strides = array<i32>} : memref<128xi32, #tpu.memory_space<vmem>>, vector<16xi32>,
    %add3A_213 = vector.broadcast %add3A_182 : i32 to vector<16xi32>
    %add3A_214 = arith.addi %add3A_44, %add3A_213 : vector<16xi32>
    %gather3A_215 = tpu.vector_load_idx %arg5[%add3A_214] : memref<13312xi32, #tpu.memory_space<vmem>>[vector<16xi32>], vector<16xi32>,
    %swap3A_216 = arith.constant 96 : index
    %swap3A_217 = tpu.vector_load %arg6[%swap3A_216] {strides = array<i32>} : memref<128xi32, #tpu.memory_space<vmem>>, vector<16xi32>,
    tpu.vector_store %arg6[%swap3A_216], %gather3A_215 {strides = array<i32>} : memref<128xi32, #tpu.memory_space<vmem>>, vector<16xi32>,
    %add3A_218 = vector.broadcast %add3A_182 : i32 to vector<16xi32>
    %add3A_219 = arith.addi %add3A_50, %add3A_218 : vector<16xi32>
    %gather3A_220 = tpu.vector_load_idx %arg5[%add3A_219] : memref<13312xi32, #tpu.memory_space<vmem>>[vector<16xi32>], vector<16xi32>,
    %swap3A_221 = arith.constant 112 : index
    %swap3A_222 = tpu.vector_load %arg6[%swap3A_221] {strides = array<i32>} : memref<128xi32, #tpu.memory_space<vmem>>, vector<16xi32>,
    tpu.vector_store %arg6[%swap3A_221], %gather3A_220 {strides = array<i32>} : memref<128xi32, #tpu.memory_space<vmem>>, vector<16xi32>,
    %dma_start3A_223 = arith.constant 0 : i32
    %dma_start3A_224 = arith.constant 0 : i32
    %dma_start3A_225 = tpu.memref_slice %arg2[%dma_start3A_223, %dma_start3A_224] : memref<1000000x128xf32, #tpu.memory_space<hbm>> -> memref<1000000x128xf32, #tpu.memory_space<hbm>>
    tpu.enqueue_indirect_dma source(%dma_start3A_225 : memref<1000000x128xf32, #tpu.memory_space<hbm>>) target(%arg8 : memref<128x128xf32, #tpu.memory_space<vmem>>) offsets(%arg6 : memref<128xi32, #tpu.memory_space<vmem>>) semaphore(%arg12 : memref<!tpu.dma_semaphore, #tpu.memory_space<semaphore_mem>>)
    %dma_wait3A_226 = arith.constant 0 : i32
    %dma_wait3A_227 = arith.constant 0 : i32
    %dma_wait3A_228 = tpu.memref_slice %arg2[%dma_wait3A_226, %dma_wait3A_227] : memref<1000000x128xf32, #tpu.memory_space<hbm>> -> memref<128x128xf32, #tpu.memory_space<hbm>>
    %dma_wait3A_229 = arith.constant 0 : i32
    %dma_wait3A_230 = arith.constant 0 : i32
    %dma_wait3A_231 = tpu.memref_slice %arg2[%dma_wait3A_229, %dma_wait3A_230] : memref<1000000x128xf32, #tpu.memory_space<hbm>> -> memref<128x128xf32, #tpu.memory_space<hbm>>
    tpu.wait_dma2 semaphore(%arg13 : memref<!tpu.dma_semaphore, #tpu.memory_space<semaphore_mem>>) src(%dma_wait3A_231 : memref<128x128xf32, #tpu.memory_space<hbm>>) dst(%arg9 : memref<128x128xf32, #tpu.memory_space<vmem>>)
    %scan3A_232 = arith.constant 0 : i32
    %scan3A_233 = arith.constant 0 : i32
    %scan3A_234 = arith.constant 32 : i32
    %scan3A_235 = arith.addi %scan3A_233, %scan3A_234 : i32
    %scan3A_236 = arith.constant 1 : i32
    scf.for %scan3A_407 = %scan3A_233 to %scan3A_235 step %scan3A_236  : i32 {
      %mul3A_408 = arith.constant 4 : i32
      %mul3A_409 = arith.muli %scan3A_407, %mul3A_408 : i32
      %add3A_410 = arith.constant 0 : i32
      %add3A_411 = arith.addi %mul3A_409, %add3A_410 : i32
      %broadcast_in_dim3A = vector.broadcast %add3A_411 : i32 to vector<16xi32>
      %get3A = arith.index_cast %add3A_411 : i32 to index
      %get3A_412 = arith.constant 0 : index
      %get3A_413 = tpu.vector_load %arg9[%get3A, %get3A_412] {strides = array<i32>} : memref<128x128xf32, #tpu.memory_space<vmem>>, vector<16xf32>,
      tpu.vector_store_idx %arg11[%add3A_53, %broadcast_in_dim3A], %get3A_413 : memref<64x128xf32, #tpu.memory_space<vmem>>[vector<16xi32>, vector<16xi32>], vector<16xf32>,
      %get3A_414 = arith.index_cast %add3A_411 : i32 to index
      %get3A_415 = arith.constant 16 : index
      %get3A_416 = tpu.vector_load %arg9[%get3A_414, %get3A_415] {strides = array<i32>} : memref<128x128xf32, #tpu.memory_space<vmem>>, vector<16xf32>,
      tpu.vector_store_idx %arg11[%add3A_56, %broadcast_in_dim3A], %get3A_416 : memref<64x128xf32, #tpu.memory_space<vmem>>[vector<16xi32>, vector<16xi32>], vector<16xf32>,
      %get3A_417 = arith.index_cast %add3A_411 : i32 to index
      %get3A_418 = arith.constant 32 : index
      %get3A_419 = tpu.vector_load %arg9[%get3A_417, %get3A_418] {strides = array<i32>} : memref<128x128xf32, #tpu.memory_space<vmem>>, vector<16xf32>,
      tpu.vector_store_idx %arg11[%add3A_59, %broadcast_in_dim3A], %get3A_419 : memref<64x128xf32, #tpu.memory_space<vmem>>[vector<16xi32>, vector<16xi32>], vector<16xf32>,
      %get3A_420 = arith.index_cast %add3A_411 : i32 to index
      %get3A_421 = arith.constant 48 : index
      %get3A_422 = tpu.vector_load %arg9[%get3A_420, %get3A_421] {strides = array<i32>} : memref<128x128xf32, #tpu.memory_space<vmem>>, vector<16xf32>,
      tpu.vector_store_idx %arg11[%add3A_62, %broadcast_in_dim3A], %get3A_422 : memref<64x128xf32, #tpu.memory_space<vmem>>[vector<16xi32>, vector<16xi32>], vector<16xf32>,
      %mul3A_423 = arith.constant 4 : i32
      %mul3A_424 = arith.muli %scan3A_407, %mul3A_423 : i32
      %add3A_425 = arith.constant 1 : i32
      %add3A_426 = arith.addi %mul3A_424, %add3A_425 : i32
      %broadcast_in_dim3A_427 = vector.broadcast %add3A_426 : i32 to vector<16xi32>
      %get3A_428 = arith.index_cast %add3A_426 : i32 to index
      %get3A_429 = arith.constant 0 : index
      %get3A_430 = tpu.vector_load %arg9[%get3A_428, %get3A_429] {strides = array<i32>} : memref<128x128xf32, #tpu.memory_space<vmem>>, vector<16xf32>,
      tpu.vector_store_idx %arg11[%add3A_53, %broadcast_in_dim3A_427], %get3A_430 : memref<64x128xf32, #tpu.memory_space<vmem>>[vector<16xi32>, vector<16xi32>], vector<16xf32>,
      %get3A_431 = arith.index_cast %add3A_426 : i32 to index
      %get3A_432 = arith.constant 16 : index
      %get3A_433 = tpu.vector_load %arg9[%get3A_431, %get3A_432] {strides = array<i32>} : memref<128x128xf32, #tpu.memory_space<vmem>>, vector<16xf32>,
      tpu.vector_store_idx %arg11[%add3A_56, %broadcast_in_dim3A_427], %get3A_433 : memref<64x128xf32, #tpu.memory_space<vmem>>[vector<16xi32>, vector<16xi32>], vector<16xf32>,
      %get3A_434 = arith.index_cast %add3A_426 : i32 to index
      %get3A_435 = arith.constant 32 : index
      %get3A_436 = tpu.vector_load %arg9[%get3A_434, %get3A_435] {strides = array<i32>} : memref<128x128xf32, #tpu.memory_space<vmem>>, vector<16xf32>,
      tpu.vector_store_idx %arg11[%add3A_59, %broadcast_in_dim3A_427], %get3A_436 : memref<64x128xf32, #tpu.memory_space<vmem>>[vector<16xi32>, vector<16xi32>], vector<16xf32>,
      %get3A_437 = arith.index_cast %add3A_426 : i32 to index
      %get3A_438 = arith.constant 48 : index
      %get3A_439 = tpu.vector_load %arg9[%get3A_437, %get3A_438] {strides = array<i32>} : memref<128x128xf32, #tpu.memory_space<vmem>>, vector<16xf32>,
      tpu.vector_store_idx %arg11[%add3A_62, %broadcast_in_dim3A_427], %get3A_439 : memref<64x128xf32, #tpu.memory_space<vmem>>[vector<16xi32>, vector<16xi32>], vector<16xf32>,
      %mul3A_440 = arith.constant 4 : i32
      %mul3A_441 = arith.muli %scan3A_407, %mul3A_440 : i32
      %add3A_442 = arith.constant 2 : i32
      %add3A_443 = arith.addi %mul3A_441, %add3A_442 : i32
      %broadcast_in_dim3A_444 = vector.broadcast %add3A_443 : i32 to vector<16xi32>
      %get3A_445 = arith.index_cast %add3A_443 : i32 to index
      %get3A_446 = arith.constant 0 : index
      %get3A_447 = tpu.vector_load %arg9[%get3A_445, %get3A_446] {strides = array<i32>} : memref<128x128xf32, #tpu.memory_space<vmem>>, vector<16xf32>,
      tpu.vector_store_idx %arg11[%add3A_53, %broadcast_in_dim3A_444], %get3A_447 : memref<64x128xf32, #tpu.memory_space<vmem>>[vector<16xi32>, vector<16xi32>], vector<16xf32>,
      %get3A_448 = arith.index_cast %add3A_443 : i32 to index
      %get3A_449 = arith.constant 16 : index
      %get3A_450 = tpu.vector_load %arg9[%get3A_448, %get3A_449] {strides = array<i32>} : memref<128x128xf32, #tpu.memory_space<vmem>>, vector<16xf32>,
      tpu.vector_store_idx %arg11[%add3A_56, %broadcast_in_dim3A_444], %get3A_450 : memref<64x128xf32, #tpu.memory_space<vmem>>[vector<16xi32>, vector<16xi32>], vector<16xf32>,
      %get3A_451 = arith.index_cast %add3A_443 : i32 to index
      %get3A_452 = arith.constant 32 : index
      %get3A_453 = tpu.vector_load %arg9[%get3A_451, %get3A_452] {strides = array<i32>} : memref<128x128xf32, #tpu.memory_space<vmem>>, vector<16xf32>,
      tpu.vector_store_idx %arg11[%add3A_59, %broadcast_in_dim3A_444], %get3A_453 : memref<64x128xf32, #tpu.memory_space<vmem>>[vector<16xi32>, vector<16xi32>], vector<16xf32>,
      %get3A_454 = arith.index_cast %add3A_443 : i32 to index
      %get3A_455 = arith.constant 48 : index
      %get3A_456 = tpu.vector_load %arg9[%get3A_454, %get3A_455] {strides = array<i32>} : memref<128x128xf32, #tpu.memory_space<vmem>>, vector<16xf32>,
      tpu.vector_store_idx %arg11[%add3A_62, %broadcast_in_dim3A_444], %get3A_456 : memref<64x128xf32, #tpu.memory_space<vmem>>[vector<16xi32>, vector<16xi32>], vector<16xf32>,
      %mul3A_457 = arith.constant 4 : i32
      %mul3A_458 = arith.muli %scan3A_407, %mul3A_457 : i32
      %add3A_459 = arith.constant 3 : i32
      %add3A_460 = arith.addi %mul3A_458, %add3A_459 : i32
      %broadcast_in_dim3A_461 = vector.broadcast %add3A_460 : i32 to vector<16xi32>
      %get3A_462 = arith.index_cast %add3A_460 : i32 to index
      %get3A_463 = arith.constant 0 : index
      %get3A_464 = tpu.vector_load %arg9[%get3A_462, %get3A_463] {strides = array<i32>} : memref<128x128xf32, #tpu.memory_space<vmem>>, vector<16xf32>,
      tpu.vector_store_idx %arg11[%add3A_53, %broadcast_in_dim3A_461], %get3A_464 : memref<64x128xf32, #tpu.memory_space<vmem>>[vector<16xi32>, vector<16xi32>], vector<16xf32>,
      %get3A_465 = arith.index_cast %add3A_460 : i32 to index
      %get3A_466 = arith.constant 16 : index
      %get3A_467 = tpu.vector_load %arg9[%get3A_465, %get3A_466] {strides = array<i32>} : memref<128x128xf32, #tpu.memory_space<vmem>>, vector<16xf32>,
      tpu.vector_store_idx %arg11[%add3A_56, %broadcast_in_dim3A_461], %get3A_467 : memref<64x128xf32, #tpu.memory_space<vmem>>[vector<16xi32>, vector<16xi32>], vector<16xf32>,
      %get3A_468 = arith.index_cast %add3A_460 : i32 to index
      %get3A_469 = arith.constant 32 : index
      %get3A_470 = tpu.vector_load %arg9[%get3A_468, %get3A_469] {strides = array<i32>} : memref<128x128xf32, #tpu.memory_space<vmem>>, vector<16xf32>,
      tpu.vector_store_idx %arg11[%add3A_59, %broadcast_in_dim3A_461], %get3A_470 : memref<64x128xf32, #tpu.memory_space<vmem>>[vector<16xi32>, vector<16xi32>], vector<16xf32>,
      %get3A_471 = arith.index_cast %add3A_460 : i32 to index
      %get3A_472 = arith.constant 48 : index
      %get3A_473 = tpu.vector_load %arg9[%get3A_471, %get3A_472] {strides = array<i32>} : memref<128x128xf32, #tpu.memory_space<vmem>>, vector<16xf32>,
      tpu.vector_store_idx %arg11[%add3A_62, %broadcast_in_dim3A_461], %get3A_473 : memref<64x128xf32, #tpu.memory_space<vmem>>[vector<16xi32>, vector<16xi32>], vector<16xf32>,
    }
    %scan3A_237 = arith.constant 32 : i32
    %rem3A_238 = arith.constant 1 : i32
    %rem3A_239 = arith.constant 26 : i32
    %rem3A_240 = arith.remsi %rem3A_238, %rem3A_239 : i32
    %mul3A_241 = arith.constant 512 : i32
    %mul3A_242 = arith.muli %add3A, %mul3A_241 : i32
    %add3A_243 = arith.constant 0 : i32
    %add3A_244 = arith.addi %mul3A_242, %add3A_243 : i32
    %dma_start3A_245 = arith.constant 0 : i32
    %dma_start3A_246 = tpu.memref_slice %arg4[%rem3A_240, %dma_start3A_245, %add3A_244] : memref<26x64x16384xf32, #tpu.memory_space<hbm>> -> memref<1x64x128xf32, #tpu.memory_space<hbm>>
    %dma_start3A_247 = tpu.memref_squeeze %dma_start3A_246 : memref<1x64x128xf32, #tpu.memory_space<hbm>> -> memref<64x128xf32, #tpu.memory_space<hbm>>
    %dma_start3A_248 = arith.constant 0 : i32
    %dma_start3A_249 = tpu.memref_slice %arg4[%rem3A_240, %dma_start3A_248, %add3A_244] : memref<26x64x16384xf32, #tpu.memory_space<hbm>> -> memref<1x64x128xf32, #tpu.memory_space<hbm>>
    %dma_start3A_250 = tpu.memref_squeeze %dma_start3A_249 : memref<1x64x128xf32, #tpu.memory_space<hbm>> -> memref<64x128xf32, #tpu.memory_space<hbm>>
    tpu.enqueue_dma source(%arg11 : memref<64x128xf32, #tpu.memory_space<vmem>>) target(%dma_start3A_250 : memref<64x128xf32, #tpu.memory_space<hbm>>) target_semaphore(%arg15 : memref<!tpu.dma_semaphore, #tpu.memory_space<semaphore_mem>>)
    %rem3A_251 = arith.constant 3 : i32
    %rem3A_252 = arith.constant 26 : i32
    %rem3A_253 = arith.remsi %rem3A_251, %rem3A_252 : i32
    %add3A_254 = arith.constant 0 : i32
    %add3A_255 = arith.addi %add3A_254, %rem3A_253 : i32
    %add3A_256 = vector.broadcast %add3A_255 : i32 to vector<16xi32>
    %add3A_257 = arith.addi %add3A_8, %add3A_256 : vector<16xi32>
    %gather3A_258 = tpu.vector_load_idx %arg5[%add3A_257] : memref<13312xi32, #tpu.memory_space<vmem>>[vector<16xi32>], vector<16xi32>,
    %swap3A_259 = arith.constant 0 : index
    %swap3A_260 = tpu.vector_load %arg7[%swap3A_259] {strides = array<i32>} : memref<128xi32, #tpu.memory_space<vmem>>, vector<16xi32>,
    tpu.vector_store %arg7[%swap3A_259], %gather3A_258 {strides = array<i32>} : memref<128xi32, #tpu.memory_space<vmem>>, vector<16xi32>,
    %add3A_261 = vector.broadcast %add3A_255 : i32 to vector<16xi32>
    %add3A_262 = arith.addi %add3A_14, %add3A_261 : vector<16xi32>
    %gather3A_263 = tpu.vector_load_idx %arg5[%add3A_262] : memref<13312xi32, #tpu.memory_space<vmem>>[vector<16xi32>], vector<16xi32>,
    %swap3A_264 = arith.constant 16 : index
    %swap3A_265 = tpu.vector_load %arg7[%swap3A_264] {strides = array<i32>} : memref<128xi32, #tpu.memory_space<vmem>>, vector<16xi32>,
    tpu.vector_store %arg7[%swap3A_264], %gather3A_263 {strides = array<i32>} : memref<128xi32, #tpu.memory_space<vmem>>, vector<16xi32>,
    %add3A_266 = vector.broadcast %add3A_255 : i32 to vector<16xi32>
    %add3A_267 = arith.addi %add3A_20, %add3A_266 : vector<16xi32>
    %gather3A_268 = tpu.vector_load_idx %arg5[%add3A_267] : memref<13312xi32, #tpu.memory_space<vmem>>[vector<16xi32>], vector<16xi32>,
    %swap3A_269 = arith.constant 32 : index
    %swap3A_270 = tpu.vector_load %arg7[%swap3A_269] {strides = array<i32>} : memref<128xi32, #tpu.memory_space<vmem>>, vector<16xi32>,
    tpu.vector_store %arg7[%swap3A_269], %gather3A_268 {strides = array<i32>} : memref<128xi32, #tpu.memory_space<vmem>>, vector<16xi32>,
    %add3A_271 = vector.broadcast %add3A_255 : i32 to vector<16xi32>
    %add3A_272 = arith.addi %add3A_26, %add3A_271 : vector<16xi32>
    %gather3A_273 = tpu.vector_load_idx %arg5[%add3A_272] : memref<13312xi32, #tpu.memory_space<vmem>>[vector<16xi32>], vector<16xi32>,
    %swap3A_274 = arith.constant 48 : index
    %swap3A_275 = tpu.vector_load %arg7[%swap3A_274] {strides = array<i32>} : memref<128xi32, #tpu.memory_space<vmem>>, vector<16xi32>,
    tpu.vector_store %arg7[%swap3A_274], %gather3A_273 {strides = array<i32>} : memref<128xi32, #tpu.memory_space<vmem>>, vector<16xi32>,
    %add3A_276 = vector.broadcast %add3A_255 : i32 to vector<16xi32>
    %add3A_277 = arith.addi %add3A_32, %add3A_276 : vector<16xi32>
    %gather3A_278 = tpu.vector_load_idx %arg5[%add3A_277] : memref<13312xi32, #tpu.memory_space<vmem>>[vector<16xi32>], vector<16xi32>,
    %swap3A_279 = arith.constant 64 : index
    %swap3A_280 = tpu.vector_load %arg7[%swap3A_279] {strides = array<i32>} : memref<128xi32, #tpu.memory_space<vmem>>, vector<16xi32>,
    tpu.vector_store %arg7[%swap3A_279], %gather3A_278 {strides = array<i32>} : memref<128xi32, #tpu.memory_space<vmem>>, vector<16xi32>,
    %add3A_281 = vector.broadcast %add3A_255 : i32 to vector<16xi32>
    %add3A_282 = arith.addi %add3A_38, %add3A_281 : vector<16xi32>
    %gather3A_283 = tpu.vector_load_idx %arg5[%add3A_282] : memref<13312xi32, #tpu.memory_space<vmem>>[vector<16xi32>], vector<16xi32>,
    %swap3A_284 = arith.constant 80 : index
    %swap3A_285 = tpu.vector_load %arg7[%swap3A_284] {strides = array<i32>} : memref<128xi32, #tpu.memory_space<vmem>>, vector<16xi32>,
    tpu.vector_store %arg7[%swap3A_284], %gather3A_283 {strides = array<i32>} : memref<128xi32, #tpu.memory_space<vmem>>, vector<16xi32>,
    %add3A_286 = vector.broadcast %add3A_255 : i32 to vector<16xi32>
    %add3A_287 = arith.addi %add3A_44, %add3A_286 : vector<16xi32>
    %gather3A_288 = tpu.vector_load_idx %arg5[%add3A_287] : memref<13312xi32, #tpu.memory_space<vmem>>[vector<16xi32>], vector<16xi32>,
    %swap3A_289 = arith.constant 96 : index
    %swap3A_290 = tpu.vector_load %arg7[%swap3A_289] {strides = array<i32>} : memref<128xi32, #tpu.memory_space<vmem>>, vector<16xi32>,
    tpu.vector_store %arg7[%swap3A_289], %gather3A_288 {strides = array<i32>} : memref<128xi32, #tpu.memory_space<vmem>>, vector<16xi32>,
    %add3A_291 = vector.broadcast %add3A_255 : i32 to vector<16xi32>
    %add3A_292 = arith.addi %add3A_50, %add3A_291 : vector<16xi32>
    %gather3A_293 = tpu.vector_load_idx %arg5[%add3A_292] : memref<13312xi32, #tpu.memory_space<vmem>>[vector<16xi32>], vector<16xi32>,
    %swap3A_294 = arith.constant 112 : index
    %swap3A_295 = tpu.vector_load %arg7[%swap3A_294] {strides = array<i32>} : memref<128xi32, #tpu.memory_space<vmem>>, vector<16xi32>,
    tpu.vector_store %arg7[%swap3A_294], %gather3A_293 {strides = array<i32>} : memref<128xi32, #tpu.memory_space<vmem>>, vector<16xi32>,
    %dma_start3A_296 = arith.constant 0 : i32
    %dma_start3A_297 = arith.constant 0 : i32
    %dma_start3A_298 = tpu.memref_slice %arg2[%dma_start3A_296, %dma_start3A_297] : memref<1000000x128xf32, #tpu.memory_space<hbm>> -> memref<1000000x128xf32, #tpu.memory_space<hbm>>
    tpu.enqueue_indirect_dma source(%dma_start3A_298 : memref<1000000x128xf32, #tpu.memory_space<hbm>>) target(%arg9 : memref<128x128xf32, #tpu.memory_space<vmem>>) offsets(%arg7 : memref<128xi32, #tpu.memory_space<vmem>>) semaphore(%arg13 : memref<!tpu.dma_semaphore, #tpu.memory_space<semaphore_mem>>)
    %scan3A_299 = arith.constant 0 : i32
    %scan3A_300 = arith.constant 1 : i32
    %scan3A_301 = arith.constant 50 : i32
    %scan3A_302 = arith.addi %scan3A_300, %scan3A_301 : i32
    %scan3A_303 = arith.constant 1 : i32
    scf.for %scan3A_407 = %scan3A_300 to %scan3A_302 step %scan3A_303  : i32 {
      %mul3A_408 = arith.constant 2 : i32
      %mul3A_409 = arith.muli %mul3A_408, %scan3A_407 : i32
      %dma_wait3A_410 = arith.constant 0 : i32
      %dma_wait3A_411 = arith.constant 0 : i32
      %dma_wait3A_412 = tpu.memref_slice %arg2[%dma_wait3A_410, %dma_wait3A_411] : memref<1000000x128xf32, #tpu.memory_space<hbm>> -> memref<128x128xf32, #tpu.memory_space<hbm>>
      %dma_wait3A_413 = arith.constant 0 : i32
      %dma_wait3A_414 = arith.constant 0 : i32
      %dma_wait3A_415 = tpu.memref_slice %arg2[%dma_wait3A_413, %dma_wait3A_414] : memref<1000000x128xf32, #tpu.memory_space<hbm>> -> memref<128x128xf32, #tpu.memory_space<hbm>>
      tpu.wait_dma2 semaphore(%arg12 : memref<!tpu.dma_semaphore, #tpu.memory_space<semaphore_mem>>) src(%dma_wait3A_415 : memref<128x128xf32, #tpu.memory_space<hbm>>) dst(%arg8 : memref<128x128xf32, #tpu.memory_space<vmem>>)
      %sub3A = arith.constant 2 : i32
      %sub3A_416 = arith.subi %mul3A_409, %sub3A : i32
      %rem3A_417 = arith.constant 26 : i32
      %rem3A_418 = arith.remsi %sub3A_416, %rem3A_417 : i32
      %jit3A = arith.constant 26 : i32
      %div3A = arith.divsi %sub3A_416, %jit3A : i32
      %sign3A = arith.constant 0 : i32
      %sign3A_419 = arith.cmpi sgt, %sub3A_416, %sign3A : i32
      %sign3A_420 = arith.extui %sign3A_419 : i1 to i32
      %sign3A_421 = arith.constant 0 : i32
      %sign3A_422 = arith.cmpi slt, %sub3A_416, %sign3A_421 : i32
      %sign3A_423 = arith.extui %sign3A_422 : i1 to i32
      %sign3A_424 = arith.subi %sign3A_420, %sign3A_423 : i32
      %sign3A_425 = arith.constant 0 : i32
      %sign3A_426 = arith.cmpi sgt, %jit3A, %sign3A_425 : i32
      %sign3A_427 = arith.extui %sign3A_426 : i1 to i32
      %sign3A_428 = arith.constant 0 : i32
      %sign3A_429 = arith.cmpi slt, %jit3A, %sign3A_428 : i32
      %sign3A_430 = arith.extui %sign3A_429 : i1 to i32
      %sign3A_431 = arith.subi %sign3A_427, %sign3A_430 : i32
      %ne3A = arith.cmpi ne, %sign3A_424, %sign3A_431 : i32
      %rem3A_432 = arith.remsi %sub3A_416, %jit3A : i32
      %ne3A_433 = arith.constant 0 : i32
      %ne3A_434 = arith.cmpi ne, %rem3A_432, %ne3A_433 : i32
      %and3A = arith.andi %ne3A, %ne3A_434 : i1
      %sub3A_435 = arith.constant 1 : i32
      %sub3A_436 = arith.subi %div3A, %sub3A_435 : i32
      %select_n3A = arith.select %and3A, %sub3A_436, %div3A : i32
      %mul3A_437 = arith.constant 512 : i32
      %mul3A_438 = arith.muli %add3A, %mul3A_437 : i32
      %mul3A_439 = arith.constant 128 : i32
      %mul3A_440 = arith.muli %select_n3A, %mul3A_439 : i32
      %add3A_441 = arith.addi %mul3A_438, %mul3A_440 : i32
      %dma_wait3A_442 = arith.constant 0 : i32
      %dma_wait3A_443 = tpu.memref_slice %arg4[%rem3A_418, %dma_wait3A_442, %add3A_441] : memref<26x64x16384xf32, #tpu.memory_space<hbm>> -> memref<1x64x128xf32, #tpu.memory_space<hbm>>
      %dma_wait3A_444 = tpu.memref_squeeze %dma_wait3A_443 : memref<1x64x128xf32, #tpu.memory_space<hbm>> -> memref<64x128xf32, #tpu.memory_space<hbm>>
      %dma_wait3A_445 = arith.constant 0 : i32
      %dma_wait3A_446 = tpu.memref_slice %arg4[%rem3A_418, %dma_wait3A_445, %add3A_441] : memref<26x64x16384xf32, #tpu.memory_space<hbm>> -> memref<1x64x128xf32, #tpu.memory_space<hbm>>
      %dma_wait3A_447 = tpu.memref_squeeze %dma_wait3A_446 : memref<1x64x128xf32, #tpu.memory_space<hbm>> -> memref<64x128xf32, #tpu.memory_space<hbm>>
      tpu.wait_dma2 semaphore(%arg14 : memref<!tpu.dma_semaphore, #tpu.memory_space<semaphore_mem>>) src(%arg10 : memref<64x128xf32, #tpu.memory_space<vmem>>) dst(%dma_wait3A_447 : memref<64x128xf32, #tpu.memory_space<hbm>>)
      %scan3A_448 = arith.constant 0 : i32
      %scan3A_449 = arith.constant 0 : i32
      %scan3A_450 = arith.constant 32 : i32
      %scan3A_451 = arith.addi %scan3A_449, %scan3A_450 : i32
      %scan3A_452 = arith.constant 1 : i32
      scf.for %scan3A_729 = %scan3A_449 to %scan3A_451 step %scan3A_452  : i32 {
        %mul3A_730 = arith.constant 4 : i32
        %mul3A_731 = arith.muli %scan3A_729, %mul3A_730 : i32
        %add3A_732 = arith.constant 0 : i32
        %add3A_733 = arith.addi %mul3A_731, %add3A_732 : i32
        %broadcast_in_dim3A = vector.broadcast %add3A_733 : i32 to vector<16xi32>
        %get3A = arith.index_cast %add3A_733 : i32 to index
        %get3A_734 = arith.constant 0 : index
        %get3A_735 = tpu.vector_load %arg8[%get3A, %get3A_734] {strides = array<i32>} : memref<128x128xf32, #tpu.memory_space<vmem>>, vector<16xf32>,
        tpu.vector_store_idx %arg10[%add3A_53, %broadcast_in_dim3A], %get3A_735 : memref<64x128xf32, #tpu.memory_space<vmem>>[vector<16xi32>, vector<16xi32>], vector<16xf32>,
        %get3A_736 = arith.index_cast %add3A_733 : i32 to index
        %get3A_737 = arith.constant 16 : index
        %get3A_738 = tpu.vector_load %arg8[%get3A_736, %get3A_737] {strides = array<i32>} : memref<128x128xf32, #tpu.memory_space<vmem>>, vector<16xf32>,
        tpu.vector_store_idx %arg10[%add3A_56, %broadcast_in_dim3A], %get3A_738 : memref<64x128xf32, #tpu.memory_space<vmem>>[vector<16xi32>, vector<16xi32>], vector<16xf32>,
        %get3A_739 = arith.index_cast %add3A_733 : i32 to index
        %get3A_740 = arith.constant 32 : index
        %get3A_741 = tpu.vector_load %arg8[%get3A_739, %get3A_740] {strides = array<i32>} : memref<128x128xf32, #tpu.memory_space<vmem>>, vector<16xf32>,
        tpu.vector_store_idx %arg10[%add3A_59, %broadcast_in_dim3A], %get3A_741 : memref<64x128xf32, #tpu.memory_space<vmem>>[vector<16xi32>, vector<16xi32>], vector<16xf32>,
        %get3A_742 = arith.index_cast %add3A_733 : i32 to index
        %get3A_743 = arith.constant 48 : index
        %get3A_744 = tpu.vector_load %arg8[%get3A_742, %get3A_743] {strides = array<i32>} : memref<128x128xf32, #tpu.memory_space<vmem>>, vector<16xf32>,
        tpu.vector_store_idx %arg10[%add3A_62, %broadcast_in_dim3A], %get3A_744 : memref<64x128xf32, #tpu.memory_space<vmem>>[vector<16xi32>, vector<16xi32>], vector<16xf32>,
        %mul3A_745 = arith.constant 4 : i32
        %mul3A_746 = arith.muli %scan3A_729, %mul3A_745 : i32
        %add3A_747 = arith.constant 1 : i32
        %add3A_748 = arith.addi %mul3A_746, %add3A_747 : i32
        %broadcast_in_dim3A_749 = vector.broadcast %add3A_748 : i32 to vector<16xi32>
        %get3A_750 = arith.index_cast %add3A_748 : i32 to index
        %get3A_751 = arith.constant 0 : index
        %get3A_752 = tpu.vector_load %arg8[%get3A_750, %get3A_751] {strides = array<i32>} : memref<128x128xf32, #tpu.memory_space<vmem>>, vector<16xf32>,
        tpu.vector_store_idx %arg10[%add3A_53, %broadcast_in_dim3A_749], %get3A_752 : memref<64x128xf32, #tpu.memory_space<vmem>>[vector<16xi32>, vector<16xi32>], vector<16xf32>,
        %get3A_753 = arith.index_cast %add3A_748 : i32 to index
        %get3A_754 = arith.constant 16 : index
        %get3A_755 = tpu.vector_load %arg8[%get3A_753, %get3A_754] {strides = array<i32>} : memref<128x128xf32, #tpu.memory_space<vmem>>, vector<16xf32>,
        tpu.vector_store_idx %arg10[%add3A_56, %broadcast_in_dim3A_749], %get3A_755 : memref<64x128xf32, #tpu.memory_space<vmem>>[vector<16xi32>, vector<16xi32>], vector<16xf32>,
        %get3A_756 = arith.index_cast %add3A_748 : i32 to index
        %get3A_757 = arith.constant 32 : index
        %get3A_758 = tpu.vector_load %arg8[%get3A_756, %get3A_757] {strides = array<i32>} : memref<128x128xf32, #tpu.memory_space<vmem>>, vector<16xf32>,
        tpu.vector_store_idx %arg10[%add3A_59, %broadcast_in_dim3A_749], %get3A_758 : memref<64x128xf32, #tpu.memory_space<vmem>>[vector<16xi32>, vector<16xi32>], vector<16xf32>,
        %get3A_759 = arith.index_cast %add3A_748 : i32 to index
        %get3A_760 = arith.constant 48 : index
        %get3A_761 = tpu.vector_load %arg8[%get3A_759, %get3A_760] {strides = array<i32>} : memref<128x128xf32, #tpu.memory_space<vmem>>, vector<16xf32>,
        tpu.vector_store_idx %arg10[%add3A_62, %broadcast_in_dim3A_749], %get3A_761 : memref<64x128xf32, #tpu.memory_space<vmem>>[vector<16xi32>, vector<16xi32>], vector<16xf32>,
        %mul3A_762 = arith.constant 4 : i32
        %mul3A_763 = arith.muli %scan3A_729, %mul3A_762 : i32
        %add3A_764 = arith.constant 2 : i32
        %add3A_765 = arith.addi %mul3A_763, %add3A_764 : i32
        %broadcast_in_dim3A_766 = vector.broadcast %add3A_765 : i32 to vector<16xi32>
        %get3A_767 = arith.index_cast %add3A_765 : i32 to index
        %get3A_768 = arith.constant 0 : index
        %get3A_769 = tpu.vector_load %arg8[%get3A_767, %get3A_768] {strides = array<i32>} : memref<128x128xf32, #tpu.memory_space<vmem>>, vector<16xf32>,
        tpu.vector_store_idx %arg10[%add3A_53, %broadcast_in_dim3A_766], %get3A_769 : memref<64x128xf32, #tpu.memory_space<vmem>>[vector<16xi32>, vector<16xi32>], vector<16xf32>,
        %get3A_770 = arith.index_cast %add3A_765 : i32 to index
        %get3A_771 = arith.constant 16 : index
        %get3A_772 = tpu.vector_load %arg8[%get3A_770, %get3A_771] {strides = array<i32>} : memref<128x128xf32, #tpu.memory_space<vmem>>, vector<16xf32>,
        tpu.vector_store_idx %arg10[%add3A_56, %broadcast_in_dim3A_766], %get3A_772 : memref<64x128xf32, #tpu.memory_space<vmem>>[vector<16xi32>, vector<16xi32>], vector<16xf32>,
        %get3A_773 = arith.index_cast %add3A_765 : i32 to index
        %get3A_774 = arith.constant 32 : index
        %get3A_775 = tpu.vector_load %arg8[%get3A_773, %get3A_774] {strides = array<i32>} : memref<128x128xf32, #tpu.memory_space<vmem>>, vector<16xf32>,
        tpu.vector_store_idx %arg10[%add3A_59, %broadcast_in_dim3A_766], %get3A_775 : memref<64x128xf32, #tpu.memory_space<vmem>>[vector<16xi32>, vector<16xi32>], vector<16xf32>,
        %get3A_776 = arith.index_cast %add3A_765 : i32 to index
        %get3A_777 = arith.constant 48 : index
        %get3A_778 = tpu.vector_load %arg8[%get3A_776, %get3A_777] {strides = array<i32>} : memref<128x128xf32, #tpu.memory_space<vmem>>, vector<16xf32>,
        tpu.vector_store_idx %arg10[%add3A_62, %broadcast_in_dim3A_766], %get3A_778 : memref<64x128xf32, #tpu.memory_space<vmem>>[vector<16xi32>, vector<16xi32>], vector<16xf32>,
        %mul3A_779 = arith.constant 4 : i32
        %mul3A_780 = arith.muli %scan3A_729, %mul3A_779 : i32
        %add3A_781 = arith.constant 3 : i32
        %add3A_782 = arith.addi %mul3A_780, %add3A_781 : i32
        %broadcast_in_dim3A_783 = vector.broadcast %add3A_782 : i32 to vector<16xi32>
        %get3A_784 = arith.index_cast %add3A_782 : i32 to index
        %get3A_785 = arith.constant 0 : index
        %get3A_786 = tpu.vector_load %arg8[%get3A_784, %get3A_785] {strides = array<i32>} : memref<128x128xf32, #tpu.memory_space<vmem>>, vector<16xf32>,
        tpu.vector_store_idx %arg10[%add3A_53, %broadcast_in_dim3A_783], %get3A_786 : memref<64x128xf32, #tpu.memory_space<vmem>>[vector<16xi32>, vector<16xi32>], vector<16xf32>,
        %get3A_787 = arith.index_cast %add3A_782 : i32 to index
        %get3A_788 = arith.constant 16 : index
        %get3A_789 = tpu.vector_load %arg8[%get3A_787, %get3A_788] {strides = array<i32>} : memref<128x128xf32, #tpu.memory_space<vmem>>, vector<16xf32>,
        tpu.vector_store_idx %arg10[%add3A_56, %broadcast_in_dim3A_783], %get3A_789 : memref<64x128xf32, #tpu.memory_space<vmem>>[vector<16xi32>, vector<16xi32>], vector<16xf32>,
        %get3A_790 = arith.index_cast %add3A_782 : i32 to index
        %get3A_791 = arith.constant 32 : index
        %get3A_792 = tpu.vector_load %arg8[%get3A_790, %get3A_791] {strides = array<i32>} : memref<128x128xf32, #tpu.memory_space<vmem>>, vector<16xf32>,
        tpu.vector_store_idx %arg10[%add3A_59, %broadcast_in_dim3A_783], %get3A_792 : memref<64x128xf32, #tpu.memory_space<vmem>>[vector<16xi32>, vector<16xi32>], vector<16xf32>,
        %get3A_793 = arith.index_cast %add3A_782 : i32 to index
        %get3A_794 = arith.constant 48 : index
        %get3A_795 = tpu.vector_load %arg8[%get3A_793, %get3A_794] {strides = array<i32>} : memref<128x128xf32, #tpu.memory_space<vmem>>, vector<16xf32>,
        tpu.vector_store_idx %arg10[%add3A_62, %broadcast_in_dim3A_783], %get3A_795 : memref<64x128xf32, #tpu.memory_space<vmem>>[vector<16xi32>, vector<16xi32>], vector<16xf32>,
      }
      %scan3A_453 = arith.constant 32 : i32
      %rem3A_454 = arith.constant 26 : i32
      %rem3A_455 = arith.remsi %mul3A_409, %rem3A_454 : i32
      %jit3A_456 = arith.constant 26 : i32
      %div3A_457 = arith.divsi %mul3A_409, %jit3A_456 : i32
      %sign3A_458 = arith.constant 0 : i32
      %sign3A_459 = arith.cmpi sgt, %mul3A_409, %sign3A_458 : i32
      %sign3A_460 = arith.extui %sign3A_459 : i1 to i32
      %sign3A_461 = arith.constant 0 : i32
      %sign3A_462 = arith.cmpi slt, %mul3A_409, %sign3A_461 : i32
      %sign3A_463 = arith.extui %sign3A_462 : i1 to i32
      %sign3A_464 = arith.subi %sign3A_460, %sign3A_463 : i32
      %sign3A_465 = arith.constant 0 : i32
      %sign3A_466 = arith.cmpi sgt, %jit3A_456, %sign3A_465 : i32
      %sign3A_467 = arith.extui %sign3A_466 : i1 to i32
      %sign3A_468 = arith.constant 0 : i32
      %sign3A_469 = arith.cmpi slt, %jit3A_456, %sign3A_468 : i32
      %sign3A_470 = arith.extui %sign3A_469 : i1 to i32
      %sign3A_471 = arith.subi %sign3A_467, %sign3A_470 : i32
      %ne3A_472 = arith.cmpi ne, %sign3A_464, %sign3A_471 : i32
      %rem3A_473 = arith.remsi %mul3A_409, %jit3A_456 : i32
      %ne3A_474 = arith.constant 0 : i32
      %ne3A_475 = arith.cmpi ne, %rem3A_473, %ne3A_474 : i32
      %and3A_476 = arith.andi %ne3A_472, %ne3A_475 : i1
      %sub3A_477 = arith.constant 1 : i32
      %sub3A_478 = arith.subi %div3A_457, %sub3A_477 : i32
      %select_n3A_479 = arith.select %and3A_476, %sub3A_478, %div3A_457 : i32
      %mul3A_480 = arith.constant 512 : i32
      %mul3A_481 = arith.muli %add3A, %mul3A_480 : i32
      %mul3A_482 = arith.constant 128 : i32
      %mul3A_483 = arith.muli %select_n3A_479, %mul3A_482 : i32
      %add3A_484 = arith.addi %mul3A_481, %mul3A_483 : i32
      %dma_start3A_485 = arith.constant 0 : i32
      %dma_start3A_486 = tpu.memref_slice %arg4[%rem3A_455, %dma_start3A_485, %add3A_484] : memref<26x64x16384xf32, #tpu.memory_space<hbm>> -> memref<1x64x128xf32, #tpu.memory_space<hbm>>
      %dma_start3A_487 = tpu.memref_squeeze %dma_start3A_486 : memref<1x64x128xf32, #tpu.memory_space<hbm>> -> memref<64x128xf32, #tpu.memory_space<hbm>>
      %dma_start3A_488 = arith.constant 0 : i32
      %dma_start3A_489 = tpu.memref_slice %arg4[%rem3A_455, %dma_start3A_488, %add3A_484] : memref<26x64x16384xf32, #tpu.memory_space<hbm>> -> memref<1x64x128xf32, #tpu.memory_space<hbm>>
      %dma_start3A_490 = tpu.memref_squeeze %dma_start3A_489 : memref<1x64x128xf32, #tpu.memory_space<hbm>> -> memref<64x128xf32, #tpu.memory_space<hbm>>
      tpu.enqueue_dma source(%arg10 : memref<64x128xf32, #tpu.memory_space<vmem>>) target(%dma_start3A_490 : memref<64x128xf32, #tpu.memory_space<hbm>>) target_semaphore(%arg14 : memref<!tpu.dma_semaphore, #tpu.memory_space<semaphore_mem>>)
      %add3A_491 = arith.constant 2 : i32
      %add3A_492 = arith.addi %mul3A_409, %add3A_491 : i32
      %rem3A_493 = arith.constant 26 : i32
      %rem3A_494 = arith.remsi %add3A_492, %rem3A_493 : i32
      %jit3A_495 = arith.constant 26 : i32
      %div3A_496 = arith.divsi %add3A_492, %jit3A_495 : i32
      %sign3A_497 = arith.constant 0 : i32
      %sign3A_498 = arith.cmpi sgt, %add3A_492, %sign3A_497 : i32
      %sign3A_499 = arith.extui %sign3A_498 : i1 to i32
      %sign3A_500 = arith.constant 0 : i32
      %sign3A_501 = arith.cmpi slt, %add3A_492, %sign3A_500 : i32
      %sign3A_502 = arith.extui %sign3A_501 : i1 to i32
      %sign3A_503 = arith.subi %sign3A_499, %sign3A_502 : i32
      %sign3A_504 = arith.constant 0 : i32
      %sign3A_505 = arith.cmpi sgt, %jit3A_495, %sign3A_504 : i32
      %sign3A_506 = arith.extui %sign3A_505 : i1 to i32
      %sign3A_507 = arith.constant 0 : i32
      %sign3A_508 = arith.cmpi slt, %jit3A_495, %sign3A_507 : i32
      %sign3A_509 = arith.extui %sign3A_508 : i1 to i32
      %sign3A_510 = arith.subi %sign3A_506, %sign3A_509 : i32
      %ne3A_511 = arith.cmpi ne, %sign3A_503, %sign3A_510 : i32
      %rem3A_512 = arith.remsi %add3A_492, %jit3A_495 : i32
      %ne3A_513 = arith.constant 0 : i32
      %ne3A_514 = arith.cmpi ne, %rem3A_512, %ne3A_513 : i32
      %and3A_515 = arith.andi %ne3A_511, %ne3A_514 : i1
      %sub3A_516 = arith.constant 1 : i32
      %sub3A_517 = arith.subi %div3A_496, %sub3A_516 : i32
      %select_n3A_518 = arith.select %and3A_515, %sub3A_517, %div3A_496 : i32
      %mul3A_519 = arith.constant 3328 : i32
      %mul3A_520 = arith.muli %select_n3A_518, %mul3A_519 : i32
      %add3A_521 = arith.addi %mul3A_520, %rem3A_494 : i32
      %add3A_522 = vector.broadcast %add3A_521 : i32 to vector<16xi32>
      %add3A_523 = arith.addi %add3A_8, %add3A_522 : vector<16xi32>
      %gather3A_524 = tpu.vector_load_idx %arg5[%add3A_523] : memref<13312xi32, #tpu.memory_space<vmem>>[vector<16xi32>], vector<16xi32>,
      %swap3A_525 = arith.constant 0 : index
      %swap3A_526 = tpu.vector_load %arg6[%swap3A_525] {strides = array<i32>} : memref<128xi32, #tpu.memory_space<vmem>>, vector<16xi32>,
      tpu.vector_store %arg6[%swap3A_525], %gather3A_524 {strides = array<i32>} : memref<128xi32, #tpu.memory_space<vmem>>, vector<16xi32>,
      %add3A_527 = vector.broadcast %add3A_521 : i32 to vector<16xi32>
      %add3A_528 = arith.addi %add3A_14, %add3A_527 : vector<16xi32>
      %gather3A_529 = tpu.vector_load_idx %arg5[%add3A_528] : memref<13312xi32, #tpu.memory_space<vmem>>[vector<16xi32>], vector<16xi32>,
      %swap3A_530 = arith.constant 16 : index
      %swap3A_531 = tpu.vector_load %arg6[%swap3A_530] {strides = array<i32>} : memref<128xi32, #tpu.memory_space<vmem>>, vector<16xi32>,
      tpu.vector_store %arg6[%swap3A_530], %gather3A_529 {strides = array<i32>} : memref<128xi32, #tpu.memory_space<vmem>>, vector<16xi32>,
      %add3A_532 = vector.broadcast %add3A_521 : i32 to vector<16xi32>
      %add3A_533 = arith.addi %add3A_20, %add3A_532 : vector<16xi32>
      %gather3A_534 = tpu.vector_load_idx %arg5[%add3A_533] : memref<13312xi32, #tpu.memory_space<vmem>>[vector<16xi32>], vector<16xi32>,
      %swap3A_535 = arith.constant 32 : index
      %swap3A_536 = tpu.vector_load %arg6[%swap3A_535] {strides = array<i32>} : memref<128xi32, #tpu.memory_space<vmem>>, vector<16xi32>,
      tpu.vector_store %arg6[%swap3A_535], %gather3A_534 {strides = array<i32>} : memref<128xi32, #tpu.memory_space<vmem>>, vector<16xi32>,
      %add3A_537 = vector.broadcast %add3A_521 : i32 to vector<16xi32>
      %add3A_538 = arith.addi %add3A_26, %add3A_537 : vector<16xi32>
      %gather3A_539 = tpu.vector_load_idx %arg5[%add3A_538] : memref<13312xi32, #tpu.memory_space<vmem>>[vector<16xi32>], vector<16xi32>,
      %swap3A_540 = arith.constant 48 : index
      %swap3A_541 = tpu.vector_load %arg6[%swap3A_540] {strides = array<i32>} : memref<128xi32, #tpu.memory_space<vmem>>, vector<16xi32>,
      tpu.vector_store %arg6[%swap3A_540], %gather3A_539 {strides = array<i32>} : memref<128xi32, #tpu.memory_space<vmem>>, vector<16xi32>,
      %add3A_542 = vector.broadcast %add3A_521 : i32 to vector<16xi32>
      %add3A_543 = arith.addi %add3A_32, %add3A_542 : vector<16xi32>
      %gather3A_544 = tpu.vector_load_idx %arg5[%add3A_543] : memref<13312xi32, #tpu.memory_space<vmem>>[vector<16xi32>], vector<16xi32>,
      %swap3A_545 = arith.constant 64 : index
      %swap3A_546 = tpu.vector_load %arg6[%swap3A_545] {strides = array<i32>} : memref<128xi32, #tpu.memory_space<vmem>>, vector<16xi32>,
      tpu.vector_store %arg6[%swap3A_545], %gather3A_544 {strides = array<i32>} : memref<128xi32, #tpu.memory_space<vmem>>, vector<16xi32>,
      %add3A_547 = vector.broadcast %add3A_521 : i32 to vector<16xi32>
      %add3A_548 = arith.addi %add3A_38, %add3A_547 : vector<16xi32>
      %gather3A_549 = tpu.vector_load_idx %arg5[%add3A_548] : memref<13312xi32, #tpu.memory_space<vmem>>[vector<16xi32>], vector<16xi32>,
      %swap3A_550 = arith.constant 80 : index
      %swap3A_551 = tpu.vector_load %arg6[%swap3A_550] {strides = array<i32>} : memref<128xi32, #tpu.memory_space<vmem>>, vector<16xi32>,
      tpu.vector_store %arg6[%swap3A_550], %gather3A_549 {strides = array<i32>} : memref<128xi32, #tpu.memory_space<vmem>>, vector<16xi32>,
      %add3A_552 = vector.broadcast %add3A_521 : i32 to vector<16xi32>
      %add3A_553 = arith.addi %add3A_44, %add3A_552 : vector<16xi32>
      %gather3A_554 = tpu.vector_load_idx %arg5[%add3A_553] : memref<13312xi32, #tpu.memory_space<vmem>>[vector<16xi32>], vector<16xi32>,
      %swap3A_555 = arith.constant 96 : index
      %swap3A_556 = tpu.vector_load %arg6[%swap3A_555] {strides = array<i32>} : memref<128xi32, #tpu.memory_space<vmem>>, vector<16xi32>,
      tpu.vector_store %arg6[%swap3A_555], %gather3A_554 {strides = array<i32>} : memref<128xi32, #tpu.memory_space<vmem>>, vector<16xi32>,
      %add3A_557 = vector.broadcast %add3A_521 : i32 to vector<16xi32>
      %add3A_558 = arith.addi %add3A_50, %add3A_557 : vector<16xi32>
      %gather3A_559 = tpu.vector_load_idx %arg5[%add3A_558] : memref<13312xi32, #tpu.memory_space<vmem>>[vector<16xi32>], vector<16xi32>,
      %swap3A_560 = arith.constant 112 : index
      %swap3A_561 = tpu.vector_load %arg6[%swap3A_560] {strides = array<i32>} : memref<128xi32, #tpu.memory_space<vmem>>, vector<16xi32>,
      tpu.vector_store %arg6[%swap3A_560], %gather3A_559 {strides = array<i32>} : memref<128xi32, #tpu.memory_space<vmem>>, vector<16xi32>,
      %dma_start3A_562 = arith.constant 0 : i32
      %dma_start3A_563 = arith.constant 0 : i32
      %dma_start3A_564 = tpu.memref_slice %arg2[%dma_start3A_562, %dma_start3A_563] : memref<1000000x128xf32, #tpu.memory_space<hbm>> -> memref<1000000x128xf32, #tpu.memory_space<hbm>>
      tpu.enqueue_indirect_dma source(%dma_start3A_564 : memref<1000000x128xf32, #tpu.memory_space<hbm>>) target(%arg8 : memref<128x128xf32, #tpu.memory_space<vmem>>) offsets(%arg6 : memref<128xi32, #tpu.memory_space<vmem>>) semaphore(%arg12 : memref<!tpu.dma_semaphore, #tpu.memory_space<semaphore_mem>>)
      %dma_wait3A_565 = arith.constant 0 : i32
      %dma_wait3A_566 = arith.constant 0 : i32
      %dma_wait3A_567 = tpu.memref_slice %arg2[%dma_wait3A_565, %dma_wait3A_566] : memref<1000000x128xf32, #tpu.memory_space<hbm>> -> memref<128x128xf32, #tpu.memory_space<hbm>>
      %dma_wait3A_568 = arith.constant 0 : i32
      %dma_wait3A_569 = arith.constant 0 : i32
      %dma_wait3A_570 = tpu.memref_slice %arg2[%dma_wait3A_568, %dma_wait3A_569] : memref<1000000x128xf32, #tpu.memory_space<hbm>> -> memref<128x128xf32, #tpu.memory_space<hbm>>
      tpu.wait_dma2 semaphore(%arg13 : memref<!tpu.dma_semaphore, #tpu.memory_space<semaphore_mem>>) src(%dma_wait3A_570 : memref<128x128xf32, #tpu.memory_space<hbm>>) dst(%arg9 : memref<128x128xf32, #tpu.memory_space<vmem>>)
      %sub3A_571 = arith.constant 1 : i32
      %sub3A_572 = arith.subi %mul3A_409, %sub3A_571 : i32
      %rem3A_573 = arith.constant 26 : i32
      %rem3A_574 = arith.remsi %sub3A_572, %rem3A_573 : i32
      %jit3A_575 = arith.constant 26 : i32
      %div3A_576 = arith.divsi %sub3A_572, %jit3A_575 : i32
      %sign3A_577 = arith.constant 0 : i32
      %sign3A_578 = arith.cmpi sgt, %sub3A_572, %sign3A_577 : i32
      %sign3A_579 = arith.extui %sign3A_578 : i1 to i32
      %sign3A_580 = arith.constant 0 : i32
      %sign3A_581 = arith.cmpi slt, %sub3A_572, %sign3A_580 : i32
      %sign3A_582 = arith.extui %sign3A_581 : i1 to i32
      %sign3A_583 = arith.subi %sign3A_579, %sign3A_582 : i32
      %sign3A_584 = arith.constant 0 : i32
      %sign3A_585 = arith.cmpi sgt, %jit3A_575, %sign3A_584 : i32
      %sign3A_586 = arith.extui %sign3A_585 : i1 to i32
      %sign3A_587 = arith.constant 0 : i32
      %sign3A_588 = arith.cmpi slt, %jit3A_575, %sign3A_587 : i32
      %sign3A_589 = arith.extui %sign3A_588 : i1 to i32
      %sign3A_590 = arith.subi %sign3A_586, %sign3A_589 : i32
      %ne3A_591 = arith.cmpi ne, %sign3A_583, %sign3A_590 : i32
      %rem3A_592 = arith.remsi %sub3A_572, %jit3A_575 : i32
      %ne3A_593 = arith.constant 0 : i32
      %ne3A_594 = arith.cmpi ne, %rem3A_592, %ne3A_593 : i32
      %and3A_595 = arith.andi %ne3A_591, %ne3A_594 : i1
      %sub3A_596 = arith.constant 1 : i32
      %sub3A_597 = arith.subi %div3A_576, %sub3A_596 : i32
      %select_n3A_598 = arith.select %and3A_595, %sub3A_597, %div3A_576 : i32
      %mul3A_599 = arith.constant 512 : i32
      %mul3A_600 = arith.muli %add3A, %mul3A_599 : i32
      %mul3A_601 = arith.constant 128 : i32
      %mul3A_602 = arith.muli %select_n3A_598, %mul3A_601 : i32
      %add3A_603 = arith.addi %mul3A_600, %mul3A_602 : i32
      %dma_wait3A_604 = arith.constant 0 : i32
      %dma_wait3A_605 = tpu.memref_slice %arg4[%rem3A_574, %dma_wait3A_604, %add3A_603] : memref<26x64x16384xf32, #tpu.memory_space<hbm>> -> memref<1x64x128xf32, #tpu.memory_space<hbm>>
      %dma_wait3A_606 = tpu.memref_squeeze %dma_wait3A_605 : memref<1x64x128xf32, #tpu.memory_space<hbm>> -> memref<64x128xf32, #tpu.memory_space<hbm>>
      %dma_wait3A_607 = arith.constant 0 : i32
      %dma_wait3A_608 = tpu.memref_slice %arg4[%rem3A_574, %dma_wait3A_607, %add3A_603] : memref<26x64x16384xf32, #tpu.memory_space<hbm>> -> memref<1x64x128xf32, #tpu.memory_space<hbm>>
      %dma_wait3A_609 = tpu.memref_squeeze %dma_wait3A_608 : memref<1x64x128xf32, #tpu.memory_space<hbm>> -> memref<64x128xf32, #tpu.memory_space<hbm>>
      tpu.wait_dma2 semaphore(%arg15 : memref<!tpu.dma_semaphore, #tpu.memory_space<semaphore_mem>>) src(%arg11 : memref<64x128xf32, #tpu.memory_space<vmem>>) dst(%dma_wait3A_609 : memref<64x128xf32, #tpu.memory_space<hbm>>)
      %scan3A_610 = arith.constant 0 : i32
      %scan3A_611 = arith.constant 0 : i32
      %scan3A_612 = arith.constant 32 : i32
      %scan3A_613 = arith.addi %scan3A_611, %scan3A_612 : i32
      %scan3A_614 = arith.constant 1 : i32
      scf.for %scan3A_729 = %scan3A_611 to %scan3A_613 step %scan3A_614  : i32 {
        %mul3A_730 = arith.constant 4 : i32
        %mul3A_731 = arith.muli %scan3A_729, %mul3A_730 : i32
        %add3A_732 = arith.constant 0 : i32
        %add3A_733 = arith.addi %mul3A_731, %add3A_732 : i32
        %broadcast_in_dim3A = vector.broadcast %add3A_733 : i32 to vector<16xi32>
        %get3A = arith.index_cast %add3A_733 : i32 to index
        %get3A_734 = arith.constant 0 : index
        %get3A_735 = tpu.vector_load %arg9[%get3A, %get3A_734] {strides = array<i32>} : memref<128x128xf32, #tpu.memory_space<vmem>>, vector<16xf32>,
        tpu.vector_store_idx %arg11[%add3A_53, %broadcast_in_dim3A], %get3A_735 : memref<64x128xf32, #tpu.memory_space<vmem>>[vector<16xi32>, vector<16xi32>], vector<16xf32>,
        %get3A_736 = arith.index_cast %add3A_733 : i32 to index
        %get3A_737 = arith.constant 16 : index
        %get3A_738 = tpu.vector_load %arg9[%get3A_736, %get3A_737] {strides = array<i32>} : memref<128x128xf32, #tpu.memory_space<vmem>>, vector<16xf32>,
        tpu.vector_store_idx %arg11[%add3A_56, %broadcast_in_dim3A], %get3A_738 : memref<64x128xf32, #tpu.memory_space<vmem>>[vector<16xi32>, vector<16xi32>], vector<16xf32>,
        %get3A_739 = arith.index_cast %add3A_733 : i32 to index
        %get3A_740 = arith.constant 32 : index
        %get3A_741 = tpu.vector_load %arg9[%get3A_739, %get3A_740] {strides = array<i32>} : memref<128x128xf32, #tpu.memory_space<vmem>>, vector<16xf32>,
        tpu.vector_store_idx %arg11[%add3A_59, %broadcast_in_dim3A], %get3A_741 : memref<64x128xf32, #tpu.memory_space<vmem>>[vector<16xi32>, vector<16xi32>], vector<16xf32>,
        %get3A_742 = arith.index_cast %add3A_733 : i32 to index
        %get3A_743 = arith.constant 48 : index
        %get3A_744 = tpu.vector_load %arg9[%get3A_742, %get3A_743] {strides = array<i32>} : memref<128x128xf32, #tpu.memory_space<vmem>>, vector<16xf32>,
        tpu.vector_store_idx %arg11[%add3A_62, %broadcast_in_dim3A], %get3A_744 : memref<64x128xf32, #tpu.memory_space<vmem>>[vector<16xi32>, vector<16xi32>], vector<16xf32>,
        %mul3A_745 = arith.constant 4 : i32
        %mul3A_746 = arith.muli %scan3A_729, %mul3A_745 : i32
        %add3A_747 = arith.constant 1 : i32
        %add3A_748 = arith.addi %mul3A_746, %add3A_747 : i32
        %broadcast_in_dim3A_749 = vector.broadcast %add3A_748 : i32 to vector<16xi32>
        %get3A_750 = arith.index_cast %add3A_748 : i32 to index
        %get3A_751 = arith.constant 0 : index
        %get3A_752 = tpu.vector_load %arg9[%get3A_750, %get3A_751] {strides = array<i32>} : memref<128x128xf32, #tpu.memory_space<vmem>>, vector<16xf32>,
        tpu.vector_store_idx %arg11[%add3A_53, %broadcast_in_dim3A_749], %get3A_752 : memref<64x128xf32, #tpu.memory_space<vmem>>[vector<16xi32>, vector<16xi32>], vector<16xf32>,
        %get3A_753 = arith.index_cast %add3A_748 : i32 to index
        %get3A_754 = arith.constant 16 : index
        %get3A_755 = tpu.vector_load %arg9[%get3A_753, %get3A_754] {strides = array<i32>} : memref<128x128xf32, #tpu.memory_space<vmem>>, vector<16xf32>,
        tpu.vector_store_idx %arg11[%add3A_56, %broadcast_in_dim3A_749], %get3A_755 : memref<64x128xf32, #tpu.memory_space<vmem>>[vector<16xi32>, vector<16xi32>], vector<16xf32>,
        %get3A_756 = arith.index_cast %add3A_748 : i32 to index
        %get3A_757 = arith.constant 32 : index
        %get3A_758 = tpu.vector_load %arg9[%get3A_756, %get3A_757] {strides = array<i32>} : memref<128x128xf32, #tpu.memory_space<vmem>>, vector<16xf32>,
        tpu.vector_store_idx %arg11[%add3A_59, %broadcast_in_dim3A_749], %get3A_758 : memref<64x128xf32, #tpu.memory_space<vmem>>[vector<16xi32>, vector<16xi32>], vector<16xf32>,
        %get3A_759 = arith.index_cast %add3A_748 : i32 to index
        %get3A_760 = arith.constant 48 : index
        %get3A_761 = tpu.vector_load %arg9[%get3A_759, %get3A_760] {strides = array<i32>} : memref<128x128xf32, #tpu.memory_space<vmem>>, vector<16xf32>,
        tpu.vector_store_idx %arg11[%add3A_62, %broadcast_in_dim3A_749], %get3A_761 : memref<64x128xf32, #tpu.memory_space<vmem>>[vector<16xi32>, vector<16xi32>], vector<16xf32>,
        %mul3A_762 = arith.constant 4 : i32
        %mul3A_763 = arith.muli %scan3A_729, %mul3A_762 : i32
        %add3A_764 = arith.constant 2 : i32
        %add3A_765 = arith.addi %mul3A_763, %add3A_764 : i32
        %broadcast_in_dim3A_766 = vector.broadcast %add3A_765 : i32 to vector<16xi32>
        %get3A_767 = arith.index_cast %add3A_765 : i32 to index
        %get3A_768 = arith.constant 0 : index
        %get3A_769 = tpu.vector_load %arg9[%get3A_767, %get3A_768] {strides = array<i32>} : memref<128x128xf32, #tpu.memory_space<vmem>>, vector<16xf32>,
        tpu.vector_store_idx %arg11[%add3A_53, %broadcast_in_dim3A_766], %get3A_769 : memref<64x128xf32, #tpu.memory_space<vmem>>[vector<16xi32>, vector<16xi32>], vector<16xf32>,
        %get3A_770 = arith.index_cast %add3A_765 : i32 to index
        %get3A_771 = arith.constant 16 : index
        %get3A_772 = tpu.vector_load %arg9[%get3A_770, %get3A_771] {strides = array<i32>} : memref<128x128xf32, #tpu.memory_space<vmem>>, vector<16xf32>,
        tpu.vector_store_idx %arg11[%add3A_56, %broadcast_in_dim3A_766], %get3A_772 : memref<64x128xf32, #tpu.memory_space<vmem>>[vector<16xi32>, vector<16xi32>], vector<16xf32>,
        %get3A_773 = arith.index_cast %add3A_765 : i32 to index
        %get3A_774 = arith.constant 32 : index
        %get3A_775 = tpu.vector_load %arg9[%get3A_773, %get3A_774] {strides = array<i32>} : memref<128x128xf32, #tpu.memory_space<vmem>>, vector<16xf32>,
        tpu.vector_store_idx %arg11[%add3A_59, %broadcast_in_dim3A_766], %get3A_775 : memref<64x128xf32, #tpu.memory_space<vmem>>[vector<16xi32>, vector<16xi32>], vector<16xf32>,
        %get3A_776 = arith.index_cast %add3A_765 : i32 to index
        %get3A_777 = arith.constant 48 : index
        %get3A_778 = tpu.vector_load %arg9[%get3A_776, %get3A_777] {strides = array<i32>} : memref<128x128xf32, #tpu.memory_space<vmem>>, vector<16xf32>,
        tpu.vector_store_idx %arg11[%add3A_62, %broadcast_in_dim3A_766], %get3A_778 : memref<64x128xf32, #tpu.memory_space<vmem>>[vector<16xi32>, vector<16xi32>], vector<16xf32>,
        %mul3A_779 = arith.constant 4 : i32
        %mul3A_780 = arith.muli %scan3A_729, %mul3A_779 : i32
        %add3A_781 = arith.constant 3 : i32
        %add3A_782 = arith.addi %mul3A_780, %add3A_781 : i32
        %broadcast_in_dim3A_783 = vector.broadcast %add3A_782 : i32 to vector<16xi32>
        %get3A_784 = arith.index_cast %add3A_782 : i32 to index
        %get3A_785 = arith.constant 0 : index
        %get3A_786 = tpu.vector_load %arg9[%get3A_784, %get3A_785] {strides = array<i32>} : memref<128x128xf32, #tpu.memory_space<vmem>>, vector<16xf32>,
        tpu.vector_store_idx %arg11[%add3A_53, %broadcast_in_dim3A_783], %get3A_786 : memref<64x128xf32, #tpu.memory_space<vmem>>[vector<16xi32>, vector<16xi32>], vector<16xf32>,
        %get3A_787 = arith.index_cast %add3A_782 : i32 to index
        %get3A_788 = arith.constant 16 : index
        %get3A_789 = tpu.vector_load %arg9[%get3A_787, %get3A_788] {strides = array<i32>} : memref<128x128xf32, #tpu.memory_space<vmem>>, vector<16xf32>,
        tpu.vector_store_idx %arg11[%add3A_56, %broadcast_in_dim3A_783], %get3A_789 : memref<64x128xf32, #tpu.memory_space<vmem>>[vector<16xi32>, vector<16xi32>], vector<16xf32>,
        %get3A_790 = arith.index_cast %add3A_782 : i32 to index
        %get3A_791 = arith.constant 32 : index
        %get3A_792 = tpu.vector_load %arg9[%get3A_790, %get3A_791] {strides = array<i32>} : memref<128x128xf32, #tpu.memory_space<vmem>>, vector<16xf32>,
        tpu.vector_store_idx %arg11[%add3A_59, %broadcast_in_dim3A_783], %get3A_792 : memref<64x128xf32, #tpu.memory_space<vmem>>[vector<16xi32>, vector<16xi32>], vector<16xf32>,
        %get3A_793 = arith.index_cast %add3A_782 : i32 to index
        %get3A_794 = arith.constant 48 : index
        %get3A_795 = tpu.vector_load %arg9[%get3A_793, %get3A_794] {strides = array<i32>} : memref<128x128xf32, #tpu.memory_space<vmem>>, vector<16xf32>,
        tpu.vector_store_idx %arg11[%add3A_62, %broadcast_in_dim3A_783], %get3A_795 : memref<64x128xf32, #tpu.memory_space<vmem>>[vector<16xi32>, vector<16xi32>], vector<16xf32>,
      }
      %scan3A_615 = arith.constant 32 : i32
      %add3A_616 = arith.constant 1 : i32
      %add3A_617 = arith.addi %mul3A_409, %add3A_616 : i32
      %rem3A_618 = arith.constant 26 : i32
      %rem3A_619 = arith.remsi %add3A_617, %rem3A_618 : i32
      %jit3A_620 = arith.constant 26 : i32
      %div3A_621 = arith.divsi %add3A_617, %jit3A_620 : i32
      %sign3A_622 = arith.constant 0 : i32
      %sign3A_623 = arith.cmpi sgt, %add3A_617, %sign3A_622 : i32
      %sign3A_624 = arith.extui %sign3A_623 : i1 to i32
      %sign3A_625 = arith.constant 0 : i32
      %sign3A_626 = arith.cmpi slt, %add3A_617, %sign3A_625 : i32
      %sign3A_627 = arith.extui %sign3A_626 : i1 to i32
      %sign3A_628 = arith.subi %sign3A_624, %sign3A_627 : i32
      %sign3A_629 = arith.constant 0 : i32
      %sign3A_630 = arith.cmpi sgt, %jit3A_620, %sign3A_629 : i32
      %sign3A_631 = arith.extui %sign3A_630 : i1 to i32
      %sign3A_632 = arith.constant 0 : i32
      %sign3A_633 = arith.cmpi slt, %jit3A_620, %sign3A_632 : i32
      %sign3A_634 = arith.extui %sign3A_633 : i1 to i32
      %sign3A_635 = arith.subi %sign3A_631, %sign3A_634 : i32
      %ne3A_636 = arith.cmpi ne, %sign3A_628, %sign3A_635 : i32
      %rem3A_637 = arith.remsi %add3A_617, %jit3A_620 : i32
      %ne3A_638 = arith.constant 0 : i32
      %ne3A_639 = arith.cmpi ne, %rem3A_637, %ne3A_638 : i32
      %and3A_640 = arith.andi %ne3A_636, %ne3A_639 : i1
      %sub3A_641 = arith.constant 1 : i32
      %sub3A_642 = arith.subi %div3A_621, %sub3A_641 : i32
      %select_n3A_643 = arith.select %and3A_640, %sub3A_642, %div3A_621 : i32
      %mul3A_644 = arith.constant 512 : i32
      %mul3A_645 = arith.muli %add3A, %mul3A_644 : i32
      %mul3A_646 = arith.constant 128 : i32
      %mul3A_647 = arith.muli %select_n3A_643, %mul3A_646 : i32
      %add3A_648 = arith.addi %mul3A_645, %mul3A_647 : i32
      %dma_start3A_649 = arith.constant 0 : i32
      %dma_start3A_650 = tpu.memref_slice %arg4[%rem3A_619, %dma_start3A_649, %add3A_648] : memref<26x64x16384xf32, #tpu.memory_space<hbm>> -> memref<1x64x128xf32, #tpu.memory_space<hbm>>
      %dma_start3A_651 = tpu.memref_squeeze %dma_start3A_650 : memref<1x64x128xf32, #tpu.memory_space<hbm>> -> memref<64x128xf32, #tpu.memory_space<hbm>>
      %dma_start3A_652 = arith.constant 0 : i32
      %dma_start3A_653 = tpu.memref_slice %arg4[%rem3A_619, %dma_start3A_652, %add3A_648] : memref<26x64x16384xf32, #tpu.memory_space<hbm>> -> memref<1x64x128xf32, #tpu.memory_space<hbm>>
      %dma_start3A_654 = tpu.memref_squeeze %dma_start3A_653 : memref<1x64x128xf32, #tpu.memory_space<hbm>> -> memref<64x128xf32, #tpu.memory_space<hbm>>
      tpu.enqueue_dma source(%arg11 : memref<64x128xf32, #tpu.memory_space<vmem>>) target(%dma_start3A_654 : memref<64x128xf32, #tpu.memory_space<hbm>>) target_semaphore(%arg15 : memref<!tpu.dma_semaphore, #tpu.memory_space<semaphore_mem>>)
      %add3A_655 = arith.constant 3 : i32
      %add3A_656 = arith.addi %mul3A_409, %add3A_655 : i32
      %rem3A_657 = arith.constant 26 : i32
      %rem3A_658 = arith.remsi %add3A_656, %rem3A_657 : i32
      %jit3A_659 = arith.constant 26 : i32
      %div3A_660 = arith.divsi %add3A_656, %jit3A_659 : i32
      %sign3A_661 = arith.constant 0 : i32
      %sign3A_662 = arith.cmpi sgt, %add3A_656, %sign3A_661 : i32
      %sign3A_663 = arith.extui %sign3A_662 : i1 to i32
      %sign3A_664 = arith.constant 0 : i32
      %sign3A_665 = arith.cmpi slt, %add3A_656, %sign3A_664 : i32
      %sign3A_666 = arith.extui %sign3A_665 : i1 to i32
      %sign3A_667 = arith.subi %sign3A_663, %sign3A_666 : i32
      %sign3A_668 = arith.constant 0 : i32
      %sign3A_669 = arith.cmpi sgt, %jit3A_659, %sign3A_668 : i32
      %sign3A_670 = arith.extui %sign3A_669 : i1 to i32
      %sign3A_671 = arith.constant 0 : i32
      %sign3A_672 = arith.cmpi slt, %jit3A_659, %sign3A_671 : i32
      %sign3A_673 = arith.extui %sign3A_672 : i1 to i32
      %sign3A_674 = arith.subi %sign3A_670, %sign3A_673 : i32
      %ne3A_675 = arith.cmpi ne, %sign3A_667, %sign3A_674 : i32
      %rem3A_676 = arith.remsi %add3A_656, %jit3A_659 : i32
      %ne3A_677 = arith.constant 0 : i32
      %ne3A_678 = arith.cmpi ne, %rem3A_676, %ne3A_677 : i32
      %and3A_679 = arith.andi %ne3A_675, %ne3A_678 : i1
      %sub3A_680 = arith.constant 1 : i32
      %sub3A_681 = arith.subi %div3A_660, %sub3A_680 : i32
      %select_n3A_682 = arith.select %and3A_679, %sub3A_681, %div3A_660 : i32
      %mul3A_683 = arith.constant 3328 : i32
      %mul3A_684 = arith.muli %select_n3A_682, %mul3A_683 : i32
      %add3A_685 = arith.addi %mul3A_684, %rem3A_658 : i32
      %add3A_686 = vector.broadcast %add3A_685 : i32 to vector<16xi32>
      %add3A_687 = arith.addi %add3A_8, %add3A_686 : vector<16xi32>
      %gather3A_688 = tpu.vector_load_idx %arg5[%add3A_687] : memref<13312xi32, #tpu.memory_space<vmem>>[vector<16xi32>], vector<16xi32>,
      %swap3A_689 = arith.constant 0 : index
      %swap3A_690 = tpu.vector_load %arg7[%swap3A_689] {strides = array<i32>} : memref<128xi32, #tpu.memory_space<vmem>>, vector<16xi32>,
      tpu.vector_store %arg7[%swap3A_689], %gather3A_688 {strides = array<i32>} : memref<128xi32, #tpu.memory_space<vmem>>, vector<16xi32>,
      %add3A_691 = vector.broadcast %add3A_685 : i32 to vector<16xi32>
      %add3A_692 = arith.addi %add3A_14, %add3A_691 : vector<16xi32>
      %gather3A_693 = tpu.vector_load_idx %arg5[%add3A_692] : memref<13312xi32, #tpu.memory_space<vmem>>[vector<16xi32>], vector<16xi32>,
      %swap3A_694 = arith.constant 16 : index
      %swap3A_695 = tpu.vector_load %arg7[%swap3A_694] {strides = array<i32>} : memref<128xi32, #tpu.memory_space<vmem>>, vector<16xi32>,
      tpu.vector_store %arg7[%swap3A_694], %gather3A_693 {strides = array<i32>} : memref<128xi32, #tpu.memory_space<vmem>>, vector<16xi32>,
      %add3A_696 = vector.broadcast %add3A_685 : i32 to vector<16xi32>
      %add3A_697 = arith.addi %add3A_20, %add3A_696 : vector<16xi32>
      %gather3A_698 = tpu.vector_load_idx %arg5[%add3A_697] : memref<13312xi32, #tpu.memory_space<vmem>>[vector<16xi32>], vector<16xi32>,
      %swap3A_699 = arith.constant 32 : index
      %swap3A_700 = tpu.vector_load %arg7[%swap3A_699] {strides = array<i32>} : memref<128xi32, #tpu.memory_space<vmem>>, vector<16xi32>,
      tpu.vector_store %arg7[%swap3A_699], %gather3A_698 {strides = array<i32>} : memref<128xi32, #tpu.memory_space<vmem>>, vector<16xi32>,
      %add3A_701 = vector.broadcast %add3A_685 : i32 to vector<16xi32>
      %add3A_702 = arith.addi %add3A_26, %add3A_701 : vector<16xi32>
      %gather3A_703 = tpu.vector_load_idx %arg5[%add3A_702] : memref<13312xi32, #tpu.memory_space<vmem>>[vector<16xi32>], vector<16xi32>,
      %swap3A_704 = arith.constant 48 : index
      %swap3A_705 = tpu.vector_load %arg7[%swap3A_704] {strides = array<i32>} : memref<128xi32, #tpu.memory_space<vmem>>, vector<16xi32>,
      tpu.vector_store %arg7[%swap3A_704], %gather3A_703 {strides = array<i32>} : memref<128xi32, #tpu.memory_space<vmem>>, vector<16xi32>,
      %add3A_706 = vector.broadcast %add3A_685 : i32 to vector<16xi32>
      %add3A_707 = arith.addi %add3A_32, %add3A_706 : vector<16xi32>
      %gather3A_708 = tpu.vector_load_idx %arg5[%add3A_707] : memref<13312xi32, #tpu.memory_space<vmem>>[vector<16xi32>], vector<16xi32>,
      %swap3A_709 = arith.constant 64 : index
      %swap3A_710 = tpu.vector_load %arg7[%swap3A_709] {strides = array<i32>} : memref<128xi32, #tpu.memory_space<vmem>>, vector<16xi32>,
      tpu.vector_store %arg7[%swap3A_709], %gather3A_708 {strides = array<i32>} : memref<128xi32, #tpu.memory_space<vmem>>, vector<16xi32>,
      %add3A_711 = vector.broadcast %add3A_685 : i32 to vector<16xi32>
      %add3A_712 = arith.addi %add3A_38, %add3A_711 : vector<16xi32>
      %gather3A_713 = tpu.vector_load_idx %arg5[%add3A_712] : memref<13312xi32, #tpu.memory_space<vmem>>[vector<16xi32>], vector<16xi32>,
      %swap3A_714 = arith.constant 80 : index
      %swap3A_715 = tpu.vector_load %arg7[%swap3A_714] {strides = array<i32>} : memref<128xi32, #tpu.memory_space<vmem>>, vector<16xi32>,
      tpu.vector_store %arg7[%swap3A_714], %gather3A_713 {strides = array<i32>} : memref<128xi32, #tpu.memory_space<vmem>>, vector<16xi32>,
      %add3A_716 = vector.broadcast %add3A_685 : i32 to vector<16xi32>
      %add3A_717 = arith.addi %add3A_44, %add3A_716 : vector<16xi32>
      %gather3A_718 = tpu.vector_load_idx %arg5[%add3A_717] : memref<13312xi32, #tpu.memory_space<vmem>>[vector<16xi32>], vector<16xi32>,
      %swap3A_719 = arith.constant 96 : index
      %swap3A_720 = tpu.vector_load %arg7[%swap3A_719] {strides = array<i32>} : memref<128xi32, #tpu.memory_space<vmem>>, vector<16xi32>,
      tpu.vector_store %arg7[%swap3A_719], %gather3A_718 {strides = array<i32>} : memref<128xi32, #tpu.memory_space<vmem>>, vector<16xi32>,
      %add3A_721 = vector.broadcast %add3A_685 : i32 to vector<16xi32>
      %add3A_722 = arith.addi %add3A_50, %add3A_721 : vector<16xi32>
      %gather3A_723 = tpu.vector_load_idx %arg5[%add3A_722] : memref<13312xi32, #tpu.memory_space<vmem>>[vector<16xi32>], vector<16xi32>,
      %swap3A_724 = arith.constant 112 : index
      %swap3A_725 = tpu.vector_load %arg7[%swap3A_724] {strides = array<i32>} : memref<128xi32, #tpu.memory_space<vmem>>, vector<16xi32>,
      tpu.vector_store %arg7[%swap3A_724], %gather3A_723 {strides = array<i32>} : memref<128xi32, #tpu.memory_space<vmem>>, vector<16xi32>,
      %dma_start3A_726 = arith.constant 0 : i32
      %dma_start3A_727 = arith.constant 0 : i32
      %dma_start3A_728 = tpu.memref_slice %arg2[%dma_start3A_726, %dma_start3A_727] : memref<1000000x128xf32, #tpu.memory_space<hbm>> -> memref<1000000x128xf32, #tpu.memory_space<hbm>>
      tpu.enqueue_indirect_dma source(%dma_start3A_728 : memref<1000000x128xf32, #tpu.memory_space<hbm>>) target(%arg9 : memref<128x128xf32, #tpu.memory_space<vmem>>) offsets(%arg7 : memref<128xi32, #tpu.memory_space<vmem>>) semaphore(%arg13 : memref<!tpu.dma_semaphore, #tpu.memory_space<semaphore_mem>>)
    }
    %scan3A_304 = arith.constant 50 : i32
    %dma_wait3A_305 = arith.constant 0 : i32
    %dma_wait3A_306 = arith.constant 0 : i32
    %dma_wait3A_307 = tpu.memref_slice %arg2[%dma_wait3A_305, %dma_wait3A_306] : memref<1000000x128xf32, #tpu.memory_space<hbm>> -> memref<128x128xf32, #tpu.memory_space<hbm>>
    %dma_wait3A_308 = arith.constant 0 : i32
    %dma_wait3A_309 = arith.constant 0 : i32
    %dma_wait3A_310 = tpu.memref_slice %arg2[%dma_wait3A_308, %dma_wait3A_309] : memref<1000000x128xf32, #tpu.memory_space<hbm>> -> memref<128x128xf32, #tpu.memory_space<hbm>>
    tpu.wait_dma2 semaphore(%arg12 : memref<!tpu.dma_semaphore, #tpu.memory_space<semaphore_mem>>) src(%dma_wait3A_310 : memref<128x128xf32, #tpu.memory_space<hbm>>) dst(%arg8 : memref<128x128xf32, #tpu.memory_space<vmem>>)
    %rem3A_311 = arith.constant 100 : i32
    %rem3A_312 = arith.constant 26 : i32
    %rem3A_313 = arith.remsi %rem3A_311, %rem3A_312 : i32
    %mul3A_314 = arith.constant 512 : i32
    %mul3A_315 = arith.muli %add3A, %mul3A_314 : i32
    %add3A_316 = arith.constant 384 : i32
    %add3A_317 = arith.addi %mul3A_315, %add3A_316 : i32
    %dma_wait3A_318 = arith.constant 0 : i32
    %dma_wait3A_319 = tpu.memref_slice %arg4[%rem3A_313, %dma_wait3A_318, %add3A_317] : memref<26x64x16384xf32, #tpu.memory_space<hbm>> -> memref<1x64x128xf32, #tpu.memory_space<hbm>>
    %dma_wait3A_320 = tpu.memref_squeeze %dma_wait3A_319 : memref<1x64x128xf32, #tpu.memory_space<hbm>> -> memref<64x128xf32, #tpu.memory_space<hbm>>
    %dma_wait3A_321 = arith.constant 0 : i32
    %dma_wait3A_322 = tpu.memref_slice %arg4[%rem3A_313, %dma_wait3A_321, %add3A_317] : memref<26x64x16384xf32, #tpu.memory_space<hbm>> -> memref<1x64x128xf32, #tpu.memory_space<hbm>>
    %dma_wait3A_323 = tpu.memref_squeeze %dma_wait3A_322 : memref<1x64x128xf32, #tpu.memory_space<hbm>> -> memref<64x128xf32, #tpu.memory_space<hbm>>
    tpu.wait_dma2 semaphore(%arg14 : memref<!tpu.dma_semaphore, #tpu.memory_space<semaphore_mem>>) src(%arg10 : memref<64x128xf32, #tpu.memory_space<vmem>>) dst(%dma_wait3A_323 : memref<64x128xf32, #tpu.memory_space<hbm>>)
    %scan3A_324 = arith.constant 0 : i32
    %scan3A_325 = arith.constant 0 : i32
    %scan3A_326 = arith.constant 32 : i32
    %scan3A_327 = arith.addi %scan3A_325, %scan3A_326 : i32
    %scan3A_328 = arith.constant 1 : i32
    scf.for %scan3A_407 = %scan3A_325 to %scan3A_327 step %scan3A_328  : i32 {
      %mul3A_408 = arith.constant 4 : i32
      %mul3A_409 = arith.muli %scan3A_407, %mul3A_408 : i32
      %add3A_410 = arith.constant 0 : i32
      %add3A_411 = arith.addi %mul3A_409, %add3A_410 : i32
      %broadcast_in_dim3A = vector.broadcast %add3A_411 : i32 to vector<16xi32>
      %get3A = arith.index_cast %add3A_411 : i32 to index
      %get3A_412 = arith.constant 0 : index
      %get3A_413 = tpu.vector_load %arg8[%get3A, %get3A_412] {strides = array<i32>} : memref<128x128xf32, #tpu.memory_space<vmem>>, vector<16xf32>,
      tpu.vector_store_idx %arg10[%add3A_53, %broadcast_in_dim3A], %get3A_413 : memref<64x128xf32, #tpu.memory_space<vmem>>[vector<16xi32>, vector<16xi32>], vector<16xf32>,
      %get3A_414 = arith.index_cast %add3A_411 : i32 to index
      %get3A_415 = arith.constant 16 : index
      %get3A_416 = tpu.vector_load %arg8[%get3A_414, %get3A_415] {strides = array<i32>} : memref<128x128xf32, #tpu.memory_space<vmem>>, vector<16xf32>,
      tpu.vector_store_idx %arg10[%add3A_56, %broadcast_in_dim3A], %get3A_416 : memref<64x128xf32, #tpu.memory_space<vmem>>[vector<16xi32>, vector<16xi32>], vector<16xf32>,
      %get3A_417 = arith.index_cast %add3A_411 : i32 to index
      %get3A_418 = arith.constant 32 : index
      %get3A_419 = tpu.vector_load %arg8[%get3A_417, %get3A_418] {strides = array<i32>} : memref<128x128xf32, #tpu.memory_space<vmem>>, vector<16xf32>,
      tpu.vector_store_idx %arg10[%add3A_59, %broadcast_in_dim3A], %get3A_419 : memref<64x128xf32, #tpu.memory_space<vmem>>[vector<16xi32>, vector<16xi32>], vector<16xf32>,
      %get3A_420 = arith.index_cast %add3A_411 : i32 to index
      %get3A_421 = arith.constant 48 : index
      %get3A_422 = tpu.vector_load %arg8[%get3A_420, %get3A_421] {strides = array<i32>} : memref<128x128xf32, #tpu.memory_space<vmem>>, vector<16xf32>,
      tpu.vector_store_idx %arg10[%add3A_62, %broadcast_in_dim3A], %get3A_422 : memref<64x128xf32, #tpu.memory_space<vmem>>[vector<16xi32>, vector<16xi32>], vector<16xf32>,
      %mul3A_423 = arith.constant 4 : i32
      %mul3A_424 = arith.muli %scan3A_407, %mul3A_423 : i32
      %add3A_425 = arith.constant 1 : i32
      %add3A_426 = arith.addi %mul3A_424, %add3A_425 : i32
      %broadcast_in_dim3A_427 = vector.broadcast %add3A_426 : i32 to vector<16xi32>
      %get3A_428 = arith.index_cast %add3A_426 : i32 to index
      %get3A_429 = arith.constant 0 : index
      %get3A_430 = tpu.vector_load %arg8[%get3A_428, %get3A_429] {strides = array<i32>} : memref<128x128xf32, #tpu.memory_space<vmem>>, vector<16xf32>,
      tpu.vector_store_idx %arg10[%add3A_53, %broadcast_in_dim3A_427], %get3A_430 : memref<64x128xf32, #tpu.memory_space<vmem>>[vector<16xi32>, vector<16xi32>], vector<16xf32>,
      %get3A_431 = arith.index_cast %add3A_426 : i32 to index
      %get3A_432 = arith.constant 16 : index
      %get3A_433 = tpu.vector_load %arg8[%get3A_431, %get3A_432] {strides = array<i32>} : memref<128x128xf32, #tpu.memory_space<vmem>>, vector<16xf32>,
      tpu.vector_store_idx %arg10[%add3A_56, %broadcast_in_dim3A_427], %get3A_433 : memref<64x128xf32, #tpu.memory_space<vmem>>[vector<16xi32>, vector<16xi32>], vector<16xf32>,
      %get3A_434 = arith.index_cast %add3A_426 : i32 to index
      %get3A_435 = arith.constant 32 : index
      %get3A_436 = tpu.vector_load %arg8[%get3A_434, %get3A_435] {strides = array<i32>} : memref<128x128xf32, #tpu.memory_space<vmem>>, vector<16xf32>,
      tpu.vector_store_idx %arg10[%add3A_59, %broadcast_in_dim3A_427], %get3A_436 : memref<64x128xf32, #tpu.memory_space<vmem>>[vector<16xi32>, vector<16xi32>], vector<16xf32>,
      %get3A_437 = arith.index_cast %add3A_426 : i32 to index
      %get3A_438 = arith.constant 48 : index
      %get3A_439 = tpu.vector_load %arg8[%get3A_437, %get3A_438] {strides = array<i32>} : memref<128x128xf32, #tpu.memory_space<vmem>>, vector<16xf32>,
      tpu.vector_store_idx %arg10[%add3A_62, %broadcast_in_dim3A_427], %get3A_439 : memref<64x128xf32, #tpu.memory_space<vmem>>[vector<16xi32>, vector<16xi32>], vector<16xf32>,
      %mul3A_440 = arith.constant 4 : i32
      %mul3A_441 = arith.muli %scan3A_407, %mul3A_440 : i32
      %add3A_442 = arith.constant 2 : i32
      %add3A_443 = arith.addi %mul3A_441, %add3A_442 : i32
      %broadcast_in_dim3A_444 = vector.broadcast %add3A_443 : i32 to vector<16xi32>
      %get3A_445 = arith.index_cast %add3A_443 : i32 to index
      %get3A_446 = arith.constant 0 : index
      %get3A_447 = tpu.vector_load %arg8[%get3A_445, %get3A_446] {strides = array<i32>} : memref<128x128xf32, #tpu.memory_space<vmem>>, vector<16xf32>,
      tpu.vector_store_idx %arg10[%add3A_53, %broadcast_in_dim3A_444], %get3A_447 : memref<64x128xf32, #tpu.memory_space<vmem>>[vector<16xi32>, vector<16xi32>], vector<16xf32>,
      %get3A_448 = arith.index_cast %add3A_443 : i32 to index
      %get3A_449 = arith.constant 16 : index
      %get3A_450 = tpu.vector_load %arg8[%get3A_448, %get3A_449] {strides = array<i32>} : memref<128x128xf32, #tpu.memory_space<vmem>>, vector<16xf32>,
      tpu.vector_store_idx %arg10[%add3A_56, %broadcast_in_dim3A_444], %get3A_450 : memref<64x128xf32, #tpu.memory_space<vmem>>[vector<16xi32>, vector<16xi32>], vector<16xf32>,
      %get3A_451 = arith.index_cast %add3A_443 : i32 to index
      %get3A_452 = arith.constant 32 : index
      %get3A_453 = tpu.vector_load %arg8[%get3A_451, %get3A_452] {strides = array<i32>} : memref<128x128xf32, #tpu.memory_space<vmem>>, vector<16xf32>,
      tpu.vector_store_idx %arg10[%add3A_59, %broadcast_in_dim3A_444], %get3A_453 : memref<64x128xf32, #tpu.memory_space<vmem>>[vector<16xi32>, vector<16xi32>], vector<16xf32>,
      %get3A_454 = arith.index_cast %add3A_443 : i32 to index
      %get3A_455 = arith.constant 48 : index
      %get3A_456 = tpu.vector_load %arg8[%get3A_454, %get3A_455] {strides = array<i32>} : memref<128x128xf32, #tpu.memory_space<vmem>>, vector<16xf32>,
      tpu.vector_store_idx %arg10[%add3A_62, %broadcast_in_dim3A_444], %get3A_456 : memref<64x128xf32, #tpu.memory_space<vmem>>[vector<16xi32>, vector<16xi32>], vector<16xf32>,
      %mul3A_457 = arith.constant 4 : i32
      %mul3A_458 = arith.muli %scan3A_407, %mul3A_457 : i32
      %add3A_459 = arith.constant 3 : i32
      %add3A_460 = arith.addi %mul3A_458, %add3A_459 : i32
      %broadcast_in_dim3A_461 = vector.broadcast %add3A_460 : i32 to vector<16xi32>
      %get3A_462 = arith.index_cast %add3A_460 : i32 to index
      %get3A_463 = arith.constant 0 : index
      %get3A_464 = tpu.vector_load %arg8[%get3A_462, %get3A_463] {strides = array<i32>} : memref<128x128xf32, #tpu.memory_space<vmem>>, vector<16xf32>,
      tpu.vector_store_idx %arg10[%add3A_53, %broadcast_in_dim3A_461], %get3A_464 : memref<64x128xf32, #tpu.memory_space<vmem>>[vector<16xi32>, vector<16xi32>], vector<16xf32>,
      %get3A_465 = arith.index_cast %add3A_460 : i32 to index
      %get3A_466 = arith.constant 16 : index
      %get3A_467 = tpu.vector_load %arg8[%get3A_465, %get3A_466] {strides = array<i32>} : memref<128x128xf32, #tpu.memory_space<vmem>>, vector<16xf32>,
      tpu.vector_store_idx %arg10[%add3A_56, %broadcast_in_dim3A_461], %get3A_467 : memref<64x128xf32, #tpu.memory_space<vmem>>[vector<16xi32>, vector<16xi32>], vector<16xf32>,
      %get3A_468 = arith.index_cast %add3A_460 : i32 to index
      %get3A_469 = arith.constant 32 : index
      %get3A_470 = tpu.vector_load %arg8[%get3A_468, %get3A_469] {strides = array<i32>} : memref<128x128xf32, #tpu.memory_space<vmem>>, vector<16xf32>,
      tpu.vector_store_idx %arg10[%add3A_59, %broadcast_in_dim3A_461], %get3A_470 : memref<64x128xf32, #tpu.memory_space<vmem>>[vector<16xi32>, vector<16xi32>], vector<16xf32>,
      %get3A_471 = arith.index_cast %add3A_460 : i32 to index
      %get3A_472 = arith.constant 48 : index
      %get3A_473 = tpu.vector_load %arg8[%get3A_471, %get3A_472] {strides = array<i32>} : memref<128x128xf32, #tpu.memory_space<vmem>>, vector<16xf32>,
      tpu.vector_store_idx %arg10[%add3A_62, %broadcast_in_dim3A_461], %get3A_473 : memref<64x128xf32, #tpu.memory_space<vmem>>[vector<16xi32>, vector<16xi32>], vector<16xf32>,
    }
    %scan3A_329 = arith.constant 32 : i32
    %rem3A_330 = arith.constant 102 : i32
    %rem3A_331 = arith.constant 26 : i32
    %rem3A_332 = arith.remsi %rem3A_330, %rem3A_331 : i32
    %mul3A_333 = arith.constant 512 : i32
    %mul3A_334 = arith.muli %add3A, %mul3A_333 : i32
    %add3A_335 = arith.constant 384 : i32
    %add3A_336 = arith.addi %mul3A_334, %add3A_335 : i32
    %dma_start3A_337 = arith.constant 0 : i32
    %dma_start3A_338 = tpu.memref_slice %arg4[%rem3A_332, %dma_start3A_337, %add3A_336] : memref<26x64x16384xf32, #tpu.memory_space<hbm>> -> memref<1x64x128xf32, #tpu.memory_space<hbm>>
    %dma_start3A_339 = tpu.memref_squeeze %dma_start3A_338 : memref<1x64x128xf32, #tpu.memory_space<hbm>> -> memref<64x128xf32, #tpu.memory_space<hbm>>
    %dma_start3A_340 = arith.constant 0 : i32
    %dma_start3A_341 = tpu.memref_slice %arg4[%rem3A_332, %dma_start3A_340, %add3A_336] : memref<26x64x16384xf32, #tpu.memory_space<hbm>> -> memref<1x64x128xf32, #tpu.memory_space<hbm>>
    %dma_start3A_342 = tpu.memref_squeeze %dma_start3A_341 : memref<1x64x128xf32, #tpu.memory_space<hbm>> -> memref<64x128xf32, #tpu.memory_space<hbm>>
    tpu.enqueue_dma source(%arg10 : memref<64x128xf32, #tpu.memory_space<vmem>>) target(%dma_start3A_342 : memref<64x128xf32, #tpu.memory_space<hbm>>) target_semaphore(%arg14 : memref<!tpu.dma_semaphore, #tpu.memory_space<semaphore_mem>>)
    %dma_wait3A_343 = arith.constant 0 : i32
    %dma_wait3A_344 = arith.constant 0 : i32
    %dma_wait3A_345 = tpu.memref_slice %arg2[%dma_wait3A_343, %dma_wait3A_344] : memref<1000000x128xf32, #tpu.memory_space<hbm>> -> memref<128x128xf32, #tpu.memory_space<hbm>>
    %dma_wait3A_346 = arith.constant 0 : i32
    %dma_wait3A_347 = arith.constant 0 : i32
    %dma_wait3A_348 = tpu.memref_slice %arg2[%dma_wait3A_346, %dma_wait3A_347] : memref<1000000x128xf32, #tpu.memory_space<hbm>> -> memref<128x128xf32, #tpu.memory_space<hbm>>
    tpu.wait_dma2 semaphore(%arg13 : memref<!tpu.dma_semaphore, #tpu.memory_space<semaphore_mem>>) src(%dma_wait3A_348 : memref<128x128xf32, #tpu.memory_space<hbm>>) dst(%arg9 : memref<128x128xf32, #tpu.memory_space<vmem>>)
    %rem3A_349 = arith.constant 101 : i32
    %rem3A_350 = arith.constant 26 : i32
    %rem3A_351 = arith.remsi %rem3A_349, %rem3A_350 : i32
    %mul3A_352 = arith.constant 512 : i32
    %mul3A_353 = arith.muli %add3A, %mul3A_352 : i32
    %add3A_354 = arith.constant 384 : i32
    %add3A_355 = arith.addi %mul3A_353, %add3A_354 : i32
    %dma_wait3A_356 = arith.constant 0 : i32
    %dma_wait3A_357 = tpu.memref_slice %arg4[%rem3A_351, %dma_wait3A_356, %add3A_355] : memref<26x64x16384xf32, #tpu.memory_space<hbm>> -> memref<1x64x128xf32, #tpu.memory_space<hbm>>
    %dma_wait3A_358 = tpu.memref_squeeze %dma_wait3A_357 : memref<1x64x128xf32, #tpu.memory_space<hbm>> -> memref<64x128xf32, #tpu.memory_space<hbm>>
    %dma_wait3A_359 = arith.constant 0 : i32
    %dma_wait3A_360 = tpu.memref_slice %arg4[%rem3A_351, %dma_wait3A_359, %add3A_355] : memref<26x64x16384xf32, #tpu.memory_space<hbm>> -> memref<1x64x128xf32, #tpu.memory_space<hbm>>
    %dma_wait3A_361 = tpu.memref_squeeze %dma_wait3A_360 : memref<1x64x128xf32, #tpu.memory_space<hbm>> -> memref<64x128xf32, #tpu.memory_space<hbm>>
    tpu.wait_dma2 semaphore(%arg15 : memref<!tpu.dma_semaphore, #tpu.memory_space<semaphore_mem>>) src(%arg11 : memref<64x128xf32, #tpu.memory_space<vmem>>) dst(%dma_wait3A_361 : memref<64x128xf32, #tpu.memory_space<hbm>>)
    %scan3A_362 = arith.constant 0 : i32
    %scan3A_363 = arith.constant 0 : i32
    %scan3A_364 = arith.constant 32 : i32
    %scan3A_365 = arith.addi %scan3A_363, %scan3A_364 : i32
    %scan3A_366 = arith.constant 1 : i32
    scf.for %scan3A_407 = %scan3A_363 to %scan3A_365 step %scan3A_366  : i32 {
      %mul3A_408 = arith.constant 4 : i32
      %mul3A_409 = arith.muli %scan3A_407, %mul3A_408 : i32
      %add3A_410 = arith.constant 0 : i32
      %add3A_411 = arith.addi %mul3A_409, %add3A_410 : i32
      %broadcast_in_dim3A = vector.broadcast %add3A_411 : i32 to vector<16xi32>
      %get3A = arith.index_cast %add3A_411 : i32 to index
      %get3A_412 = arith.constant 0 : index
      %get3A_413 = tpu.vector_load %arg9[%get3A, %get3A_412] {strides = array<i32>} : memref<128x128xf32, #tpu.memory_space<vmem>>, vector<16xf32>,
      tpu.vector_store_idx %arg11[%add3A_53, %broadcast_in_dim3A], %get3A_413 : memref<64x128xf32, #tpu.memory_space<vmem>>[vector<16xi32>, vector<16xi32>], vector<16xf32>,
      %get3A_414 = arith.index_cast %add3A_411 : i32 to index
      %get3A_415 = arith.constant 16 : index
      %get3A_416 = tpu.vector_load %arg9[%get3A_414, %get3A_415] {strides = array<i32>} : memref<128x128xf32, #tpu.memory_space<vmem>>, vector<16xf32>,
      tpu.vector_store_idx %arg11[%add3A_56, %broadcast_in_dim3A], %get3A_416 : memref<64x128xf32, #tpu.memory_space<vmem>>[vector<16xi32>, vector<16xi32>], vector<16xf32>,
      %get3A_417 = arith.index_cast %add3A_411 : i32 to index
      %get3A_418 = arith.constant 32 : index
      %get3A_419 = tpu.vector_load %arg9[%get3A_417, %get3A_418] {strides = array<i32>} : memref<128x128xf32, #tpu.memory_space<vmem>>, vector<16xf32>,
      tpu.vector_store_idx %arg11[%add3A_59, %broadcast_in_dim3A], %get3A_419 : memref<64x128xf32, #tpu.memory_space<vmem>>[vector<16xi32>, vector<16xi32>], vector<16xf32>,
      %get3A_420 = arith.index_cast %add3A_411 : i32 to index
      %get3A_421 = arith.constant 48 : index
      %get3A_422 = tpu.vector_load %arg9[%get3A_420, %get3A_421] {strides = array<i32>} : memref<128x128xf32, #tpu.memory_space<vmem>>, vector<16xf32>,
      tpu.vector_store_idx %arg11[%add3A_62, %broadcast_in_dim3A], %get3A_422 : memref<64x128xf32, #tpu.memory_space<vmem>>[vector<16xi32>, vector<16xi32>], vector<16xf32>,
      %mul3A_423 = arith.constant 4 : i32
      %mul3A_424 = arith.muli %scan3A_407, %mul3A_423 : i32
      %add3A_425 = arith.constant 1 : i32
      %add3A_426 = arith.addi %mul3A_424, %add3A_425 : i32
      %broadcast_in_dim3A_427 = vector.broadcast %add3A_426 : i32 to vector<16xi32>
      %get3A_428 = arith.index_cast %add3A_426 : i32 to index
      %get3A_429 = arith.constant 0 : index
      %get3A_430 = tpu.vector_load %arg9[%get3A_428, %get3A_429] {strides = array<i32>} : memref<128x128xf32, #tpu.memory_space<vmem>>, vector<16xf32>,
      tpu.vector_store_idx %arg11[%add3A_53, %broadcast_in_dim3A_427], %get3A_430 : memref<64x128xf32, #tpu.memory_space<vmem>>[vector<16xi32>, vector<16xi32>], vector<16xf32>,
      %get3A_431 = arith.index_cast %add3A_426 : i32 to index
      %get3A_432 = arith.constant 16 : index
      %get3A_433 = tpu.vector_load %arg9[%get3A_431, %get3A_432] {strides = array<i32>} : memref<128x128xf32, #tpu.memory_space<vmem>>, vector<16xf32>,
      tpu.vector_store_idx %arg11[%add3A_56, %broadcast_in_dim3A_427], %get3A_433 : memref<64x128xf32, #tpu.memory_space<vmem>>[vector<16xi32>, vector<16xi32>], vector<16xf32>,
      %get3A_434 = arith.index_cast %add3A_426 : i32 to index
      %get3A_435 = arith.constant 32 : index
      %get3A_436 = tpu.vector_load %arg9[%get3A_434, %get3A_435] {strides = array<i32>} : memref<128x128xf32, #tpu.memory_space<vmem>>, vector<16xf32>,
      tpu.vector_store_idx %arg11[%add3A_59, %broadcast_in_dim3A_427], %get3A_436 : memref<64x128xf32, #tpu.memory_space<vmem>>[vector<16xi32>, vector<16xi32>], vector<16xf32>,
      %get3A_437 = arith.index_cast %add3A_426 : i32 to index
      %get3A_438 = arith.constant 48 : index
      %get3A_439 = tpu.vector_load %arg9[%get3A_437, %get3A_438] {strides = array<i32>} : memref<128x128xf32, #tpu.memory_space<vmem>>, vector<16xf32>,
      tpu.vector_store_idx %arg11[%add3A_62, %broadcast_in_dim3A_427], %get3A_439 : memref<64x128xf32, #tpu.memory_space<vmem>>[vector<16xi32>, vector<16xi32>], vector<16xf32>,
      %mul3A_440 = arith.constant 4 : i32
      %mul3A_441 = arith.muli %scan3A_407, %mul3A_440 : i32
      %add3A_442 = arith.constant 2 : i32
      %add3A_443 = arith.addi %mul3A_441, %add3A_442 : i32
      %broadcast_in_dim3A_444 = vector.broadcast %add3A_443 : i32 to vector<16xi32>
      %get3A_445 = arith.index_cast %add3A_443 : i32 to index
      %get3A_446 = arith.constant 0 : index
      %get3A_447 = tpu.vector_load %arg9[%get3A_445, %get3A_446] {strides = array<i32>} : memref<128x128xf32, #tpu.memory_space<vmem>>, vector<16xf32>,
      tpu.vector_store_idx %arg11[%add3A_53, %broadcast_in_dim3A_444], %get3A_447 : memref<64x128xf32, #tpu.memory_space<vmem>>[vector<16xi32>, vector<16xi32>], vector<16xf32>,
      %get3A_448 = arith.index_cast %add3A_443 : i32 to index
      %get3A_449 = arith.constant 16 : index
      %get3A_450 = tpu.vector_load %arg9[%get3A_448, %get3A_449] {strides = array<i32>} : memref<128x128xf32, #tpu.memory_space<vmem>>, vector<16xf32>,
      tpu.vector_store_idx %arg11[%add3A_56, %broadcast_in_dim3A_444], %get3A_450 : memref<64x128xf32, #tpu.memory_space<vmem>>[vector<16xi32>, vector<16xi32>], vector<16xf32>,
      %get3A_451 = arith.index_cast %add3A_443 : i32 to index
      %get3A_452 = arith.constant 32 : index
      %get3A_453 = tpu.vector_load %arg9[%get3A_451, %get3A_452] {strides = array<i32>} : memref<128x128xf32, #tpu.memory_space<vmem>>, vector<16xf32>,
      tpu.vector_store_idx %arg11[%add3A_59, %broadcast_in_dim3A_444], %get3A_453 : memref<64x128xf32, #tpu.memory_space<vmem>>[vector<16xi32>, vector<16xi32>], vector<16xf32>,
      %get3A_454 = arith.index_cast %add3A_443 : i32 to index
      %get3A_455 = arith.constant 48 : index
      %get3A_456 = tpu.vector_load %arg9[%get3A_454, %get3A_455] {strides = array<i32>} : memref<128x128xf32, #tpu.memory_space<vmem>>, vector<16xf32>,
      tpu.vector_store_idx %arg11[%add3A_62, %broadcast_in_dim3A_444], %get3A_456 : memref<64x128xf32, #tpu.memory_space<vmem>>[vector<16xi32>, vector<16xi32>], vector<16xf32>,
      %mul3A_457 = arith.constant 4 : i32
      %mul3A_458 = arith.muli %scan3A_407, %mul3A_457 : i32
      %add3A_459 = arith.constant 3 : i32
      %add3A_460 = arith.addi %mul3A_458, %add3A_459 : i32
      %broadcast_in_dim3A_461 = vector.broadcast %add3A_460 : i32 to vector<16xi32>
      %get3A_462 = arith.index_cast %add3A_460 : i32 to index
      %get3A_463 = arith.constant 0 : index
      %get3A_464 = tpu.vector_load %arg9[%get3A_462, %get3A_463] {strides = array<i32>} : memref<128x128xf32, #tpu.memory_space<vmem>>, vector<16xf32>,
      tpu.vector_store_idx %arg11[%add3A_53, %broadcast_in_dim3A_461], %get3A_464 : memref<64x128xf32, #tpu.memory_space<vmem>>[vector<16xi32>, vector<16xi32>], vector<16xf32>,
      %get3A_465 = arith.index_cast %add3A_460 : i32 to index
      %get3A_466 = arith.constant 16 : index
      %get3A_467 = tpu.vector_load %arg9[%get3A_465, %get3A_466] {strides = array<i32>} : memref<128x128xf32, #tpu.memory_space<vmem>>, vector<16xf32>,
      tpu.vector_store_idx %arg11[%add3A_56, %broadcast_in_dim3A_461], %get3A_467 : memref<64x128xf32, #tpu.memory_space<vmem>>[vector<16xi32>, vector<16xi32>], vector<16xf32>,
      %get3A_468 = arith.index_cast %add3A_460 : i32 to index
      %get3A_469 = arith.constant 32 : index
      %get3A_470 = tpu.vector_load %arg9[%get3A_468, %get3A_469] {strides = array<i32>} : memref<128x128xf32, #tpu.memory_space<vmem>>, vector<16xf32>,
      tpu.vector_store_idx %arg11[%add3A_59, %broadcast_in_dim3A_461], %get3A_470 : memref<64x128xf32, #tpu.memory_space<vmem>>[vector<16xi32>, vector<16xi32>], vector<16xf32>,
      %get3A_471 = arith.index_cast %add3A_460 : i32 to index
      %get3A_472 = arith.constant 48 : index
      %get3A_473 = tpu.vector_load %arg9[%get3A_471, %get3A_472] {strides = array<i32>} : memref<128x128xf32, #tpu.memory_space<vmem>>, vector<16xf32>,
      tpu.vector_store_idx %arg11[%add3A_62, %broadcast_in_dim3A_461], %get3A_473 : memref<64x128xf32, #tpu.memory_space<vmem>>[vector<16xi32>, vector<16xi32>], vector<16xf32>,
    }
    %scan3A_367 = arith.constant 32 : i32
    %rem3A_368 = arith.constant 103 : i32
    %rem3A_369 = arith.constant 26 : i32
    %rem3A_370 = arith.remsi %rem3A_368, %rem3A_369 : i32
    %mul3A_371 = arith.constant 512 : i32
    %mul3A_372 = arith.muli %add3A, %mul3A_371 : i32
    %add3A_373 = arith.constant 384 : i32
    %add3A_374 = arith.addi %mul3A_372, %add3A_373 : i32
    %dma_start3A_375 = arith.constant 0 : i32
    %dma_start3A_376 = tpu.memref_slice %arg4[%rem3A_370, %dma_start3A_375, %add3A_374] : memref<26x64x16384xf32, #tpu.memory_space<hbm>> -> memref<1x64x128xf32, #tpu.memory_space<hbm>>
    %dma_start3A_377 = tpu.memref_squeeze %dma_start3A_376 : memref<1x64x128xf32, #tpu.memory_space<hbm>> -> memref<64x128xf32, #tpu.memory_space<hbm>>
    %dma_start3A_378 = arith.constant 0 : i32
    %dma_start3A_379 = tpu.memref_slice %arg4[%rem3A_370, %dma_start3A_378, %add3A_374] : memref<26x64x16384xf32, #tpu.memory_space<hbm>> -> memref<1x64x128xf32, #tpu.memory_space<hbm>>
    %dma_start3A_380 = tpu.memref_squeeze %dma_start3A_379 : memref<1x64x128xf32, #tpu.memory_space<hbm>> -> memref<64x128xf32, #tpu.memory_space<hbm>>
    tpu.enqueue_dma source(%arg11 : memref<64x128xf32, #tpu.memory_space<vmem>>) target(%dma_start3A_380 : memref<64x128xf32, #tpu.memory_space<hbm>>) target_semaphore(%arg15 : memref<!tpu.dma_semaphore, #tpu.memory_space<semaphore_mem>>)
    %rem3A_381 = arith.constant 102 : i32
    %rem3A_382 = arith.constant 26 : i32
    %rem3A_383 = arith.remsi %rem3A_381, %rem3A_382 : i32
    %mul3A_384 = arith.constant 512 : i32
    %mul3A_385 = arith.muli %add3A, %mul3A_384 : i32
    %add3A_386 = arith.constant 384 : i32
    %add3A_387 = arith.addi %mul3A_385, %add3A_386 : i32
    %dma_wait3A_388 = arith.constant 0 : i32
    %dma_wait3A_389 = tpu.memref_slice %arg4[%rem3A_383, %dma_wait3A_388, %add3A_387] : memref<26x64x16384xf32, #tpu.memory_space<hbm>> -> memref<1x64x128xf32, #tpu.memory_space<hbm>>
    %dma_wait3A_390 = tpu.memref_squeeze %dma_wait3A_389 : memref<1x64x128xf32, #tpu.memory_space<hbm>> -> memref<64x128xf32, #tpu.memory_space<hbm>>
    %dma_wait3A_391 = arith.constant 0 : i32
    %dma_wait3A_392 = tpu.memref_slice %arg4[%rem3A_383, %dma_wait3A_391, %add3A_387] : memref<26x64x16384xf32, #tpu.memory_space<hbm>> -> memref<1x64x128xf32, #tpu.memory_space<hbm>>
    %dma_wait3A_393 = tpu.memref_squeeze %dma_wait3A_392 : memref<1x64x128xf32, #tpu.memory_space<hbm>> -> memref<64x128xf32, #tpu.memory_space<hbm>>
    tpu.wait_dma2 semaphore(%arg14 : memref<!tpu.dma_semaphore, #tpu.memory_space<semaphore_mem>>) src(%arg10 : memref<64x128xf32, #tpu.memory_space<vmem>>) dst(%dma_wait3A_393 : memref<64x128xf32, #tpu.memory_space<hbm>>)
    %rem3A_394 = arith.constant 103 : i32
    %rem3A_395 = arith.constant 26 : i32
    %rem3A_396 = arith.remsi %rem3A_394, %rem3A_395 : i32
    %mul3A_397 = arith.constant 512 : i32
    %mul3A_398 = arith.muli %add3A, %mul3A_397 : i32
    %add3A_399 = arith.constant 384 : i32
    %add3A_400 = arith.addi %mul3A_398, %add3A_399 : i32
    %dma_wait3A_401 = arith.constant 0 : i32
    %dma_wait3A_402 = tpu.memref_slice %arg4[%rem3A_396, %dma_wait3A_401, %add3A_400] : memref<26x64x16384xf32, #tpu.memory_space<hbm>> -> memref<1x64x128xf32, #tpu.memory_space<hbm>>
    %dma_wait3A_403 = tpu.memref_squeeze %dma_wait3A_402 : memref<1x64x128xf32, #tpu.memory_space<hbm>> -> memref<64x128xf32, #tpu.memory_space<hbm>>
    %dma_wait3A_404 = arith.constant 0 : i32
    %dma_wait3A_405 = tpu.memref_slice %arg4[%rem3A_396, %dma_wait3A_404, %add3A_400] : memref<26x64x16384xf32, #tpu.memory_space<hbm>> -> memref<1x64x128xf32, #tpu.memory_space<hbm>>
    %dma_wait3A_406 = tpu.memref_squeeze %dma_wait3A_405 : memref<1x64x128xf32, #tpu.memory_space<hbm>> -> memref<64x128xf32, #tpu.memory_space<hbm>>
    tpu.wait_dma2 semaphore(%arg15 : memref<!tpu.dma_semaphore, #tpu.memory_space<semaphore_mem>>) src(%arg11 : memref<64x128xf32, #tpu.memory_space<vmem>>) dst(%dma_wait3A_406 : memref<64x128xf32, #tpu.memory_space<hbm>>)
    return
  }
}

module attributes {stable_mosaic.version = 14 : i64} {
  func.func @_transpose_body(%arg0: i32, %arg1: memref<64x512xf32, #tpu.memory_space<vmem>>, %arg2: memref<512x128xf32, #tpu.memory_space<vmem>>) attributes {dimension_semantics = [#tpu.dimension_semantics<arbitrary>], iteration_bounds = array<i64: 1954>, scalar_prefetch = 0 : i64, scratch_operands = 0 : i64, tpu.core_type = #tpu.core_type<tc>, window_params = [{transform_indices = @transform_0, window_bounds = array<i64: 64, 512>}, {transform_indices = @transform_1, window_bounds = array<i64: 512, 128>}]} {
    %get3A = arith.constant 0 : index
    %get3A_0 = arith.constant 0 : index
    %get3A_1 = vector.load %arg1[%get3A, %get3A_0] : memref<64x512xf32, #tpu.memory_space<vmem>>, vector<64x512xf32>
    %transpose3A = tpu.transpose %get3A_1, [1, 0] : vector<64x512xf32> -> vector<512x64xf32>
    %broadcast_in_dim3A = arith.constant 0.000000e+00 : f32
    %broadcast_in_dim3A_2 = vector.broadcast %broadcast_in_dim3A : f32 to vector<512x64xf32>
    %concatenate3A = tpu.concatenate %transpose3A, %broadcast_in_dim3A_2 in 1 : vector<512x64xf32>, vector<512x64xf32> -> vector<512x128xf32>
    %swap3A = arith.constant 0 : index
    %swap3A_3 = arith.constant 0 : index
    %swap3A_4 = vector.load %arg2[%swap3A, %swap3A_3] : memref<512x128xf32, #tpu.memory_space<vmem>>, vector<512x128xf32>
    tpu.vector_store %arg2[%swap3A, %swap3A_3], %concatenate3A {strides = array<i32>} : memref<512x128xf32, #tpu.memory_space<vmem>>, vector<512x128xf32>,
    return
  }
  func.func @transform_0(%arg0: i32) -> (i32, i32) {
    %c0_i32 = arith.constant 0 : i32
    %c0_i32_0 = arith.constant 0 : i32
    return %c0_i32, %arg0 : i32, i32
  }
  func.func @transform_1(%arg0: i32) -> (i32, i32) {
    %c0_i32 = arith.constant 0 : i32
    %c0_i32_0 = arith.constant 0 : i32
    return %arg0, %c0_i32 : i32, i32
  }
}

</mosaic_0001>

<sc_bundles>
// kernel: kernel.4.cloned.1.call-start
scs
__scs_entry_jumppad:
0x0: {  	(pc) =	sbr.rel $0x88, $3  }
0x1: {  	(tag) =	ssettag $0x0;
	lr =	simm.s32 $0x1  }
0x2: {  	[smem:$0x3F9F] =	sst lr;
	_ =	strace $0xD0000000  }
0x3: {  	_ = 	snop  }
0x4: {  	_ = 	snop  }
0x5: {  	_ = 	snop  }
0x6: {  	_ = 	snop  }
0x7: {  	_ = 	snop  }
__scs_overlays_trampoline_lowered:
0x8: {  	[smem:$0x3FAE] =	sst s0  }
0x9: {  	[smem:$0x3FAF] =	sst s1  }
0xa: {  	[smem:$0x3FB0] =	sst s2  }
0xb: {  	[smem:$0x3FB1] =	sst s3  }
0xc: {  	[smem:$0x3FB2] =	sst s4  }
0xd: {  	[smem:$0x3FB3] =	sst s5  }
0xe: {  	[smem:$0x3FB4] =	sst s6  }
0xf: {  	[smem:$0x3FB5] =	sst s7  }
0x10: {  	[smem:$0x3FB6] =	sst s8  }
0x11: {  	[smem:$0x3FB7] =	sst s9;
	s0 =	simm.s32 @!p0 $0x0  }
0x12: {  	s1 =	sld [smem:$0x3F9D];
	s0 =	simm.s32 @p0 $0x1  }
0x13: {  	[smem:$0x3FB8] =	sst s0;
	s0 =	simm.s32 @!p1 $0x0  }
0x14: {  	s2 =	sld [smem:$0x3F9C];
	s0 =	simm.s32 @p1 $0x1  }
0x15: {  	[smem:$0x3FB9] =	sst s0;
	s0 =	simm.s32 @!p2 $0x0  }
0x16: {  	s3 =	sld [smem:$0x3FDB];
	s0 =	simm.s32 @p2 $0x1  }
0x17: {  	s4 =	simm.s32 $0x1BF5;
	[smem:$0x3FBB] =	sst s0  }
0x18: {  	s0 =	sld [smem:$0x3F9E];
	_ =	swait.ge [sflag:s4], $0x0  }
0x19: {  	s7 =	sld [smem:$0x3F9F]  }
0x1a: {  	s8 =	sadd.s32 $0xFFFFE003, lr  }
0x1b: {  	s9 =	sadd.s32 $0xFFFFFEF7, lr;
	s5 =	simm.s32 $0xFFFFFFFF;
	p2 =	slt.u32 s8, $0xFFFFF086  }
0x1c: {  	p1 =	slt.u32 s9, $0xF7A;
	s5 =	simm.s32 @!p2 $0x0  }
0x1d: {  	s5 =	simm.s32 @p1 $0x1;
	p0 =	seq.s32 s7, s2  }
0x1e: {  	s7 =	smul.u32 @!p0 $0xF7A, s2;
	p2 =	seq.s32 @!p0 s5, $0x0  }
0x1f: {  	s9 =	smul.u32 $0xF7A, s1;
	s8 =	simm.s32 @!p0 $0x1BF5;
	p2 =	por !p2, p0  }
0x20: {  	[sflag:s8] =	ssyncset.s32 @!p0 $0xFFFFF086;
	s6 =	sadd.s32 @!p0 s3, s7;
	s7 =	simm.s32 @!p0 $0x108  }
0x21: {  	s3 =	sadd.s32 s3, s9;
	s6 =	sadd.s32 @!p0 $0x88, s6;
	s7 =	simm.s32 @p2 $0x1082  }
0x22: {  	[simem:s7], [sflag:s8] =	dma.local @!p0 [hbm:s6], $0xF7A  }
0x23: {  	s9 =	sor.u32 $0xD0000000, s2;
	s6 =	simm.s32 $0x108;
	_ =	swait.ge @!p0 [sflag:s8], $0x0  }
0x24: {  	s3 =	sadd.s32 $0x88, s3;
	s6 =	simm.s32 @!p1 $0x1082;
	[sflag:s4] =	ssyncset.s32 $0xFFFFF086  }
0x25: {  	[simem:s6], [sflag:s4] =	dma.local [hbm:s3], $0xF7A  }
0x26: {  	[smem:$0x3F9F] =	sst s1;
	(tag) =	ssettag s2;
	_ =	strace s9  }
0x27: {  	s1 =	sld [smem:$0x3FAF]  }
0x28: {  	s2 =	sld [smem:$0x3FB0]  }
0x29: {  	s4 =	sld [smem:$0x3FB2]  }
0x2a: {  	p0 =	seq.s32 s5, $0x0;
	s5 =	sld [smem:$0x3FB3]  }
0x2b: {  	s6 =	sld [smem:$0x3FB4]  }
0x2c: {  	s7 =	sld [smem:$0x3FB5]  }
0x2d: {  	s3 =	simm.s32 $0x108;
	s8 =	sld [smem:$0x3FB6]  }
0x2e: {  	s3 =	simm.s32 @!p0 $0x1082;
	s9 =	sld [smem:$0x3FB7]  }
0x2f: {  	lr =	sadd.s32 s0, s3;
	s0 =	sld [smem:$0x3FAE]  }
0x30: {  	s3 =	sld [smem:$0x3FB1]  }
0x31: {  	[smem:$0x3FBA] =	sst s10  }
0x32: {  	s10 =	sld [smem:$0x3FB8];
	_ =	sdelay $0x3  }
0x33: {  	p0 =	seq.s32 s10, $0x1;
	s10 =	sld [smem:$0x3FBA];
	_ =	sdelay $0x3  }
0x34: {  	[smem:$0x3FBA] =	sst s10  }
0x35: {  	s10 =	sld [smem:$0x3FB9];
	_ =	sdelay $0x3  }
0x36: {  	p1 =	seq.s32 s10, $0x1;
	s10 =	sld [smem:$0x3FBA];
	_ =	sdelay $0x3  }
0x37: {  	[smem:$0x3FBA] =	sst s10  }
0x38: {  	s10 =	sld [smem:$0x3FBB]  }
0x39: {  	_ = 	snop;
	(pc) =	sbr.ind lr, $3  }
0x3a: {  	_ = 	snop  }
0x3b: {  	_ = 	snop  }
0x3c: {  	p2 =	seq.s32 s10, $0x1;
	s10 =	sld [smem:$0x3FBA]  }
0x3d: {  	_ =	shalt  }
0x3e: {  	_ =	shalt  }
0x3f: {  	_ =	shalt  }
0x40: {  	_ =	shalt  }
0x41: {  	_ =	shalt  }
0x42: {  	_ =	shalt  }
0x43: {  	_ =	shalt  }
0x44: {  	_ =	shalt  }
0x45: {  	_ =	shalt  }
0x46: {  	_ =	shalt  }
0x47: {  	_ =	shalt  }
0x48: {  	_ =	shalt  }
0x49: {  	_ =	shalt  }
0x4a: {  	_ =	shalt  }
0x4b: {  	_ =	shalt  }
0x4c: {  	_ =	shalt  }
0x4d: {  	_ =	shalt  }
0x4e: {  	_ =	shalt  }
0x4f: {  	_ =	shalt  }
0x50: {  	_ =	shalt  }
0x51: {  	_ =	shalt  }
0x52: {  	_ =	shalt  }
0x53: {  	_ =	shalt  }
0x54: {  	_ =	shalt  }
0x55: {  	_ =	shalt  }
0x56: {  	_ =	shalt  }
0x57: {  	_ =	shalt  }
0x58: {  	_ =	shalt  }
0x59: {  	_ =	shalt  }
0x5a: {  	_ =	shalt  }
0x5b: {  	_ =	shalt  }
0x5c: {  	_ =	shalt  }
0x5d: {  	_ =	shalt  }
0x5e: {  	_ =	shalt  }
0x5f: {  	_ =	shalt  }
0x60: {  	_ =	shalt  }
0x61: {  	_ =	shalt  }
0x62: {  	_ =	shalt  }
0x63: {  	_ =	shalt  }
0x64: {  	_ =	shalt  }
0x65: {  	_ =	shalt  }
0x66: {  	_ =	shalt  }
0x67: {  	_ =	shalt  }
0x68: {  	_ =	shalt  }
0x69: {  	_ =	shalt  }
0x6a: {  	_ =	shalt  }
0x6b: {  	_ =	shalt  }
0x6c: {  	_ =	shalt  }
0x6d: {  	_ =	shalt  }
0x6e: {  	_ =	shalt  }
0x6f: {  	_ =	shalt  }
0x70: {  	_ =	shalt  }
0x71: {  	_ =	shalt  }
0x72: {  	_ =	shalt  }
0x73: {  	_ =	shalt  }
0x74: {  	_ =	shalt  }
0x75: {  	_ =	shalt  }
0x76: {  	_ =	shalt  }
0x77: {  	_ =	shalt  }
0x78: {  	_ =	shalt  }
0x79: {  	_ =	shalt  }
0x7a: {  	_ =	shalt  }
0x7b: {  	_ =	shalt  }
0x7c: {  	_ =	shalt  }
0x7d: {  	_ =	shalt  }
0x7e: {  	_ =	shalt  }
0x7f: {  	_ =	shalt  }
0x80: {  	_ =	shalt  }
0x81: {  	_ =	shalt  }
0x82: {  	_ =	shalt  }
0x83: {  	_ =	shalt  }
0x84: {  	_ =	shalt  }
0x85: {  	_ =	shalt  }
0x86: {  	_ =	shalt  }
0x87: {  	_ =	shalt  }
.Lfunc_end0:
.L_simem_size_0:
called_computation_lowered:
.L_overlay_start_0:
0x88: {  	s2 =	sld [smem:$0x3FD9]  }
0x89: {  	s3 =	sld [smem:$0x3FFE];
	_ =	sdelay $0x1  }
0x8a: {  	s1 =	srdreg.scid  }
0x8b: {  	s0 =	sand.u32 $0x1, s1  }
0x8c: {  	s17 =	sshll.u32 s0, $0xA;
	s2 =	sadd.s32 s3, s2  }
0x8d: {  	s2 =	sadd.s32 s2, s17  }
0x8e: {  	[smem:$0x3FC6] =	sst s2  }
0x8f: {  	_ = 	snop  }
0x90: {  	s2 =	sld [smem:$0x3FD0];
	(tm) =	ssettm $0x1  }
0x91: {  	s18 =	sld [smem:$0x3FFB];
	_ =	sdelay $0x3  }
0x92: {  	_ =	strace s18  }
0x93: {  	s3 =	sld [smem:$0x3FFC];
	_ =	sdelay $0x3  }
0x94: {  	_ =	strace s3  }
0x95: {  	s3 =	sld [smem:$0x3FFD];
	_ =	sdelay $0x3  }
0x96: {  	_ =	strace s3  }
0x97: {  	_ =	strace $0x8FFFFFFF  }
0x98: {  	s19 =	sld [smem:$0x3FDB];
	_ =	sdelay $0x1  }
0x99: {  	s4 =	simm.s32 $_scs_section_size  }
0x9a: {  	s5 =	simm.s32 $_size__tile_overlayer_lowered;
	s6 =	simm.s32 $_tile_overlayer_lowered  }
0x9b: {  	s22 =	simm.s32 $0x1BFF;
	s21 =	sshll.u32 s6, $0x1;
	s3 =	sadd.s32 s4, s19  }
0x9c: {  	s7 =	simm.s32 $0x0;
	s20 =	sshll.u32 s5, $0x1;
	s5 =	sadd.s32 s21, s3  }
0x9d: {  	[timem:s7], [sflag:s22] =	dma.local [hbm:s5], s20  }
0x9e: {  	_ =	swait.ge [sflag:s22], s20  }
0x9f: {  	s4 =	ssub.s32 $0x0, s20;
	[sflag:s22] =	ssyncset.done $0x0  }
0xa0: {  	[sflag:s22] =	ssyncadd.s32 s4;
	_ =	sdelay $0x1  }
0xa1: {  	s23 =	simm.s32 $0x1B8B  }
0xa2: {  	_ =	swait.ge [sflag:s23], $0x1  }
0xa3: {  	[sflag:s23] =	ssyncset.done $0x0  }
0xa4: {  	s25 =	simm.s32 $0x1B8E;
	s24 =	sld [smem:$0x3FFE];
	[sflag:s23] =	ssyncadd.s32 $0xFFFFFFFF  }
0xa5: {  	s26 =	simm.s32 $execute0_lowered;
	[smem:$0x3FD2] =	sst s25  }
0xa6: {  	s5 =	sshll.u32 s26, $0x1;
	_ =	strace $0x80000046;
	[dreg:$0x1] =	wrdreg $0xFFFFFFFF  }
0xa7: {  	s28 =	simm.s32 $_size_execute0_lowered;
	s3 =	sadd.s32 s3, s5;
	[dreg:$0x0] =	wrdreg $0x0  }
0xa8: {  	s5 =	sshll.u32 s28, $0x1;
	[dreg:$0x2] =	wrdreg s3  }
0xa9: {  	[dreg:$0x3] =	wrdreg s5  }
0xaa: {  	[dreg:$0x4] =	wrdreg $0xC0  }
0xab: {  	_ =	task [dreg:s7], $0x5FFFF  }
0xac: {  	[dreg:$0x1] =	wrdreg $0xFFFFFFFF  }
0xad: {  	[dreg:$0x0] =	wrdreg $0x60  }
0xae: {  	[dreg:$0x2] =	wrdreg s24  }
0xaf: {  	[dreg:$0x3] =	wrdreg s2  }
0xb0: {  	[dreg:$0x4] =	wrdreg $0x9  }
0xb1: {  	_ =	task.clear_ibuf [dreg:s7], $0x5FFFF;
	_ =	strace $0x90000046  }
0xb2: {  	s29 =	simm.s32 $0x9;
	_ =	strace $0x80000048  }
0xb3: {  	_ =	swait.ge [sflag:s29], $0x1  }
0xb4: {  	[sflag:s29] =	ssyncadd.s32 $0xFFFFFFFF  }
0xb5: {  	_ =	strace $0x90000048  }
0xb6: {  	_ =	sfence  }
0xb7: {  	s30 =	sld [smem:$0x0];
	_ =	sdelay $0x2  }
0xb8: {  	s31 =	sshll.u32 s1, $0xD;
	s1 =	sshrl.u32 s1, $0x2  }
0xb9: {  	s3 =	sand.u32 $0x4000, s31;
	s1 =	sadd.s32 s1, s30  }
0xba: {  	s0 =	sor.u32 s3, s0;
	s1 =	sshll.u32 s1, $0x11  }
0xbb: {  	s0 =	sor.u32 s1, s0  }
0xbc: {  	s0 =	sadd.s32 $0x8F2B, s0  }
0xbd: {  	[sflag:s0] =	ssyncadd.remote.s32 $0x1  }
0xbe: {  	_ =	sfence.sel $0xFFFF  }
0xbf: {  	[dreg:$0x0] =	wrdreg $0xFFFFFFFF;
	(pc) =	sbr.abs _section_cstart, $3  }
0xc0: {  	[dreg:$0x1] =	wrdreg $0xFFFFFFFF  }
0xc1: {  	_ =	task.clear_ibuf [dreg:s7], $0x2FFFF;
	_ =	strace $0x9FFFFFFF  }
0xc2: {  	(tm) =	ssettm $0x7FFFFFFF  }
0xc3: {  	_ =	shalt  }
tec
execute0_lowered:
.L_overlay_start_1:
0x0: {  	(tag) =	ssettag $0x1  }
0x1: {  	v11 =	vlaneseq.u32  }
0x2: {  	s4 =	rddreg [dreg:$0x0];
	v0 =	vmul.u32 $0x1A, v11  }
0x3: {  	s5 =	rddreg [dreg:$0x1]  }
0x4: {  	s3 =	srdreg.scid;
	s0 =	stileid.u32;
	s2 =	simm.s32 $0x0;
	v11 =	vmul.u32 $0x80, v11;
	v1 =	vadd.s32 $0x1A0, v0  }
0x5: {  	s10 =	simm.s32 $0x5;
	s11 =	simm.s32 $0x80;
	s12 =	simm.s32 $0x3400;
	v2 =	vadd.s32 $0x340, v0;
	v3 =	vadd.s32 $0x4E0, v0;
	v4 =	vadd.s32 $0x680, v0  }
0x6: {  	s13 =	simm.s32 $0x3500;
	s14 =	simm.s32 $0x3480;
	s15 =	simm.s32 $0x7500;
	v5 =	vadd.s32 $0x820, v0;
	v6 =	vadd.s32 $0x9C0, v0;
	v7 =	vadd.s32 $0xB60, v0  }
0x7: {  	s16 =	simm.s32 $0x1;
	s17 =	simm.s32 $0xB500;
	s18 =	simm.s32 $0x400;
	v8 =	vor.u32 $0x1, v0;
	v9 =	vadd.s32 $0x1A1, v0;
	v10 =	vadd.s32 $0x341, v0  }
0x8: {  	s19 =	simm.s32 $0x20000;
	s20 =	simm.s32 $0x2;
	s21 =	simm.s32 $0xD500;
	v12 =	vadd.s32 $0x4E1, v0;
	v13 =	vadd.s32 $0x681, v0;
	v14 =	vadd.s32 $0x821, v0  }
0x9: {  	s22 =	simm.s32 $0x3;
	s6 =	sand.u32 $0x1, s3;
	s31 =	sshll.u32 s0, $0x1;
	v15 =	vadd.s32 $0x9C1, v0;
	v16 =	vadd.s32 $0xB61, v0;
	v17 =	vor.u32 $0x800, v11  }
0xa: {  	s23 =	simm.s32 $0x4;
	s24 =	simm.s32 $0x0;
	s7 =	sor.u32 s6, s31;
	v18 =	vor.u32 $0x1000, v11;
	v19 =	vor.u32 $0x1800, v11;
	v20 =	vadd.s32 $0x2, v0  }
0xb: {  	[smem:$0x7FF] =	sst s2;
	s3 =	sadd.s32 $0xD400, s4;
	s8 =	smul.u32 $0x680, s7;
	v21 =	vadd.s32 $0x1A2, v0;
	v22 =	vadd.s32 $0x342, v0;
	v23 =	vadd.s32 $0x4E2, v0  }
0xc: {  	_ =	strace $0x80000047;
	s6 =	ssub.s32 $0x2, s6;
	s7 =	sshll.u32 s7, $0x9;
	v24 =	vadd.s32 $0x682, v0;
	v25 =	vadd.s32 $0x822, v0;
	v26 =	vadd.s32 $0x9C2, v0  }
0xd: {  	s9 =	sshrl.u32 s6, $0x1;
	v27 =	vadd.s32 $0xB62, v0;
	v29 =	vadd.s32 $0x1A3, v0;
	v30 =	vadd.s32 $0x343, v0;
	s8 =	sadd.s32 s8, s4;
	s4 =	sadd.s32 s5, s7  }
0xe: {  	v31 =	vadd.s32 $0x4E3, v0;
	v32 =	vadd.s32 $0x683, v0;
	v33 =	vadd.s32 $0x823, v0;
	s9 =	ssub.s32 s6, s9;
	s5 =	sadd.s32 $0x400, s8;
	s6 =	sadd.s32 $0x20000, s4  }
0xf: {  	v28 =	vadd.s32 $0x3, v0;
	v34 =	vadd.s32 $0x9C3, v0;
	v35 =	vadd.s32 $0xB63, v0;
	s9 =	smax.u32 s9, $0x1;
	s7 =	sadd.s32 $0x300180, s4;
	s8 =	sadd.s32 $0x320180, s4  }
.LBB2_1:
0x10: {  	[tilespmem:s2], [sflag:$0x5] =	stream.linear.gather [hbm4b:s5+s2], $0x3400, $0x38;
	[tilespmem:$0xF500] =	vst v63  }
0x11: {  	_ =	swait.ge [sflag:s10], $0x3400  }
0x12: {  	[sflag:s10] =	ssyncset.done $0x0  }
0x13: {  	[sflag:s10] =	ssyncadd.s32 $0xFFFFCC00  }
0x14: {  	v36 =	vld.idx.msk [tilespmem:v0+s2+$0x0], $0xffff;
	_ =	sdelay $0x4  }
0x15: {  	[tilespmem:$0x3400] =	vst v36  }
0x16: {  	v36 =	vld.idx.msk [tilespmem:v1+s2+$0x0], $0xffff;
	_ =	sdelay $0x4  }
0x17: {  	[tilespmem:$0x3410] =	vst v36  }
0x18: {  	v36 =	vld.idx.msk [tilespmem:v2+s2+$0x0], $0xffff;
	_ =	sdelay $0x4  }
0x19: {  	[tilespmem:$0x3420] =	vst v36  }
0x1a: {  	v36 =	vld.idx.msk [tilespmem:v3+s2+$0x0], $0xffff;
	_ =	sdelay $0x4  }
0x1b: {  	[tilespmem:$0x3430] =	vst v36  }
0x1c: {  	v36 =	vld.idx.msk [tilespmem:v4+s2+$0x0], $0xffff;
	_ =	sdelay $0x4  }
0x1d: {  	[tilespmem:$0x3440] =	vst v36  }
0x1e: {  	v36 =	vld.idx.msk [tilespmem:v5+s2+$0x0], $0xffff;
	_ =	sdelay $0x4  }
0x1f: {  	[tilespmem:$0x3450] =	vst v36  }
0x20: {  	v36 =	vld.idx.msk [tilespmem:v6+s2+$0x0], $0xffff;
	_ =	sdelay $0x4  }
0x21: {  	[tilespmem:$0x3460] =	vst v36  }
0x22: {  	v36 =	vld.idx.msk [tilespmem:v7+s2+$0x0], $0xffff;
	_ =	sdelay $0x4  }
0x23: {  	[tilespmem:$0x3470] =	vst v36  }
0x24: {  	[tilespmem:s13], [sflag:$0x1] =	stream.indirect.gather [hbm4b:s3+s11], $0x80, s12, s11, $0xb8;
	[tilespmem:$0xF500] =	vst v63  }
0x25: {  	v36 =	vld.idx.msk [tilespmem:v8+s2+$0x0], $0xffff;
	_ =	sdelay $0x4  }
0x26: {  	[tilespmem:$0x3480] =	vst v36  }
0x27: {  	v36 =	vld.idx.msk [tilespmem:v9+s2+$0x0], $0xffff;
	_ =	sdelay $0x4  }
0x28: {  	[tilespmem:$0x3490] =	vst v36  }
0x29: {  	v36 =	vld.idx.msk [tilespmem:v10+s2+$0x0], $0xffff;
	_ =	sdelay $0x4  }
0x2a: {  	[tilespmem:$0x34A0] =	vst v36  }
0x2b: {  	v36 =	vld.idx.msk [tilespmem:v12+s2+$0x0], $0xffff;
	_ =	sdelay $0x4  }
0x2c: {  	[tilespmem:$0x34B0] =	vst v36  }
0x2d: {  	v36 =	vld.idx.msk [tilespmem:v13+s2+$0x0], $0xffff;
	_ =	sdelay $0x4  }
0x2e: {  	[tilespmem:$0x34C0] =	vst v36  }
0x2f: {  	v36 =	vld.idx.msk [tilespmem:v14+s2+$0x0], $0xffff;
	_ =	sdelay $0x4  }
0x30: {  	[tilespmem:$0x34D0] =	vst v36  }
0x31: {  	v36 =	vld.idx.msk [tilespmem:v15+s2+$0x0], $0xffff;
	_ =	sdelay $0x4  }
0x32: {  	[tilespmem:$0x34E0] =	vst v36  }
0x33: {  	v36 =	vld.idx.msk [tilespmem:v16+s2+$0x0], $0xffff;
	_ =	sdelay $0x4  }
0x34: {  	[tilespmem:$0x34F0] =	vst v36  }
0x35: {  	v47 =	vmov s2;
	[tilespmem:s15], [sflag:$0x2] =	stream.indirect.gather [hbm4b:s3+s11], $0x80, s14, s11, $0xb8;
	[tilespmem:$0xF500] =	vst v63  }
0x36: {  	v36 =	vand.u32 $0x7C, v47;
	_ =	swait.ge [sflag:s16], $0x4000  }
0x37: {  	v36 =	vbroadcast v36, $0x0;
	[sflag:s16] =	ssyncset.done $0x0  }
0x38: {  	s25 =	simm.s32 $0x3600;
	[sflag:s16] =	ssyncadd.s32 $0xFFFFC000  }
0x39: {  	v38 =	vor.u32 v11, v36;
	v37 =	vld [tilespmem:s25+$0xFFFFFF00];
	_ =	sdelay $0x4  }
0x3a: {  	[tilespmem:v38+s17+$0x0] =	vst.idx.msk $0xffff, v37  }
0x3b: {  	v48 =	vor.u32 v17, v36;
	v37 =	vld [tilespmem:s25+$0xFFFFFF10];
	_ =	sdelay $0x4  }
0x3c: {  	[tilespmem:v48+s17+$0x0] =	vst.idx.msk $0xffff, v37  }
0x3d: {  	v49 =	vor.u32 v18, v36;
	v37 =	vld [tilespmem:s25+$0xFFFFFF20];
	_ =	sdelay $0x4  }
0x3e: {  	[tilespmem:v49+s17+$0x0] =	vst.idx.msk $0xffff, v37  }
0x3f: {  	v36 =	vor.u32 v19, v36;
	v37 =	vld [tilespmem:s25+$0xFFFFFF30]  }
0x40: {  	s26 =	simm.s32 $0x1  }
0x41: {  	v50 =	vmov s26  }
0x42: {  	v38 =	vand.u32 $0x7D, v50  }
0x43: {  	v38 =	vbroadcast v38, $0x0  }
0x44: {  	[tilespmem:v36+s17+$0x0] =	vst.idx.msk $0xffff, v37  }
0x45: {  	v51 =	vor.u32 v11, v38;
	v36 =	vld [tilespmem:s25+$0xFFFFFF80];
	_ =	sdelay $0x4  }
0x46: {  	[tilespmem:v51+s17+$0x0] =	vst.idx.msk $0xffff, v36  }
0x47: {  	v52 =	vor.u32 v17, v38;
	v36 =	vld [tilespmem:s25+$0xFFFFFF90];
	_ =	sdelay $0x4  }
0x48: {  	[tilespmem:v52+s17+$0x0] =	vst.idx.msk $0xffff, v36  }
0x49: {  	v53 =	vor.u32 v18, v38;
	v36 =	vld [tilespmem:s25+$0xFFFFFFA0];
	_ =	sdelay $0x4  }
0x4a: {  	[tilespmem:v53+s17+$0x0] =	vst.idx.msk $0xffff, v36  }
0x4b: {  	v54 =	vor.u32 v19, v38;
	v36 =	vld [tilespmem:s25+$0xFFFFFFB0]  }
0x4c: {  	s30 =	simm.s32 $0x2  }
0x4d: {  	v55 =	vmov s30  }
0x4e: {  	v38 =	vand.u32 $0x7E, v55  }
0x4f: {  	v38 =	vbroadcast v38, $0x0  }
0x50: {  	[tilespmem:v54+s17+$0x0] =	vst.idx.msk $0xffff, v36  }
0x51: {  	v56 =	vor.u32 v11, v38;
	v36 =	vld [tilespmem:s25+$0x0];
	_ =	sdelay $0x4  }
0x52: {  	[tilespmem:v56+s17+$0x0] =	vst.idx.msk $0xffff, v36  }
0x53: {  	v57 =	vor.u32 v17, v38;
	v36 =	vld [tilespmem:s25+$0x10];
	_ =	sdelay $0x4  }
0x54: {  	[tilespmem:v57+s17+$0x0] =	vst.idx.msk $0xffff, v36  }
0x55: {  	v58 =	vor.u32 v18, v38;
	v36 =	vld [tilespmem:s25+$0x20];
	_ =	sdelay $0x4  }
0x56: {  	[tilespmem:v58+s17+$0x0] =	vst.idx.msk $0xffff, v36  }
0x57: {  	v59 =	vor.u32 v19, v38;
	v36 =	vld [tilespmem:s25+$0x30]  }
0x58: {  	s31 =	simm.s32 $0x3  }
0x59: {  	v60 =	vmov s31  }
0x5a: {  	v38 =	vand.u32 $0x7F, v60  }
0x5b: {  	v38 =	vbroadcast v38, $0x0  }
0x5c: {  	[tilespmem:v59+s17+$0x0] =	vst.idx.msk $0xffff, v36  }
0x5d: {  	v61 =	vor.u32 v11, v38;
	v36 =	vld [tilespmem:s25+$0x80];
	_ =	sdelay $0x4  }
0x5e: {  	[tilespmem:v61+s17+$0x0] =	vst.idx.msk $0xffff, v36  }
0x5f: {  	v62 =	vor.u32 v17, v38;
	v36 =	vld [tilespmem:s25+$0x90];
	_ =	sdelay $0x4  }
0x60: {  	[tilespmem:v62+s17+$0x0] =	vst.idx.msk $0xffff, v36  }
0x61: {  	v63 =	vor.u32 v18, v38;
	v36 =	vld [tilespmem:s25+$0xA0];
	_ =	sdelay $0x4  }
0x62: {  	[tilespmem:v63+s17+$0x0] =	vst.idx.msk $0xffff, v36  }
0x63: {  	v37 =	vor.u32 v19, v38;
	v36 =	vld [tilespmem:s25+$0xB0]  }
0x64: {  	s26 =	simm.s32 $0x4  }
0x65: {  	s28 =	simm.s32 $0x8;
	v38 =	vmov s26  }
.LBB2_2:
0x66: {  	p0 =	sne.s32 s28, $0x7C;
	v38 =	vand.u32 $0x7C, v38  }
0x67: {  	v38 =	vbroadcast v38, $0x0  }
0x68: {  	s25 =	sadd.s32 $0x200, s25;
	[tilespmem:v37+s17+$0x0] =	vst.idx.msk $0xffff, v36  }
0x69: {  	v36 =	vld [tilespmem:s25+$0xFFFFFF00];
	v37 =	vor.u32 v11, v38;
	_ =	sdelay $0x4  }
0x6a: {  	[tilespmem:v37+s17+$0x0] =	vst.idx.msk $0xffff, v36  }
0x6b: {  	v37 =	vor.u32 v17, v38;
	v36 =	vld [tilespmem:s25+$0xFFFFFF10];
	_ =	sdelay $0x4  }
0x6c: {  	[tilespmem:v37+s17+$0x0] =	vst.idx.msk $0xffff, v36  }
0x6d: {  	v37 =	vor.u32 v18, v38;
	v36 =	vld [tilespmem:s25+$0xFFFFFF20];
	_ =	sdelay $0x4  }
0x6e: {  	[tilespmem:v37+s17+$0x0] =	vst.idx.msk $0xffff, v36  }
0x6f: {  	v37 =	vor.u32 v19, v38;
	v36 =	vld [tilespmem:s25+$0xFFFFFF30]  }
0x70: {  	s29 =	sadd.s32 $0x1, s26  }
0x71: {  	v38 =	vmov s29  }
0x72: {  	v38 =	vand.u32 $0x7D, v38  }
0x73: {  	v38 =	vbroadcast v38, $0x0  }
0x74: {  	[tilespmem:v37+s17+$0x0] =	vst.idx.msk $0xffff, v36  }
0x75: {  	v37 =	vor.u32 v11, v38;
	v36 =	vld [tilespmem:s25+$0xFFFFFF80];
	_ =	sdelay $0x4  }
0x76: {  	[tilespmem:v37+s17+$0x0] =	vst.idx.msk $0xffff, v36  }
0x77: {  	v37 =	vor.u32 v17, v38;
	v36 =	vld [tilespmem:s25+$0xFFFFFF90];
	_ =	sdelay $0x4  }
0x78: {  	[tilespmem:v37+s17+$0x0] =	vst.idx.msk $0xffff, v36  }
0x79: {  	v37 =	vor.u32 v18, v38;
	v36 =	vld [tilespmem:s25+$0xFFFFFFA0];
	_ =	sdelay $0x4  }
0x7a: {  	[tilespmem:v37+s17+$0x0] =	vst.idx.msk $0xffff, v36  }
0x7b: {  	v37 =	vor.u32 v19, v38;
	v36 =	vld [tilespmem:s25+$0xFFFFFFB0]  }
0x7c: {  	s29 =	sadd.s32 $0x2, s26  }
0x7d: {  	v38 =	vmov s29  }
0x7e: {  	v38 =	vand.u32 $0x7E, v38  }
0x7f: {  	v38 =	vbroadcast v38, $0x0  }
0x80: {  	[tilespmem:v37+s17+$0x0] =	vst.idx.msk $0xffff, v36  }
0x81: {  	v37 =	vor.u32 v11, v38;
	v36 =	vld [tilespmem:s25+$0x0];
	_ =	sdelay $0x4  }
0x82: {  	[tilespmem:v37+s17+$0x0] =	vst.idx.msk $0xffff, v36  }
0x83: {  	v37 =	vor.u32 v17, v38;
	v36 =	vld [tilespmem:s25+$0x10];
	_ =	sdelay $0x4  }
0x84: {  	[tilespmem:v37+s17+$0x0] =	vst.idx.msk $0xffff, v36  }
0x85: {  	v37 =	vor.u32 v18, v38;
	v36 =	vld [tilespmem:s25+$0x20];
	_ =	sdelay $0x4  }
0x86: {  	[tilespmem:v37+s17+$0x0] =	vst.idx.msk $0xffff, v36  }
0x87: {  	v37 =	vor.u32 v19, v38;
	v36 =	vld [tilespmem:s25+$0x30]  }
0x88: {  	s29 =	sadd.s32 $0x3, s26;
	s26 =	smov.u32 s28  }
0x89: {  	v38 =	vmov s29  }
0x8a: {  	v38 =	vand.u32 $0x7F, v38  }
0x8b: {  	v38 =	vbroadcast v38, $0x0  }
0x8c: {  	[tilespmem:v37+s17+$0x0] =	vst.idx.msk $0xffff, v36  }
0x8d: {  	v37 =	vor.u32 v11, v38;
	v36 =	vld [tilespmem:s25+$0x80];
	_ =	sdelay $0x4  }
0x8e: {  	[tilespmem:v37+s17+$0x0] =	vst.idx.msk $0xffff, v36  }
0x8f: {  	v37 =	vor.u32 v17, v38;
	v36 =	vld [tilespmem:s25+$0x90];
	_ =	sdelay $0x4  }
0x90: {  	[tilespmem:v37+s17+$0x0] =	vst.idx.msk $0xffff, v36  }
0x91: {  	v37 =	vor.u32 v18, v38;
	v36 =	vld [tilespmem:s25+$0xA0];
	_ =	sdelay $0x3  }
.Ltmp0:
0x92: {  	(pc) =	sbr.rel @p0 .LBB2_2-.Ltmp0, $3  }
0x93: {  	[tilespmem:v37+s17+$0x0] =	vst.idx.msk $0xffff, v36  }
0x94: {  	v37 =	vor.u32 v19, v38;
	v36 =	vld [tilespmem:s25+$0xB0];
	_ =	sdelay $0x1  }
0x95: {  	s28 =	sadd.s32 $0x4, s28;
	v38 =	vmov s26  }
0x96: {  	_ =	sdelay $0x1  }
0x97: {  	v38 =	vand.u32 $0x7C, v38  }
0x98: {  	v38 =	vbroadcast v38, $0x0  }
0x99: {  	s25 =	sadd.s32 $0x200, s25;
	[tilespmem:v37+s17+$0x0] =	vst.idx.msk $0xffff, v36  }
0x9a: {  	v36 =	vld [tilespmem:s25+$0xFFFFFF00];
	v50 =	vor.u32 v11, v38;
	_ =	sdelay $0x4  }
0x9b: {  	[tilespmem:v50+s17+$0x0] =	vst.idx.msk $0xffff, v36  }
0x9c: {  	v51 =	vor.u32 v17, v38;
	v36 =	vld [tilespmem:s25+$0xFFFFFF10];
	_ =	sdelay $0x4  }
0x9d: {  	[tilespmem:v51+s17+$0x0] =	vst.idx.msk $0xffff, v36  }
0x9e: {  	v52 =	vor.u32 v18, v38;
	v36 =	vld [tilespmem:s25+$0xFFFFFF20];
	_ =	sdelay $0x4  }
0x9f: {  	[tilespmem:v52+s17+$0x0] =	vst.idx.msk $0xffff, v36  }
0xa0: {  	v53 =	vor.u32 v19, v38;
	v36 =	vld [tilespmem:s25+$0xFFFFFF30]  }
0xa1: {  	s28 =	sadd.s32 $0x1, s26  }
0xa2: {  	v54 =	vmov s28  }
0xa3: {  	v38 =	vand.u32 $0x7D, v54  }
0xa4: {  	v38 =	vbroadcast v38, $0x0  }
0xa5: {  	[tilespmem:v53+s17+$0x0] =	vst.idx.msk $0xffff, v36  }
0xa6: {  	v55 =	vor.u32 v11, v38;
	v36 =	vld [tilespmem:s25+$0xFFFFFF80];
	_ =	sdelay $0x4  }
0xa7: {  	[tilespmem:v55+s17+$0x0] =	vst.idx.msk $0xffff, v36  }
0xa8: {  	v56 =	vor.u32 v17, v38;
	v36 =	vld [tilespmem:s25+$0xFFFFFF90];
	_ =	sdelay $0x4  }
0xa9: {  	[tilespmem:v56+s17+$0x0] =	vst.idx.msk $0xffff, v36  }
0xaa: {  	v57 =	vor.u32 v18, v38;
	v36 =	vld [tilespmem:s25+$0xFFFFFFA0];
	_ =	sdelay $0x4  }
0xab: {  	[tilespmem:v57+s17+$0x0] =	vst.idx.msk $0xffff, v36  }
0xac: {  	v58 =	vor.u32 v19, v38;
	v36 =	vld [tilespmem:s25+$0xFFFFFFB0]  }
0xad: {  	s28 =	sadd.s32 $0x2, s26  }
0xae: {  	v59 =	vmov s28  }
0xaf: {  	v38 =	vand.u32 $0x7E, v59  }
0xb0: {  	v38 =	vbroadcast v38, $0x0  }
0xb1: {  	[tilespmem:v58+s17+$0x0] =	vst.idx.msk $0xffff, v36  }
0xb2: {  	v60 =	vor.u32 v11, v38;
	v36 =	vld [tilespmem:s25+$0x0];
	_ =	sdelay $0x4  }
0xb3: {  	[tilespmem:v60+s17+$0x0] =	vst.idx.msk $0xffff, v36  }
0xb4: {  	v61 =	vor.u32 v17, v38;
	v36 =	vld [tilespmem:s25+$0x10];
	_ =	sdelay $0x4  }
0xb5: {  	[tilespmem:v61+s17+$0x0] =	vst.idx.msk $0xffff, v36  }
0xb6: {  	v62 =	vor.u32 v18, v38;
	v36 =	vld [tilespmem:s25+$0x20];
	_ =	sdelay $0x4  }
0xb7: {  	[tilespmem:v62+s17+$0x0] =	vst.idx.msk $0xffff, v36  }
0xb8: {  	v63 =	vor.u32 v19, v38;
	v36 =	vld [tilespmem:s25+$0x30]  }
0xb9: {  	s1 =	sadd.s32 $0x3, s26  }
0xba: {  	v40 =	vmov s1  }
0xbb: {  	v38 =	vand.u32 $0x7F, v40  }
0xbc: {  	v38 =	vbroadcast v38, $0x0  }
0xbd: {  	[tilespmem:v63+s17+$0x0] =	vst.idx.msk $0xffff, v36  }
0xbe: {  	v41 =	vor.u32 v11, v38;
	v36 =	vld [tilespmem:s25+$0x80];
	_ =	sdelay $0x4  }
0xbf: {  	[tilespmem:v41+s17+$0x0] =	vst.idx.msk $0xffff, v36  }
0xc0: {  	v42 =	vor.u32 v17, v38;
	v36 =	vld [tilespmem:s25+$0x90];
	_ =	sdelay $0x4  }
0xc1: {  	[tilespmem:v42+s17+$0x0] =	vst.idx.msk $0xffff, v36  }
0xc2: {  	v43 =	vor.u32 v18, v38;
	v36 =	vld [tilespmem:s25+$0xA0];
	_ =	sdelay $0x4  }
0xc3: {  	[tilespmem:v43+s17+$0x0] =	vst.idx.msk $0xffff, v36  }
0xc4: {  	v44 =	vor.u32 v19, v38;
	v36 =	vld [tilespmem:s25+$0xB0];
	_ =	sdelay $0x4  }
0xc5: {  	s26 =	simm.s32 $0x0;
	[tilespmem:v44+s17+$0x0] =	vst.idx.msk $0xffff, v36  }
0xc6: {  	[hbm4b:s4+s18] =	stream.strided.scatter [tilespmem:s17], [sflag:$0x3], $0x2000, s19, s18, $0x38;
	[tilespmem:$0xF500] =	vst v63  }
0xc7: {  	v36 =	vld.idx.msk [tilespmem:v20+s26+$0x0], $0xffff;
	_ =	sdelay $0x4  }
0xc8: {  	[tilespmem:$0x3400] =	vst v36  }
0xc9: {  	v36 =	vld.idx.msk [tilespmem:v21+s26+$0x0], $0xffff;
	_ =	sdelay $0x4  }
0xca: {  	[tilespmem:$0x3410] =	vst v36  }
0xcb: {  	v36 =	vld.idx.msk [tilespmem:v22+s26+$0x0], $0xffff;
	_ =	sdelay $0x4  }
0xcc: {  	[tilespmem:$0x3420] =	vst v36  }
0xcd: {  	v36 =	vld.idx.msk [tilespmem:v23+s26+$0x0], $0xffff;
	_ =	sdelay $0x4  }
0xce: {  	[tilespmem:$0x3430] =	vst v36  }
0xcf: {  	v36 =	vld.idx.msk [tilespmem:v24+s26+$0x0], $0xffff;
	_ =	sdelay $0x4  }
0xd0: {  	[tilespmem:$0x3440] =	vst v36  }
0xd1: {  	v36 =	vld.idx.msk [tilespmem:v25+s26+$0x0], $0xffff;
	_ =	sdelay $0x4  }
0xd2: {  	[tilespmem:$0x3450] =	vst v36  }
0xd3: {  	v36 =	vld.idx.msk [tilespmem:v26+s26+$0x0], $0xffff;
	_ =	sdelay $0x4  }
0xd4: {  	[tilespmem:$0x3460] =	vst v36  }
0xd5: {  	v36 =	vld.idx.msk [tilespmem:v27+s26+$0x0], $0xffff;
	_ =	sdelay $0x4  }
0xd6: {  	[tilespmem:$0x3470] =	vst v36  }
0xd7: {  	v45 =	vmov s26;
	[tilespmem:s13], [sflag:$0x1] =	stream.indirect.gather [hbm4b:s3+s11], $0x80, s12, s11, $0xb8;
	[tilespmem:$0xF500] =	vst v63  }
0xd8: {  	v36 =	vand.u32 $0x7C, v45;
	_ =	swait.ge [sflag:s20], $0x4000  }
0xd9: {  	v36 =	vbroadcast v36, $0x0;
	[sflag:s20] =	ssyncset.done $0x0  }
0xda: {  	s25 =	simm.s32 $0x7600;
	[sflag:s20] =	ssyncadd.s32 $0xFFFFC000  }
0xdb: {  	v47 =	vor.u32 v11, v36;
	v46 =	vld [tilespmem:s25+$0xFFFFFF00];
	_ =	sdelay $0x4  }
0xdc: {  	[tilespmem:v47+s21+$0x0] =	vst.idx.msk $0xffff, v46  }
0xdd: {  	v48 =	vor.u32 v17, v36;
	v37 =	vld [tilespmem:s25+$0xFFFFFF10];
	_ =	sdelay $0x4  }
0xde: {  	[tilespmem:v48+s21+$0x0] =	vst.idx.msk $0xffff, v37  }
0xdf: {  	v49 =	vor.u32 v18, v36;
	v37 =	vld [tilespmem:s25+$0xFFFFFF20];
	_ =	sdelay $0x4  }
0xe0: {  	[tilespmem:v49+s21+$0x0] =	vst.idx.msk $0xffff, v37  }
0xe1: {  	v36 =	vor.u32 v19, v36;
	v37 =	vld [tilespmem:s25+$0xFFFFFF30]  }
0xe2: {  	s29 =	simm.s32 $0x1  }
0xe3: {  	v50 =	vmov s29  }
0xe4: {  	v38 =	vand.u32 $0x7D, v50  }
0xe5: {  	v38 =	vbroadcast v38, $0x0  }
0xe6: {  	[tilespmem:v36+s21+$0x0] =	vst.idx.msk $0xffff, v37  }
0xe7: {  	v51 =	vor.u32 v11, v38;
	v36 =	vld [tilespmem:s25+$0xFFFFFF80];
	_ =	sdelay $0x4  }
0xe8: {  	[tilespmem:v51+s21+$0x0] =	vst.idx.msk $0xffff, v36  }
0xe9: {  	v52 =	vor.u32 v17, v38;
	v36 =	vld [tilespmem:s25+$0xFFFFFF90];
	_ =	sdelay $0x4  }
0xea: {  	[tilespmem:v52+s21+$0x0] =	vst.idx.msk $0xffff, v36  }
0xeb: {  	v53 =	vor.u32 v18, v38;
	v36 =	vld [tilespmem:s25+$0xFFFFFFA0];
	_ =	sdelay $0x4  }
0xec: {  	[tilespmem:v53+s21+$0x0] =	vst.idx.msk $0xffff, v36  }
0xed: {  	v54 =	vor.u32 v19, v38;
	v36 =	vld [tilespmem:s25+$0xFFFFFFB0]  }
0xee: {  	s30 =	simm.s32 $0x2  }
0xef: {  	v55 =	vmov s30  }
0xf0: {  	v38 =	vand.u32 $0x7E, v55  }
0xf1: {  	v38 =	vbroadcast v38, $0x0  }
0xf2: {  	[tilespmem:v54+s21+$0x0] =	vst.idx.msk $0xffff, v36  }
0xf3: {  	v56 =	vor.u32 v11, v38;
	v36 =	vld [tilespmem:s25+$0x0];
	_ =	sdelay $0x4  }
0xf4: {  	[tilespmem:v56+s21+$0x0] =	vst.idx.msk $0xffff, v36  }
0xf5: {  	v57 =	vor.u32 v17, v38;
	v36 =	vld [tilespmem:s25+$0x10];
	_ =	sdelay $0x4  }
0xf6: {  	[tilespmem:v57+s21+$0x0] =	vst.idx.msk $0xffff, v36  }
0xf7: {  	v58 =	vor.u32 v18, v38;
	v36 =	vld [tilespmem:s25+$0x20];
	_ =	sdelay $0x4  }
0xf8: {  	[tilespmem:v58+s21+$0x0] =	vst.idx.msk $0xffff, v36  }
0xf9: {  	v59 =	vor.u32 v19, v38;
	v36 =	vld [tilespmem:s25+$0x30]  }
0xfa: {  	s31 =	simm.s32 $0x3  }
0xfb: {  	v60 =	vmov s31  }
0xfc: {  	v38 =	vand.u32 $0x7F, v60  }
0xfd: {  	v38 =	vbroadcast v38, $0x0  }
0xfe: {  	[tilespmem:v59+s21+$0x0] =	vst.idx.msk $0xffff, v36  }
0xff: {  	v61 =	vor.u32 v11, v38;
	v36 =	vld [tilespmem:s25+$0x80];
	_ =	sdelay $0x4  }
0x100: {  	[tilespmem:v61+s21+$0x0] =	vst.idx.msk $0xffff, v36  }
0x101: {  	v62 =	vor.u32 v17, v38;
	v36 =	vld [tilespmem:s25+$0x90];
	_ =	sdelay $0x4  }
0x102: {  	[tilespmem:v62+s21+$0x0] =	vst.idx.msk $0xffff, v36  }
0x103: {  	v63 =	vor.u32 v18, v38;
	v36 =	vld [tilespmem:s25+$0xA0];
	_ =	sdelay $0x4  }
0x104: {  	[tilespmem:v63+s21+$0x0] =	vst.idx.msk $0xffff, v36  }
0x105: {  	v37 =	vor.u32 v19, v38;
	v36 =	vld [tilespmem:s25+$0xB0]  }
0x106: {  	s26 =	simm.s32 $0x4  }
0x107: {  	s28 =	simm.s32 $0x8;
	v38 =	vmov s26  }
.LBB2_4:
0x108: {  	p0 =	sne.s32 s28, $0x7C;
	v38 =	vand.u32 $0x7C, v38  }
0x109: {  	v38 =	vbroadcast v38, $0x0  }
0x10a: {  	s25 =	sadd.s32 $0x200, s25;
	[tilespmem:v37+s21+$0x0] =	vst.idx.msk $0xffff, v36  }
0x10b: {  	v36 =	vld [tilespmem:s25+$0xFFFFFF00];
	v37 =	vor.u32 v11, v38;
	_ =	sdelay $0x4  }
0x10c: {  	[tilespmem:v37+s21+$0x0] =	vst.idx.msk $0xffff, v36  }
0x10d: {  	v37 =	vor.u32 v17, v38;
	v36 =	vld [tilespmem:s25+$0xFFFFFF10];
	_ =	sdelay $0x4  }
0x10e: {  	[tilespmem:v37+s21+$0x0] =	vst.idx.msk $0xffff, v36  }
0x10f: {  	v37 =	vor.u32 v18, v38;
	v36 =	vld [tilespmem:s25+$0xFFFFFF20];
	_ =	sdelay $0x4  }
0x110: {  	[tilespmem:v37+s21+$0x0] =	vst.idx.msk $0xffff, v36  }
0x111: {  	v37 =	vor.u32 v19, v38;
	v36 =	vld [tilespmem:s25+$0xFFFFFF30]  }
0x112: {  	s29 =	sadd.s32 $0x1, s26  }
0x113: {  	v38 =	vmov s29  }
0x114: {  	v38 =	vand.u32 $0x7D, v38  }
0x115: {  	v38 =	vbroadcast v38, $0x0  }
0x116: {  	[tilespmem:v37+s21+$0x0] =	vst.idx.msk $0xffff, v36  }
0x117: {  	v37 =	vor.u32 v11, v38;
	v36 =	vld [tilespmem:s25+$0xFFFFFF80];
	_ =	sdelay $0x4  }
0x118: {  	[tilespmem:v37+s21+$0x0] =	vst.idx.msk $0xffff, v36  }
0x119: {  	v37 =	vor.u32 v17, v38;
	v36 =	vld [tilespmem:s25+$0xFFFFFF90];
	_ =	sdelay $0x4  }
0x11a: {  	[tilespmem:v37+s21+$0x0] =	vst.idx.msk $0xffff, v36  }
0x11b: {  	v37 =	vor.u32 v18, v38;
	v36 =	vld [tilespmem:s25+$0xFFFFFFA0];
	_ =	sdelay $0x4  }
0x11c: {  	[tilespmem:v37+s21+$0x0] =	vst.idx.msk $0xffff, v36  }
0x11d: {  	v37 =	vor.u32 v19, v38;
	v36 =	vld [tilespmem:s25+$0xFFFFFFB0]  }
0x11e: {  	s29 =	sadd.s32 $0x2, s26  }
0x11f: {  	v38 =	vmov s29  }
0x120: {  	v38 =	vand.u32 $0x7E, v38  }
0x121: {  	v38 =	vbroadcast v38, $0x0  }
0x122: {  	[tilespmem:v37+s21+$0x0] =	vst.idx.msk $0xffff, v36  }
0x123: {  	v37 =	vor.u32 v11, v38;
	v36 =	vld [tilespmem:s25+$0x0];
	_ =	sdelay $0x4  }
0x124: {  	[tilespmem:v37+s21+$0x0] =	vst.idx.msk $0xffff, v36  }
0x125: {  	v37 =	vor.u32 v17, v38;
	v36 =	vld [tilespmem:s25+$0x10];
	_ =	sdelay $0x4  }
0x126: {  	[tilespmem:v37+s21+$0x0] =	vst.idx.msk $0xffff, v36  }
0x127: {  	v37 =	vor.u32 v18, v38;
	v36 =	vld [tilespmem:s25+$0x20];
	_ =	sdelay $0x4  }
0x128: {  	[tilespmem:v37+s21+$0x0] =	vst.idx.msk $0xffff, v36  }
0x129: {  	v37 =	vor.u32 v19, v38;
	v36 =	vld [tilespmem:s25+$0x30]  }
0x12a: {  	s29 =	sadd.s32 $0x3, s26;
	s26 =	smov.u32 s28  }
0x12b: {  	v38 =	vmov s29  }
0x12c: {  	v38 =	vand.u32 $0x7F, v38  }
0x12d: {  	v38 =	vbroadcast v38, $0x0  }
0x12e: {  	[tilespmem:v37+s21+$0x0] =	vst.idx.msk $0xffff, v36  }
0x12f: {  	v37 =	vor.u32 v11, v38;
	v36 =	vld [tilespmem:s25+$0x80];
	_ =	sdelay $0x4  }
0x130: {  	[tilespmem:v37+s21+$0x0] =	vst.idx.msk $0xffff, v36  }
0x131: {  	v37 =	vor.u32 v17, v38;
	v36 =	vld [tilespmem:s25+$0x90];
	_ =	sdelay $0x4  }
0x132: {  	[tilespmem:v37+s21+$0x0] =	vst.idx.msk $0xffff, v36  }
0x133: {  	v37 =	vor.u32 v18, v38;
	v36 =	vld [tilespmem:s25+$0xA0];
	_ =	sdelay $0x3  }
.Ltmp1:
0x134: {  	(pc) =	sbr.rel @p0 .LBB2_4-.Ltmp1, $3  }
0x135: {  	[tilespmem:v37+s21+$0x0] =	vst.idx.msk $0xffff, v36  }
0x136: {  	v37 =	vor.u32 v19, v38;
	v36 =	vld [tilespmem:s25+$0xB0];
	_ =	sdelay $0x1  }
0x137: {  	s28 =	sadd.s32 $0x4, s28;
	v38 =	vmov s26  }
0x138: {  	_ =	sdelay $0x1  }
0x139: {  	v38 =	vand.u32 $0x7C, v38  }
0x13a: {  	v38 =	vbroadcast v38, $0x0  }
0x13b: {  	s25 =	sadd.s32 $0x200, s25;
	[tilespmem:v37+s21+$0x0] =	vst.idx.msk $0xffff, v36  }
0x13c: {  	v36 =	vld [tilespmem:s25+$0xFFFFFF00];
	v45 =	vor.u32 v11, v38;
	_ =	sdelay $0x4  }
0x13d: {  	[tilespmem:v45+s21+$0x0] =	vst.idx.msk $0xffff, v36  }
0x13e: {  	v46 =	vor.u32 v17, v38;
	v36 =	vld [tilespmem:s25+$0xFFFFFF10];
	_ =	sdelay $0x4  }
0x13f: {  	[tilespmem:v46+s21+$0x0] =	vst.idx.msk $0xffff, v36  }
0x140: {  	v47 =	vor.u32 v18, v38;
	v36 =	vld [tilespmem:s25+$0xFFFFFF20];
	_ =	sdelay $0x4  }
0x141: {  	[tilespmem:v47+s21+$0x0] =	vst.idx.msk $0xffff, v36  }
0x142: {  	v48 =	vor.u32 v19, v38;
	v36 =	vld [tilespmem:s25+$0xFFFFFF30]  }
0x143: {  	s28 =	sadd.s32 $0x1, s26  }
0x144: {  	v49 =	vmov s28  }
0x145: {  	v38 =	vand.u32 $0x7D, v49  }
0x146: {  	v38 =	vbroadcast v38, $0x0  }
0x147: {  	[tilespmem:v48+s21+$0x0] =	vst.idx.msk $0xffff, v36  }
0x148: {  	v50 =	vor.u32 v11, v38;
	v36 =	vld [tilespmem:s25+$0xFFFFFF80];
	_ =	sdelay $0x4  }
0x149: {  	[tilespmem:v50+s21+$0x0] =	vst.idx.msk $0xffff, v36  }
0x14a: {  	v51 =	vor.u32 v17, v38;
	v36 =	vld [tilespmem:s25+$0xFFFFFF90];
	_ =	sdelay $0x4  }
0x14b: {  	[tilespmem:v51+s21+$0x0] =	vst.idx.msk $0xffff, v36  }
0x14c: {  	v52 =	vor.u32 v18, v38;
	v36 =	vld [tilespmem:s25+$0xFFFFFFA0];
	_ =	sdelay $0x4  }
0x14d: {  	[tilespmem:v52+s21+$0x0] =	vst.idx.msk $0xffff, v36  }
0x14e: {  	v53 =	vor.u32 v19, v38;
	v36 =	vld [tilespmem:s25+$0xFFFFFFB0]  }
0x14f: {  	s30 =	sadd.s32 $0x2, s26  }
0x150: {  	v54 =	vmov s30  }
0x151: {  	v38 =	vand.u32 $0x7E, v54  }
0x152: {  	v38 =	vbroadcast v38, $0x0  }
0x153: {  	[tilespmem:v53+s21+$0x0] =	vst.idx.msk $0xffff, v36  }
0x154: {  	v55 =	vor.u32 v11, v38;
	v36 =	vld [tilespmem:s25+$0x0];
	_ =	sdelay $0x4  }
0x155: {  	[tilespmem:v55+s21+$0x0] =	vst.idx.msk $0xffff, v36  }
0x156: {  	v56 =	vor.u32 v17, v38;
	v36 =	vld [tilespmem:s25+$0x10];
	_ =	sdelay $0x4  }
0x157: {  	[tilespmem:v56+s21+$0x0] =	vst.idx.msk $0xffff, v36  }
0x158: {  	v57 =	vor.u32 v18, v38;
	v36 =	vld [tilespmem:s25+$0x20];
	_ =	sdelay $0x4  }
0x159: {  	[tilespmem:v57+s21+$0x0] =	vst.idx.msk $0xffff, v36  }
0x15a: {  	v58 =	vor.u32 v19, v38;
	v36 =	vld [tilespmem:s25+$0x30]  }
0x15b: {  	s31 =	sadd.s32 $0x3, s26  }
0x15c: {  	v59 =	vmov s31  }
0x15d: {  	v38 =	vand.u32 $0x7F, v59  }
0x15e: {  	v38 =	vbroadcast v38, $0x0  }
0x15f: {  	[tilespmem:v58+s21+$0x0] =	vst.idx.msk $0xffff, v36  }
0x160: {  	v60 =	vor.u32 v11, v38;
	v36 =	vld [tilespmem:s25+$0x80];
	_ =	sdelay $0x4  }
0x161: {  	[tilespmem:v60+s21+$0x0] =	vst.idx.msk $0xffff, v36  }
0x162: {  	v61 =	vor.u32 v17, v38;
	v36 =	vld [tilespmem:s25+$0x90];
	_ =	sdelay $0x4  }
0x163: {  	[tilespmem:v61+s21+$0x0] =	vst.idx.msk $0xffff, v36  }
0x164: {  	v62 =	vor.u32 v18, v38;
	v36 =	vld [tilespmem:s25+$0xA0];
	_ =	sdelay $0x4  }
0x165: {  	[tilespmem:v62+s21+$0x0] =	vst.idx.msk $0xffff, v36  }
0x166: {  	v63 =	vor.u32 v19, v38;
	v36 =	vld [tilespmem:s25+$0xB0];
	_ =	sdelay $0x4  }
0x167: {  	[tilespmem:v63+s21+$0x0] =	vst.idx.msk $0xffff, v36  }
0x168: {  	[hbm4b:s6+s18] =	stream.strided.scatter [tilespmem:s21], [sflag:$0x4], $0x2000, s19, s18, $0x38;
	[tilespmem:$0xF500] =	vst v63  }
0x169: {  	v36 =	vld.idx.msk [tilespmem:v28+s2+$0x0], $0xffff;
	_ =	sdelay $0x4  }
0x16a: {  	[tilespmem:$0x3480] =	vst v36  }
0x16b: {  	v36 =	vld.idx.msk [tilespmem:v29+s2+$0x0], $0xffff;
	_ =	sdelay $0x4  }
0x16c: {  	[tilespmem:$0x3490] =	vst v36  }
0x16d: {  	v36 =	vld.idx.msk [tilespmem:v30+s2+$0x0], $0xffff;
	_ =	sdelay $0x4  }
0x16e: {  	[tilespmem:$0x34A0] =	vst v36  }
0x16f: {  	v36 =	vld.idx.msk [tilespmem:v31+s2+$0x0], $0xffff;
	_ =	sdelay $0x4  }
0x170: {  	[tilespmem:$0x34B0] =	vst v36  }
0x171: {  	v36 =	vld.idx.msk [tilespmem:v32+s2+$0x0], $0xffff;
	_ =	sdelay $0x4  }
0x172: {  	[tilespmem:$0x34C0] =	vst v36  }
0x173: {  	v36 =	vld.idx.msk [tilespmem:v33+s2+$0x0], $0xffff;
	_ =	sdelay $0x4  }
0x174: {  	[tilespmem:$0x34D0] =	vst v36  }
0x175: {  	v36 =	vld.idx.msk [tilespmem:v34+s2+$0x0], $0xffff;
	_ =	sdelay $0x4  }
0x176: {  	[tilespmem:$0x34E0] =	vst v36  }
0x177: {  	v36 =	vld.idx.msk [tilespmem:v35+s2+$0x0], $0xffff;
	_ =	sdelay $0x4  }
0x178: {  	s25 =	simm.s32 $0x1;
	[tilespmem:$0x34F0] =	vst v36  }
0x179: {  	[tilespmem:s15], [sflag:$0x2] =	stream.indirect.gather [hbm4b:s3+s11], $0x80, s14, s11, $0xb8;
	[tilespmem:$0xF500] =	vst v63  }
.LBB2_6:
0x17a: {  	_ =	swait.ge [sflag:s16], $0x4000  }
0x17b: {  	s26 =	simm.s32 $0x0;
	[sflag:s16] =	ssyncset.done $0x0  }
0x17c: {  	v36 =	vmov s26;
	[sflag:s16] =	ssyncadd.s32 $0xFFFFC000  }
0x17d: {  	v36 =	vand.u32 $0x7C, v36;
	_ =	swait.ge [sflag:s22], $0x2000  }
0x17e: {  	v36 =	vbroadcast v36, $0x0;
	[sflag:s22] =	ssyncset.done $0x0  }
0x17f: {  	s26 =	simm.s32 $0x3600;
	[sflag:s22] =	ssyncadd.s32 $0xFFFFE000  }
0x180: {  	v38 =	vor.u32 v11, v36;
	v37 =	vld [tilespmem:s26+$0xFFFFFF00];
	_ =	sdelay $0x4  }
0x181: {  	[tilespmem:v38+s17+$0x0] =	vst.idx.msk $0xffff, v37  }
0x182: {  	v48 =	vor.u32 v17, v36;
	v37 =	vld [tilespmem:s26+$0xFFFFFF10];
	_ =	sdelay $0x4  }
0x183: {  	[tilespmem:v48+s17+$0x0] =	vst.idx.msk $0xffff, v37  }
0x184: {  	v49 =	vor.u32 v18, v36;
	v37 =	vld [tilespmem:s26+$0xFFFFFF20];
	_ =	sdelay $0x4  }
0x185: {  	[tilespmem:v49+s17+$0x0] =	vst.idx.msk $0xffff, v37  }
0x186: {  	v36 =	vor.u32 v19, v36;
	v37 =	vld [tilespmem:s26+$0xFFFFFF30]  }
0x187: {  	s28 =	simm.s32 $0x1  }
0x188: {  	v50 =	vmov s28  }
0x189: {  	v38 =	vand.u32 $0x7D, v50  }
0x18a: {  	v38 =	vbroadcast v38, $0x0  }
0x18b: {  	[tilespmem:v36+s17+$0x0] =	vst.idx.msk $0xffff, v37  }
0x18c: {  	v51 =	vor.u32 v11, v38;
	v36 =	vld [tilespmem:s26+$0xFFFFFF80];
	_ =	sdelay $0x4  }
0x18d: {  	[tilespmem:v51+s17+$0x0] =	vst.idx.msk $0xffff, v36  }
0x18e: {  	v52 =	vor.u32 v17, v38;
	v36 =	vld [tilespmem:s26+$0xFFFFFF90];
	_ =	sdelay $0x4  }
0x18f: {  	[tilespmem:v52+s17+$0x0] =	vst.idx.msk $0xffff, v36  }
0x190: {  	v53 =	vor.u32 v18, v38;
	v36 =	vld [tilespmem:s26+$0xFFFFFFA0];
	_ =	sdelay $0x4  }
0x191: {  	[tilespmem:v53+s17+$0x0] =	vst.idx.msk $0xffff, v36  }
0x192: {  	v54 =	vor.u32 v19, v38;
	v36 =	vld [tilespmem:s26+$0xFFFFFFB0]  }
0x193: {  	s28 =	simm.s32 $0x2  }
0x194: {  	v55 =	vmov s28  }
0x195: {  	v38 =	vand.u32 $0x7E, v55  }
0x196: {  	v38 =	vbroadcast v38, $0x0  }
0x197: {  	[tilespmem:v54+s17+$0x0] =	vst.idx.msk $0xffff, v36  }
0x198: {  	v56 =	vor.u32 v11, v38;
	v36 =	vld [tilespmem:s26+$0x0];
	_ =	sdelay $0x4  }
0x199: {  	[tilespmem:v56+s17+$0x0] =	vst.idx.msk $0xffff, v36  }
0x19a: {  	v57 =	vor.u32 v17, v38;
	v36 =	vld [tilespmem:s26+$0x10];
	_ =	sdelay $0x4  }
0x19b: {  	[tilespmem:v57+s17+$0x0] =	vst.idx.msk $0xffff, v36  }
0x19c: {  	v58 =	vor.u32 v18, v38;
	v36 =	vld [tilespmem:s26+$0x20];
	_ =	sdelay $0x4  }
0x19d: {  	[tilespmem:v58+s17+$0x0] =	vst.idx.msk $0xffff, v36  }
0x19e: {  	v59 =	vor.u32 v19, v38;
	v36 =	vld [tilespmem:s26+$0x30]  }
0x19f: {  	s28 =	simm.s32 $0x3  }
0x1a0: {  	v60 =	vmov s28  }
0x1a1: {  	v38 =	vand.u32 $0x7F, v60  }
0x1a2: {  	v38 =	vbroadcast v38, $0x0  }
0x1a3: {  	[tilespmem:v59+s17+$0x0] =	vst.idx.msk $0xffff, v36  }
0x1a4: {  	v61 =	vor.u32 v11, v38;
	v36 =	vld [tilespmem:s26+$0x80];
	_ =	sdelay $0x4  }
0x1a5: {  	[tilespmem:v61+s17+$0x0] =	vst.idx.msk $0xffff, v36  }
0x1a6: {  	v62 =	vor.u32 v17, v38;
	v36 =	vld [tilespmem:s26+$0x90];
	_ =	sdelay $0x4  }
0x1a7: {  	[tilespmem:v62+s17+$0x0] =	vst.idx.msk $0xffff, v36  }
0x1a8: {  	v63 =	vor.u32 v18, v38;
	v36 =	vld [tilespmem:s26+$0xA0];
	_ =	sdelay $0x4  }
0x1a9: {  	[tilespmem:v63+s17+$0x0] =	vst.idx.msk $0xffff, v36  }
0x1aa: {  	v37 =	vor.u32 v19, v38;
	v36 =	vld [tilespmem:s26+$0xB0]  }
0x1ab: {  	s28 =	simm.s32 $0x4  }
0x1ac: {  	s29 =	simm.s32 $0x8;
	v38 =	vmov s28  }
.LBB2_7:
0x1ad: {  	p0 =	sne.s32 s29, $0x7C;
	v38 =	vand.u32 $0x7C, v38  }
0x1ae: {  	v38 =	vbroadcast v38, $0x0  }
0x1af: {  	s26 =	sadd.s32 $0x200, s26;
	[tilespmem:v37+s17+$0x0] =	vst.idx.msk $0xffff, v36  }
0x1b0: {  	v36 =	vld [tilespmem:s26+$0xFFFFFF00];
	v37 =	vor.u32 v11, v38;
	_ =	sdelay $0x4  }
0x1b1: {  	[tilespmem:v37+s17+$0x0] =	vst.idx.msk $0xffff, v36  }
0x1b2: {  	v37 =	vor.u32 v17, v38;
	v36 =	vld [tilespmem:s26+$0xFFFFFF10];
	_ =	sdelay $0x4  }
0x1b3: {  	[tilespmem:v37+s17+$0x0] =	vst.idx.msk $0xffff, v36  }
0x1b4: {  	v37 =	vor.u32 v18, v38;
	v36 =	vld [tilespmem:s26+$0xFFFFFF20];
	_ =	sdelay $0x4  }
0x1b5: {  	[tilespmem:v37+s17+$0x0] =	vst.idx.msk $0xffff, v36  }
0x1b6: {  	v37 =	vor.u32 v19, v38;
	v36 =	vld [tilespmem:s26+$0xFFFFFF30]  }
0x1b7: {  	s30 =	sadd.s32 $0x1, s28  }
0x1b8: {  	v38 =	vmov s30  }
0x1b9: {  	v38 =	vand.u32 $0x7D, v38  }
0x1ba: {  	v38 =	vbroadcast v38, $0x0  }
0x1bb: {  	[tilespmem:v37+s17+$0x0] =	vst.idx.msk $0xffff, v36  }
0x1bc: {  	v37 =	vor.u32 v11, v38;
	v36 =	vld [tilespmem:s26+$0xFFFFFF80];
	_ =	sdelay $0x4  }
0x1bd: {  	[tilespmem:v37+s17+$0x0] =	vst.idx.msk $0xffff, v36  }
0x1be: {  	v37 =	vor.u32 v17, v38;
	v36 =	vld [tilespmem:s26+$0xFFFFFF90];
	_ =	sdelay $0x4  }
0x1bf: {  	[tilespmem:v37+s17+$0x0] =	vst.idx.msk $0xffff, v36  }
0x1c0: {  	v37 =	vor.u32 v18, v38;
	v36 =	vld [tilespmem:s26+$0xFFFFFFA0];
	_ =	sdelay $0x4  }
0x1c1: {  	[tilespmem:v37+s17+$0x0] =	vst.idx.msk $0xffff, v36  }
0x1c2: {  	v37 =	vor.u32 v19, v38;
	v36 =	vld [tilespmem:s26+$0xFFFFFFB0]  }
0x1c3: {  	s30 =	sadd.s32 $0x2, s28  }
0x1c4: {  	v38 =	vmov s30  }
0x1c5: {  	v38 =	vand.u32 $0x7E, v38  }
0x1c6: {  	v38 =	vbroadcast v38, $0x0  }
0x1c7: {  	[tilespmem:v37+s17+$0x0] =	vst.idx.msk $0xffff, v36  }
0x1c8: {  	v37 =	vor.u32 v11, v38;
	v36 =	vld [tilespmem:s26+$0x0];
	_ =	sdelay $0x4  }
0x1c9: {  	[tilespmem:v37+s17+$0x0] =	vst.idx.msk $0xffff, v36  }
0x1ca: {  	v37 =	vor.u32 v17, v38;
	v36 =	vld [tilespmem:s26+$0x10];
	_ =	sdelay $0x4  }
0x1cb: {  	[tilespmem:v37+s17+$0x0] =	vst.idx.msk $0xffff, v36  }
0x1cc: {  	v37 =	vor.u32 v18, v38;
	v36 =	vld [tilespmem:s26+$0x20];
	_ =	sdelay $0x4  }
0x1cd: {  	[tilespmem:v37+s17+$0x0] =	vst.idx.msk $0xffff, v36  }
0x1ce: {  	v37 =	vor.u32 v19, v38;
	v36 =	vld [tilespmem:s26+$0x30]  }
0x1cf: {  	s30 =	sadd.s32 $0x3, s28;
	s28 =	smov.u32 s29  }
0x1d0: {  	v38 =	vmov s30  }
0x1d1: {  	v38 =	vand.u32 $0x7F, v38  }
0x1d2: {  	v38 =	vbroadcast v38, $0x0  }
0x1d3: {  	[tilespmem:v37+s17+$0x0] =	vst.idx.msk $0xffff, v36  }
0x1d4: {  	v37 =	vor.u32 v11, v38;
	v36 =	vld [tilespmem:s26+$0x80];
	_ =	sdelay $0x4  }
0x1d5: {  	[tilespmem:v37+s17+$0x0] =	vst.idx.msk $0xffff, v36  }
0x1d6: {  	v37 =	vor.u32 v17, v38;
	v36 =	vld [tilespmem:s26+$0x90];
	_ =	sdelay $0x4  }
0x1d7: {  	[tilespmem:v37+s17+$0x0] =	vst.idx.msk $0xffff, v36  }
0x1d8: {  	v37 =	vor.u32 v18, v38;
	v36 =	vld [tilespmem:s26+$0xA0];
	_ =	sdelay $0x3  }
.Ltmp2:
0x1d9: {  	(pc) =	sbr.rel @p0 .LBB2_7-.Ltmp2, $3  }
0x1da: {  	[tilespmem:v37+s17+$0x0] =	vst.idx.msk $0xffff, v36  }
0x1db: {  	v37 =	vor.u32 v19, v38;
	v36 =	vld [tilespmem:s26+$0xB0];
	_ =	sdelay $0x1  }
0x1dc: {  	s29 =	sadd.s32 $0x4, s29;
	v38 =	vmov s28  }
0x1dd: {  	_ =	sdelay $0x1  }
0x1de: {  	v38 =	vand.u32 $0x7C, v38  }
0x1df: {  	v38 =	vbroadcast v38, $0x0  }
0x1e0: {  	s29 =	sadd.s32 $0x200, s26;
	[tilespmem:v37+s17+$0x0] =	vst.idx.msk $0xffff, v36  }
0x1e1: {  	v36 =	vld [tilespmem:s29+$0xFFFFFF00];
	v42 =	vor.u32 v11, v38;
	_ =	sdelay $0x4  }
0x1e2: {  	[tilespmem:v42+s17+$0x0] =	vst.idx.msk $0xffff, v36  }
0x1e3: {  	v43 =	vor.u32 v17, v38;
	v36 =	vld [tilespmem:s29+$0xFFFFFF10];
	_ =	sdelay $0x4  }
0x1e4: {  	[tilespmem:v43+s17+$0x0] =	vst.idx.msk $0xffff, v36  }
0x1e5: {  	v44 =	vor.u32 v18, v38;
	v36 =	vld [tilespmem:s29+$0xFFFFFF20];
	_ =	sdelay $0x4  }
0x1e6: {  	[tilespmem:v44+s17+$0x0] =	vst.idx.msk $0xffff, v36  }
0x1e7: {  	v45 =	vor.u32 v19, v38;
	v36 =	vld [tilespmem:s29+$0xFFFFFF30]  }
0x1e8: {  	s0 =	sadd.s32 $0x1, s28  }
0x1e9: {  	v46 =	vmov s0  }
0x1ea: {  	v38 =	vand.u32 $0x7D, v46  }
0x1eb: {  	v38 =	vbroadcast v38, $0x0  }
0x1ec: {  	[tilespmem:v45+s17+$0x0] =	vst.idx.msk $0xffff, v36  }
0x1ed: {  	v47 =	vor.u32 v11, v38;
	v36 =	vld [tilespmem:s29+$0xFFFFFF80];
	_ =	sdelay $0x4  }
0x1ee: {  	[tilespmem:v47+s17+$0x0] =	vst.idx.msk $0xffff, v36  }
0x1ef: {  	v48 =	vor.u32 v17, v38;
	v36 =	vld [tilespmem:s29+$0xFFFFFF90];
	_ =	sdelay $0x4  }
0x1f0: {  	[tilespmem:v48+s17+$0x0] =	vst.idx.msk $0xffff, v36  }
0x1f1: {  	v49 =	vor.u32 v18, v38;
	v36 =	vld [tilespmem:s29+$0xFFFFFFA0];
	_ =	sdelay $0x4  }
0x1f2: {  	[tilespmem:v49+s17+$0x0] =	vst.idx.msk $0xffff, v36  }
0x1f3: {  	v50 =	vor.u32 v19, v38;
	v36 =	vld [tilespmem:s29+$0xFFFFFFB0]  }
0x1f4: {  	s1 =	sadd.s32 $0x2, s28  }
0x1f5: {  	v51 =	vmov s1  }
0x1f6: {  	v38 =	vand.u32 $0x7E, v51  }
0x1f7: {  	v38 =	vbroadcast v38, $0x0  }
0x1f8: {  	[tilespmem:v50+s17+$0x0] =	vst.idx.msk $0xffff, v36  }
0x1f9: {  	v52 =	vor.u32 v11, v38;
	v36 =	vld [tilespmem:s29+$0x0];
	_ =	sdelay $0x4  }
0x1fa: {  	[tilespmem:v52+s17+$0x0] =	vst.idx.msk $0xffff, v36  }
0x1fb: {  	v53 =	vor.u32 v17, v38;
	v36 =	vld [tilespmem:s29+$0x10];
	_ =	sdelay $0x4  }
0x1fc: {  	[tilespmem:v53+s17+$0x0] =	vst.idx.msk $0xffff, v36  }
0x1fd: {  	v54 =	vor.u32 v18, v38;
	v36 =	vld [tilespmem:s29+$0x20];
	_ =	sdelay $0x4  }
0x1fe: {  	[tilespmem:v54+s17+$0x0] =	vst.idx.msk $0xffff, v36  }
0x1ff: {  	v55 =	vor.u32 v19, v38;
	v36 =	vld [tilespmem:s29+$0x30]  }
0x200: {  	s0 =	sadd.s32 $0x3, s28  }
0x201: {  	v56 =	vmov s0  }
0x202: {  	v38 =	vand.u32 $0x7F, v56  }
0x203: {  	v38 =	vbroadcast v38, $0x0  }
0x204: {  	[tilespmem:v55+s17+$0x0] =	vst.idx.msk $0xffff, v36  }
0x205: {  	v57 =	vor.u32 v11, v38;
	v36 =	vld [tilespmem:s29+$0x80];
	_ =	sdelay $0x4  }
0x206: {  	[tilespmem:v57+s17+$0x0] =	vst.idx.msk $0xffff, v36  }
0x207: {  	v58 =	vor.u32 v17, v38;
	v36 =	vld [tilespmem:s29+$0x90];
	_ =	sdelay $0x4  }
0x208: {  	[tilespmem:v58+s17+$0x0] =	vst.idx.msk $0xffff, v36  }
0x209: {  	s26 =	sshll.u32 s25, $0x1;
	v59 =	vor.u32 v18, v38;
	v36 =	vld [tilespmem:s29+$0xA0]  }
0x20a: {  	s28 =	sadd.s32 $0x2, s26  }
0x20b: {  	s30 =	smulhi.u32 $0x4EC4EC4F, s28  }
0x20c: {  	s31 =	smulhi.u32 $0x4EC4EC4F, s26  }
0x20d: {  	s0 =	smulhi.u32 $0x4EC4EC4F, s25;
	s30 =	sshrl.u32 s30, $0x3  }
0x20e: {  	s1 =	smul.u32 $0x1A, s30;
	[tilespmem:v59+s17+$0x0] =	vst.idx.msk $0xffff, v36  }
0x20f: {  	s30 =	smul.u32 $0xD00, s30;
	v60 =	vor.u32 v19, v38;
	v36 =	vld [tilespmem:s29+$0xB0];
	s29 =	sshrl.u32 s31, $0x3  }
0x210: {  	s1 =	ssub.s32 s28, s1;
	s28 =	smul.u32 $0x1A, s29  }
0x211: {  	s0 =	sshll.u32 s0, $0x5;
	s1 =	sor.u32 s1, s30  }
0x212: {  	s0 =	sand.u32 $0xFFFFFF80, s0;
	v61 =	vadd.s32 s1, v0;
	s28 =	ssub.s32 s26, s28  }
0x213: {  	s29 =	sshll.u32 s28, $0x11;
	s28 =	sadd.s32 s4, s0  }
0x214: {  	[tilespmem:v60+s17+$0x0] =	vst.idx.msk $0xffff, v36;
	s0 =	sadd.s32 s29, s28  }
0x215: {  	[hbm4b:s0+s18] =	stream.strided.scatter [tilespmem:s17], [sflag:$0x3], $0x2000, s19, s18, $0x38;
	[tilespmem:$0xF500] =	vst v63  }
0x216: {  	s0 =	simm.s32 $0x0  }
0x217: {  	v36 =	vld.idx.msk [tilespmem:v61+s0+$0x0], $0xffff  }
0x218: {  	v62 =	vadd.s32 s1, v1;
	_ =	sdelay $0x3  }
0x219: {  	[tilespmem:$0x3400] =	vst v36  }
0x21a: {  	v36 =	vld.idx.msk [tilespmem:v62+s0+$0x0], $0xffff  }
0x21b: {  	v63 =	vadd.s32 s1, v2;
	_ =	sdelay $0x3  }
0x21c: {  	[tilespmem:$0x3410] =	vst v36  }
0x21d: {  	v36 =	vld.idx.msk [tilespmem:v63+s0+$0x0], $0xffff  }
0x21e: {  	v40 =	vadd.s32 s1, v3;
	_ =	sdelay $0x3  }
0x21f: {  	[tilespmem:$0x3420] =	vst v36  }
0x220: {  	v36 =	vld.idx.msk [tilespmem:v40+s0+$0x0], $0xffff  }
0x221: {  	v41 =	vadd.s32 s1, v4;
	_ =	sdelay $0x3  }
0x222: {  	[tilespmem:$0x3430] =	vst v36  }
0x223: {  	v36 =	vld.idx.msk [tilespmem:v41+s0+$0x0], $0xffff  }
0x224: {  	v42 =	vadd.s32 s1, v5;
	_ =	sdelay $0x3  }
0x225: {  	[tilespmem:$0x3440] =	vst v36  }
0x226: {  	v36 =	vld.idx.msk [tilespmem:v42+s0+$0x0], $0xffff  }
0x227: {  	v43 =	vadd.s32 s1, v6;
	_ =	sdelay $0x3  }
0x228: {  	[tilespmem:$0x3450] =	vst v36  }
0x229: {  	v36 =	vld.idx.msk [tilespmem:v43+s0+$0x0], $0xffff  }
0x22a: {  	v44 =	vadd.s32 s1, v7;
	_ =	sdelay $0x3  }
0x22b: {  	[tilespmem:$0x3460] =	vst v36  }
0x22c: {  	v36 =	vld.idx.msk [tilespmem:v44+s0+$0x0], $0xffff;
	_ =	sdelay $0x4  }
0x22d: {  	[tilespmem:$0x3470] =	vst v36  }
0x22e: {  	[tilespmem:s13], [sflag:$0x1] =	stream.indirect.gather [hbm4b:s3+s11], $0x80, s12, s11, $0xb8;
	[tilespmem:$0xF500] =	vst v63  }
0x22f: {  	_ =	swait.ge [sflag:s20], $0x4000  }
0x230: {  	[sflag:s20] =	ssyncset.done $0x0  }
0x231: {  	v45 =	vmov s0;
	[sflag:s20] =	ssyncadd.s32 $0xFFFFC000  }
0x232: {  	v36 =	vand.u32 $0x7C, v45;
	_ =	swait.ge [sflag:s23], $0x2000  }
0x233: {  	v36 =	vbroadcast v36, $0x0;
	[sflag:s23] =	ssyncset.done $0x0  }
0x234: {  	s29 =	simm.s32 $0x7600;
	[sflag:s23] =	ssyncadd.s32 $0xFFFFE000  }
0x235: {  	v47 =	vor.u32 v11, v36;
	v46 =	vld [tilespmem:s29+$0xFFFFFF00];
	_ =	sdelay $0x4  }
0x236: {  	[tilespmem:v47+s21+$0x0] =	vst.idx.msk $0xffff, v46  }
0x237: {  	v48 =	vor.u32 v17, v36;
	v37 =	vld [tilespmem:s29+$0xFFFFFF10];
	_ =	sdelay $0x4  }
0x238: {  	[tilespmem:v48+s21+$0x0] =	vst.idx.msk $0xffff, v37  }
0x239: {  	v49 =	vor.u32 v18, v36;
	v37 =	vld [tilespmem:s29+$0xFFFFFF20];
	_ =	sdelay $0x4  }
0x23a: {  	[tilespmem:v49+s21+$0x0] =	vst.idx.msk $0xffff, v37  }
0x23b: {  	v36 =	vor.u32 v19, v36;
	v37 =	vld [tilespmem:s29+$0xFFFFFF30]  }
0x23c: {  	s1 =	simm.s32 $0x1  }
0x23d: {  	v50 =	vmov s1  }
0x23e: {  	v38 =	vand.u32 $0x7D, v50  }
0x23f: {  	v38 =	vbroadcast v38, $0x0  }
0x240: {  	[tilespmem:v36+s21+$0x0] =	vst.idx.msk $0xffff, v37  }
0x241: {  	v51 =	vor.u32 v11, v38;
	v36 =	vld [tilespmem:s29+$0xFFFFFF80];
	_ =	sdelay $0x4  }
0x242: {  	[tilespmem:v51+s21+$0x0] =	vst.idx.msk $0xffff, v36  }
0x243: {  	v52 =	vor.u32 v17, v38;
	v36 =	vld [tilespmem:s29+$0xFFFFFF90];
	_ =	sdelay $0x4  }
0x244: {  	[tilespmem:v52+s21+$0x0] =	vst.idx.msk $0xffff, v36  }
0x245: {  	v53 =	vor.u32 v18, v38;
	v36 =	vld [tilespmem:s29+$0xFFFFFFA0];
	_ =	sdelay $0x4  }
0x246: {  	[tilespmem:v53+s21+$0x0] =	vst.idx.msk $0xffff, v36  }
0x247: {  	v54 =	vor.u32 v19, v38;
	v36 =	vld [tilespmem:s29+$0xFFFFFFB0]  }
0x248: {  	s1 =	simm.s32 $0x2  }
0x249: {  	v55 =	vmov s1  }
0x24a: {  	v38 =	vand.u32 $0x7E, v55  }
0x24b: {  	v38 =	vbroadcast v38, $0x0  }
0x24c: {  	[tilespmem:v54+s21+$0x0] =	vst.idx.msk $0xffff, v36  }
0x24d: {  	v56 =	vor.u32 v11, v38;
	v36 =	vld [tilespmem:s29+$0x0];
	_ =	sdelay $0x4  }
0x24e: {  	[tilespmem:v56+s21+$0x0] =	vst.idx.msk $0xffff, v36  }
0x24f: {  	v57 =	vor.u32 v17, v38;
	v36 =	vld [tilespmem:s29+$0x10];
	_ =	sdelay $0x4  }
0x250: {  	[tilespmem:v57+s21+$0x0] =	vst.idx.msk $0xffff, v36  }
0x251: {  	v58 =	vor.u32 v18, v38;
	v36 =	vld [tilespmem:s29+$0x20];
	_ =	sdelay $0x4  }
0x252: {  	[tilespmem:v58+s21+$0x0] =	vst.idx.msk $0xffff, v36  }
0x253: {  	v59 =	vor.u32 v19, v38;
	v36 =	vld [tilespmem:s29+$0x30]  }
0x254: {  	s1 =	simm.s32 $0x3  }
0x255: {  	v60 =	vmov s1  }
0x256: {  	v38 =	vand.u32 $0x7F, v60  }
0x257: {  	v38 =	vbroadcast v38, $0x0  }
0x258: {  	[tilespmem:v59+s21+$0x0] =	vst.idx.msk $0xffff, v36  }
0x259: {  	v61 =	vor.u32 v11, v38;
	v36 =	vld [tilespmem:s29+$0x80];
	_ =	sdelay $0x4  }
0x25a: {  	[tilespmem:v61+s21+$0x0] =	vst.idx.msk $0xffff, v36  }
0x25b: {  	v62 =	vor.u32 v17, v38;
	v36 =	vld [tilespmem:s29+$0x90];
	_ =	sdelay $0x4  }
0x25c: {  	[tilespmem:v62+s21+$0x0] =	vst.idx.msk $0xffff, v36  }
0x25d: {  	v63 =	vor.u32 v18, v38;
	v36 =	vld [tilespmem:s29+$0xA0];
	_ =	sdelay $0x4  }
0x25e: {  	[tilespmem:v63+s21+$0x0] =	vst.idx.msk $0xffff, v36  }
0x25f: {  	v37 =	vor.u32 v19, v38;
	v36 =	vld [tilespmem:s29+$0xB0]  }
0x260: {  	s30 =	simm.s32 $0x4  }
0x261: {  	s31 =	simm.s32 $0x8;
	v38 =	vmov s30  }
.LBB2_9:
0x262: {  	p0 =	sne.s32 s31, $0x7C;
	v38 =	vand.u32 $0x7C, v38  }
0x263: {  	v38 =	vbroadcast v38, $0x0  }
0x264: {  	s29 =	sadd.s32 $0x200, s29;
	[tilespmem:v37+s21+$0x0] =	vst.idx.msk $0xffff, v36  }
0x265: {  	v36 =	vld [tilespmem:s29+$0xFFFFFF00];
	v37 =	vor.u32 v11, v38;
	_ =	sdelay $0x4  }
0x266: {  	[tilespmem:v37+s21+$0x0] =	vst.idx.msk $0xffff, v36  }
0x267: {  	v37 =	vor.u32 v17, v38;
	v36 =	vld [tilespmem:s29+$0xFFFFFF10];
	_ =	sdelay $0x4  }
0x268: {  	[tilespmem:v37+s21+$0x0] =	vst.idx.msk $0xffff, v36  }
0x269: {  	v37 =	vor.u32 v18, v38;
	v36 =	vld [tilespmem:s29+$0xFFFFFF20];
	_ =	sdelay $0x4  }
0x26a: {  	[tilespmem:v37+s21+$0x0] =	vst.idx.msk $0xffff, v36  }
0x26b: {  	v37 =	vor.u32 v19, v38;
	v36 =	vld [tilespmem:s29+$0xFFFFFF30]  }
0x26c: {  	s0 =	sadd.s32 $0x1, s30  }
0x26d: {  	v38 =	vmov s0  }
0x26e: {  	v38 =	vand.u32 $0x7D, v38  }
0x26f: {  	v38 =	vbroadcast v38, $0x0  }
0x270: {  	[tilespmem:v37+s21+$0x0] =	vst.idx.msk $0xffff, v36  }
0x271: {  	v37 =	vor.u32 v11, v38;
	v36 =	vld [tilespmem:s29+$0xFFFFFF80];
	_ =	sdelay $0x4  }
0x272: {  	[tilespmem:v37+s21+$0x0] =	vst.idx.msk $0xffff, v36  }
0x273: {  	v37 =	vor.u32 v17, v38;
	v36 =	vld [tilespmem:s29+$0xFFFFFF90];
	_ =	sdelay $0x4  }
0x274: {  	[tilespmem:v37+s21+$0x0] =	vst.idx.msk $0xffff, v36  }
0x275: {  	v37 =	vor.u32 v18, v38;
	v36 =	vld [tilespmem:s29+$0xFFFFFFA0];
	_ =	sdelay $0x4  }
0x276: {  	[tilespmem:v37+s21+$0x0] =	vst.idx.msk $0xffff, v36  }
0x277: {  	v37 =	vor.u32 v19, v38;
	v36 =	vld [tilespmem:s29+$0xFFFFFFB0]  }
0x278: {  	s0 =	sadd.s32 $0x2, s30  }
0x279: {  	v38 =	vmov s0  }
0x27a: {  	v38 =	vand.u32 $0x7E, v38  }
0x27b: {  	v38 =	vbroadcast v38, $0x0  }
0x27c: {  	[tilespmem:v37+s21+$0x0] =	vst.idx.msk $0xffff, v36  }
0x27d: {  	v37 =	vor.u32 v11, v38;
	v36 =	vld [tilespmem:s29+$0x0];
	_ =	sdelay $0x4  }
0x27e: {  	[tilespmem:v37+s21+$0x0] =	vst.idx.msk $0xffff, v36  }
0x27f: {  	v37 =	vor.u32 v17, v38;
	v36 =	vld [tilespmem:s29+$0x10];
	_ =	sdelay $0x4  }
0x280: {  	[tilespmem:v37+s21+$0x0] =	vst.idx.msk $0xffff, v36  }
0x281: {  	v37 =	vor.u32 v18, v38;
	v36 =	vld [tilespmem:s29+$0x20];
	_ =	sdelay $0x4  }
0x282: {  	[tilespmem:v37+s21+$0x0] =	vst.idx.msk $0xffff, v36  }
0x283: {  	v37 =	vor.u32 v19, v38;
	v36 =	vld [tilespmem:s29+$0x30]  }
0x284: {  	s0 =	sadd.s32 $0x3, s30;
	s30 =	smov.u32 s31  }
0x285: {  	v38 =	vmov s0  }
0x286: {  	v38 =	vand.u32 $0x7F, v38  }
0x287: {  	v38 =	vbroadcast v38, $0x0  }
0x288: {  	[tilespmem:v37+s21+$0x0] =	vst.idx.msk $0xffff, v36  }
0x289: {  	v37 =	vor.u32 v11, v38;
	v36 =	vld [tilespmem:s29+$0x80];
	_ =	sdelay $0x4  }
0x28a: {  	[tilespmem:v37+s21+$0x0] =	vst.idx.msk $0xffff, v36  }
0x28b: {  	v37 =	vor.u32 v17, v38;
	v36 =	vld [tilespmem:s29+$0x90];
	_ =	sdelay $0x4  }
0x28c: {  	[tilespmem:v37+s21+$0x0] =	vst.idx.msk $0xffff, v36  }
0x28d: {  	v37 =	vor.u32 v18, v38;
	v36 =	vld [tilespmem:s29+$0xA0];
	_ =	sdelay $0x3  }
.Ltmp3:
0x28e: {  	(pc) =	sbr.rel @p0 .LBB2_9-.Ltmp3, $3  }
0x28f: {  	[tilespmem:v37+s21+$0x0] =	vst.idx.msk $0xffff, v36  }
0x290: {  	v37 =	vor.u32 v19, v38;
	v36 =	vld [tilespmem:s29+$0xB0];
	_ =	sdelay $0x1  }
0x291: {  	s31 =	sadd.s32 $0x4, s31;
	v38 =	vmov s30  }
0x292: {  	_ =	sdelay $0x1  }
0x293: {  	v38 =	vand.u32 $0x7C, v38  }
0x294: {  	v38 =	vbroadcast v38, $0x0  }
0x295: {  	s29 =	sadd.s32 $0x200, s29;
	[tilespmem:v37+s21+$0x0] =	vst.idx.msk $0xffff, v36  }
0x296: {  	v36 =	vld [tilespmem:s29+$0xFFFFFF00];
	v61 =	vor.u32 v11, v38;
	_ =	sdelay $0x4  }
0x297: {  	[tilespmem:v61+s21+$0x0] =	vst.idx.msk $0xffff, v36  }
0x298: {  	v62 =	vor.u32 v17, v38;
	v36 =	vld [tilespmem:s29+$0xFFFFFF10];
	_ =	sdelay $0x4  }
0x299: {  	[tilespmem:v62+s21+$0x0] =	vst.idx.msk $0xffff, v36  }
0x29a: {  	v63 =	vor.u32 v18, v38;
	v36 =	vld [tilespmem:s29+$0xFFFFFF20];
	_ =	sdelay $0x4  }
0x29b: {  	[tilespmem:v63+s21+$0x0] =	vst.idx.msk $0xffff, v36  }
0x29c: {  	v40 =	vor.u32 v19, v38;
	v36 =	vld [tilespmem:s29+$0xFFFFFF30]  }
0x29d: {  	s0 =	sadd.s32 $0x1, s30  }
0x29e: {  	v41 =	vmov s0  }
0x29f: {  	v38 =	vand.u32 $0x7D, v41  }
0x2a0: {  	v38 =	vbroadcast v38, $0x0  }
0x2a1: {  	[tilespmem:v40+s21+$0x0] =	vst.idx.msk $0xffff, v36  }
0x2a2: {  	v42 =	vor.u32 v11, v38;
	v36 =	vld [tilespmem:s29+$0xFFFFFF80];
	_ =	sdelay $0x4  }
0x2a3: {  	[tilespmem:v42+s21+$0x0] =	vst.idx.msk $0xffff, v36  }
0x2a4: {  	v43 =	vor.u32 v17, v38;
	v36 =	vld [tilespmem:s29+$0xFFFFFF90];
	_ =	sdelay $0x4  }
0x2a5: {  	[tilespmem:v43+s21+$0x0] =	vst.idx.msk $0xffff, v36  }
0x2a6: {  	v44 =	vor.u32 v18, v38;
	v36 =	vld [tilespmem:s29+$0xFFFFFFA0];
	_ =	sdelay $0x4  }
0x2a7: {  	[tilespmem:v44+s21+$0x0] =	vst.idx.msk $0xffff, v36  }
0x2a8: {  	v45 =	vor.u32 v19, v38;
	v36 =	vld [tilespmem:s29+$0xFFFFFFB0]  }
0x2a9: {  	s31 =	sadd.s32 $0x2, s30  }
0x2aa: {  	v46 =	vmov s31  }
0x2ab: {  	v38 =	vand.u32 $0x7E, v46  }
0x2ac: {  	v38 =	vbroadcast v38, $0x0  }
0x2ad: {  	[tilespmem:v45+s21+$0x0] =	vst.idx.msk $0xffff, v36  }
0x2ae: {  	v47 =	vor.u32 v11, v38;
	v36 =	vld [tilespmem:s29+$0x0];
	_ =	sdelay $0x4  }
0x2af: {  	[tilespmem:v47+s21+$0x0] =	vst.idx.msk $0xffff, v36  }
0x2b0: {  	v48 =	vor.u32 v17, v38;
	v36 =	vld [tilespmem:s29+$0x10];
	_ =	sdelay $0x4  }
0x2b1: {  	[tilespmem:v48+s21+$0x0] =	vst.idx.msk $0xffff, v36  }
0x2b2: {  	v49 =	vor.u32 v18, v38;
	v36 =	vld [tilespmem:s29+$0x20];
	_ =	sdelay $0x4  }
0x2b3: {  	[tilespmem:v49+s21+$0x0] =	vst.idx.msk $0xffff, v36  }
0x2b4: {  	v50 =	vor.u32 v19, v38;
	v36 =	vld [tilespmem:s29+$0x30]  }
0x2b5: {  	s1 =	sadd.s32 $0x3, s30  }
0x2b6: {  	v51 =	vmov s1  }
0x2b7: {  	v38 =	vand.u32 $0x7F, v51  }
0x2b8: {  	v38 =	vbroadcast v38, $0x0  }
0x2b9: {  	[tilespmem:v50+s21+$0x0] =	vst.idx.msk $0xffff, v36  }
0x2ba: {  	v52 =	vor.u32 v11, v38;
	v36 =	vld [tilespmem:s29+$0x80];
	_ =	sdelay $0x4  }
0x2bb: {  	[tilespmem:v52+s21+$0x0] =	vst.idx.msk $0xffff, v36  }
0x2bc: {  	v53 =	vor.u32 v17, v38;
	v36 =	vld [tilespmem:s29+$0x90];
	_ =	sdelay $0x4  }
0x2bd: {  	[tilespmem:v53+s21+$0x0] =	vst.idx.msk $0xffff, v36  }
0x2be: {  	s0 =	sadd.s32 $0x3, s26;
	v54 =	vor.u32 v18, v38;
	v36 =	vld [tilespmem:s29+$0xA0]  }
0x2bf: {  	s1 =	smulhi.u32 $0x4EC4EC4F, s0  }
0x2c0: {  	s26 =	sor.u32 $0x1, s26  }
0x2c1: {  	s30 =	smulhi.u32 $0x4EC4EC4F, s26;
	s1 =	sshrl.u32 s1, $0x3  }
0x2c2: {  	s31 =	smul.u32 $0x1A, s1  }
0x2c3: {  	s1 =	smul.u32 $0xD00, s1;
	[tilespmem:v54+s21+$0x0] =	vst.idx.msk $0xffff, v36  }
0x2c4: {  	s30 =	sshrl.u32 s30, $0x3;
	s0 =	ssub.s32 s0, s31;
	v55 =	vor.u32 v19, v38;
	v36 =	vld [tilespmem:s29+$0xB0]  }
0x2c5: {  	s0 =	sor.u32 s0, s1;
	s29 =	smul.u32 $0x1A, s30  }
0x2c6: {  	v56 =	vadd.s32 s0, v0  }
0x2c7: {  	s31 =	ssub.s32 s26, s29  }
0x2c8: {  	s1 =	sshll.u32 s31, $0x11  }
0x2c9: {  	s1 =	sadd.s32 s1, s28;
	[tilespmem:v55+s21+$0x0] =	vst.idx.msk $0xffff, v36  }
0x2ca: {  	[hbm4b:s1+s18] =	stream.strided.scatter [tilespmem:s21], [sflag:$0x4], $0x2000, s19, s18, $0x38;
	[tilespmem:$0xF500] =	vst v63  }
0x2cb: {  	v36 =	vld.idx.msk [tilespmem:v56+s2+$0x0], $0xffff  }
0x2cc: {  	v57 =	vadd.s32 s0, v1;
	_ =	sdelay $0x3  }
0x2cd: {  	[tilespmem:$0x3480] =	vst v36  }
0x2ce: {  	v36 =	vld.idx.msk [tilespmem:v57+s2+$0x0], $0xffff  }
0x2cf: {  	v58 =	vadd.s32 s0, v2;
	_ =	sdelay $0x3  }
0x2d0: {  	[tilespmem:$0x3490] =	vst v36  }
0x2d1: {  	v36 =	vld.idx.msk [tilespmem:v58+s2+$0x0], $0xffff  }
0x2d2: {  	v59 =	vadd.s32 s0, v3;
	_ =	sdelay $0x3  }
0x2d3: {  	[tilespmem:$0x34A0] =	vst v36  }
0x2d4: {  	v36 =	vld.idx.msk [tilespmem:v59+s2+$0x0], $0xffff  }
0x2d5: {  	v60 =	vadd.s32 s0, v4;
	_ =	sdelay $0x3  }
0x2d6: {  	[tilespmem:$0x34B0] =	vst v36  }
0x2d7: {  	v36 =	vld.idx.msk [tilespmem:v60+s2+$0x0], $0xffff  }
0x2d8: {  	v61 =	vadd.s32 s0, v5;
	_ =	sdelay $0x3  }
0x2d9: {  	[tilespmem:$0x34C0] =	vst v36  }
0x2da: {  	v36 =	vld.idx.msk [tilespmem:v61+s2+$0x0], $0xffff  }
0x2db: {  	v62 =	vadd.s32 s0, v6;
	_ =	sdelay $0x3  }
0x2dc: {  	[tilespmem:$0x34D0] =	vst v36  }
0x2dd: {  	v36 =	vld.idx.msk [tilespmem:v62+s2+$0x0], $0xffff  }
0x2de: {  	v63 =	vadd.s32 s0, v7;
	_ =	sdelay $0x3  }
0x2df: {  	[tilespmem:$0x34E0] =	vst v36  }
0x2e0: {  	s25 =	sadd.s32 $0x1, s25;
	v36 =	vld.idx.msk [tilespmem:v63+s2+$0x0], $0xffff  }
0x2e1: {  	p0 =	sne.s32 s25, $0x33  }
.Ltmp4:
0x2e2: {  	_ = 	snop;
	(pc) =	sbr.rel @p0 .LBB2_6-.Ltmp4, $3  }
0x2e3: {  	_ =	sdelay $0x1  }
0x2e4: {  	[tilespmem:$0x34F0] =	vst v36  }
0x2e5: {  	[tilespmem:s15], [sflag:$0x2] =	stream.indirect.gather [hbm4b:s3+s11], $0x80, s14, s11, $0xb8;
	[tilespmem:$0xF500] =	vst v63  }
0x2e6: {  	_ =	swait.ge [sflag:s16], $0x4000  }
0x2e7: {  	s0 =	simm.s32 $0x0;
	[sflag:s16] =	ssyncset.done $0x0  }
0x2e8: {  	v36 =	vmov s0;
	[sflag:s16] =	ssyncadd.s32 $0xFFFFC000  }
0x2e9: {  	v36 =	vand.u32 $0x7C, v36;
	_ =	swait.ge [sflag:s22], $0x2000  }
0x2ea: {  	v36 =	vbroadcast v36, $0x0;
	[sflag:s22] =	ssyncset.done $0x0  }
0x2eb: {  	s25 =	simm.s32 $0x3600;
	[sflag:s22] =	ssyncadd.s32 $0xFFFFE000  }
0x2ec: {  	v38 =	vor.u32 v11, v36;
	v37 =	vld [tilespmem:s25+$0xFFFFFF00];
	_ =	sdelay $0x4  }
0x2ed: {  	[tilespmem:v38+s17+$0x0] =	vst.idx.msk $0xffff, v37  }
0x2ee: {  	v48 =	vor.u32 v17, v36;
	v37 =	vld [tilespmem:s25+$0xFFFFFF10];
	_ =	sdelay $0x4  }
0x2ef: {  	[tilespmem:v48+s17+$0x0] =	vst.idx.msk $0xffff, v37  }
0x2f0: {  	v49 =	vor.u32 v18, v36;
	v37 =	vld [tilespmem:s25+$0xFFFFFF20];
	_ =	sdelay $0x4  }
0x2f1: {  	[tilespmem:v49+s17+$0x0] =	vst.idx.msk $0xffff, v37  }
0x2f2: {  	v36 =	vor.u32 v19, v36;
	v37 =	vld [tilespmem:s25+$0xFFFFFF30]  }
0x2f3: {  	s29 =	simm.s32 $0x1  }
0x2f4: {  	v50 =	vmov s29  }
0x2f5: {  	v38 =	vand.u32 $0x7D, v50  }
0x2f6: {  	v38 =	vbroadcast v38, $0x0  }
0x2f7: {  	[tilespmem:v36+s17+$0x0] =	vst.idx.msk $0xffff, v37  }
0x2f8: {  	v51 =	vor.u32 v11, v38;
	v36 =	vld [tilespmem:s25+$0xFFFFFF80];
	_ =	sdelay $0x4  }
0x2f9: {  	[tilespmem:v51+s17+$0x0] =	vst.idx.msk $0xffff, v36  }
0x2fa: {  	v52 =	vor.u32 v17, v38;
	v36 =	vld [tilespmem:s25+$0xFFFFFF90];
	_ =	sdelay $0x4  }
0x2fb: {  	[tilespmem:v52+s17+$0x0] =	vst.idx.msk $0xffff, v36  }
0x2fc: {  	v53 =	vor.u32 v18, v38;
	v36 =	vld [tilespmem:s25+$0xFFFFFFA0];
	_ =	sdelay $0x4  }
0x2fd: {  	[tilespmem:v53+s17+$0x0] =	vst.idx.msk $0xffff, v36  }
0x2fe: {  	v54 =	vor.u32 v19, v38;
	v36 =	vld [tilespmem:s25+$0xFFFFFFB0]  }
0x2ff: {  	s30 =	simm.s32 $0x2  }
0x300: {  	v55 =	vmov s30  }
0x301: {  	v38 =	vand.u32 $0x7E, v55  }
0x302: {  	v38 =	vbroadcast v38, $0x0  }
0x303: {  	[tilespmem:v54+s17+$0x0] =	vst.idx.msk $0xffff, v36  }
0x304: {  	v56 =	vor.u32 v11, v38;
	v36 =	vld [tilespmem:s25+$0x0];
	_ =	sdelay $0x4  }
0x305: {  	[tilespmem:v56+s17+$0x0] =	vst.idx.msk $0xffff, v36  }
0x306: {  	v57 =	vor.u32 v17, v38;
	v36 =	vld [tilespmem:s25+$0x10];
	_ =	sdelay $0x4  }
0x307: {  	[tilespmem:v57+s17+$0x0] =	vst.idx.msk $0xffff, v36  }
0x308: {  	v58 =	vor.u32 v18, v38;
	v36 =	vld [tilespmem:s25+$0x20];
	_ =	sdelay $0x4  }
0x309: {  	[tilespmem:v58+s17+$0x0] =	vst.idx.msk $0xffff, v36  }
0x30a: {  	v59 =	vor.u32 v19, v38;
	v36 =	vld [tilespmem:s25+$0x30]  }
0x30b: {  	s31 =	simm.s32 $0x3  }
0x30c: {  	v60 =	vmov s31  }
0x30d: {  	v38 =	vand.u32 $0x7F, v60  }
0x30e: {  	v38 =	vbroadcast v38, $0x0  }
0x30f: {  	[tilespmem:v59+s17+$0x0] =	vst.idx.msk $0xffff, v36  }
0x310: {  	v61 =	vor.u32 v11, v38;
	v36 =	vld [tilespmem:s25+$0x80];
	_ =	sdelay $0x4  }
0x311: {  	[tilespmem:v61+s17+$0x0] =	vst.idx.msk $0xffff, v36  }
0x312: {  	v62 =	vor.u32 v17, v38;
	v36 =	vld [tilespmem:s25+$0x90];
	_ =	sdelay $0x4  }
0x313: {  	[tilespmem:v62+s17+$0x0] =	vst.idx.msk $0xffff, v36  }
0x314: {  	v63 =	vor.u32 v18, v38;
	v36 =	vld [tilespmem:s25+$0xA0];
	_ =	sdelay $0x4  }
0x315: {  	[tilespmem:v63+s17+$0x0] =	vst.idx.msk $0xffff, v36  }
0x316: {  	v37 =	vor.u32 v19, v38;
	v36 =	vld [tilespmem:s25+$0xB0]  }
0x317: {  	s26 =	simm.s32 $0x4  }
0x318: {  	s28 =	simm.s32 $0x8;
	v38 =	vmov s26  }
.LBB2_12:
0x319: {  	p0 =	sne.s32 s28, $0x7C;
	v38 =	vand.u32 $0x7C, v38  }
0x31a: {  	v38 =	vbroadcast v38, $0x0  }
0x31b: {  	s25 =	sadd.s32 $0x200, s25;
	[tilespmem:v37+s17+$0x0] =	vst.idx.msk $0xffff, v36  }
0x31c: {  	v36 =	vld [tilespmem:s25+$0xFFFFFF00];
	v37 =	vor.u32 v11, v38;
	_ =	sdelay $0x4  }
0x31d: {  	[tilespmem:v37+s17+$0x0] =	vst.idx.msk $0xffff, v36  }
0x31e: {  	v37 =	vor.u32 v17, v38;
	v36 =	vld [tilespmem:s25+$0xFFFFFF10];
	_ =	sdelay $0x4  }
0x31f: {  	[tilespmem:v37+s17+$0x0] =	vst.idx.msk $0xffff, v36  }
0x320: {  	v37 =	vor.u32 v18, v38;
	v36 =	vld [tilespmem:s25+$0xFFFFFF20];
	_ =	sdelay $0x4  }
0x321: {  	[tilespmem:v37+s17+$0x0] =	vst.idx.msk $0xffff, v36  }
0x322: {  	v37 =	vor.u32 v19, v38;
	v36 =	vld [tilespmem:s25+$0xFFFFFF30]  }
0x323: {  	s0 =	sadd.s32 $0x1, s26  }
0x324: {  	v38 =	vmov s0  }
0x325: {  	v38 =	vand.u32 $0x7D, v38  }
0x326: {  	v38 =	vbroadcast v38, $0x0  }
0x327: {  	[tilespmem:v37+s17+$0x0] =	vst.idx.msk $0xffff, v36  }
0x328: {  	v37 =	vor.u32 v11, v38;
	v36 =	vld [tilespmem:s25+$0xFFFFFF80];
	_ =	sdelay $0x4  }
0x329: {  	[tilespmem:v37+s17+$0x0] =	vst.idx.msk $0xffff, v36  }
0x32a: {  	v37 =	vor.u32 v17, v38;
	v36 =	vld [tilespmem:s25+$0xFFFFFF90];
	_ =	sdelay $0x4  }
0x32b: {  	[tilespmem:v37+s17+$0x0] =	vst.idx.msk $0xffff, v36  }
0x32c: {  	v37 =	vor.u32 v18, v38;
	v36 =	vld [tilespmem:s25+$0xFFFFFFA0];
	_ =	sdelay $0x4  }
0x32d: {  	[tilespmem:v37+s17+$0x0] =	vst.idx.msk $0xffff, v36  }
0x32e: {  	v37 =	vor.u32 v19, v38;
	v36 =	vld [tilespmem:s25+$0xFFFFFFB0]  }
0x32f: {  	s0 =	sadd.s32 $0x2, s26  }
0x330: {  	v38 =	vmov s0  }
0x331: {  	v38 =	vand.u32 $0x7E, v38  }
0x332: {  	v38 =	vbroadcast v38, $0x0  }
0x333: {  	[tilespmem:v37+s17+$0x0] =	vst.idx.msk $0xffff, v36  }
0x334: {  	v37 =	vor.u32 v11, v38;
	v36 =	vld [tilespmem:s25+$0x0];
	_ =	sdelay $0x4  }
0x335: {  	[tilespmem:v37+s17+$0x0] =	vst.idx.msk $0xffff, v36  }
0x336: {  	v37 =	vor.u32 v17, v38;
	v36 =	vld [tilespmem:s25+$0x10];
	_ =	sdelay $0x4  }
0x337: {  	[tilespmem:v37+s17+$0x0] =	vst.idx.msk $0xffff, v36  }
0x338: {  	v37 =	vor.u32 v18, v38;
	v36 =	vld [tilespmem:s25+$0x20];
	_ =	sdelay $0x4  }
0x339: {  	[tilespmem:v37+s17+$0x0] =	vst.idx.msk $0xffff, v36  }
0x33a: {  	v37 =	vor.u32 v19, v38;
	v36 =	vld [tilespmem:s25+$0x30]  }
0x33b: {  	s0 =	sadd.s32 $0x3, s26;
	s26 =	smov.u32 s28  }
0x33c: {  	v38 =	vmov s0  }
0x33d: {  	v38 =	vand.u32 $0x7F, v38  }
0x33e: {  	v38 =	vbroadcast v38, $0x0  }
0x33f: {  	[tilespmem:v37+s17+$0x0] =	vst.idx.msk $0xffff, v36  }
0x340: {  	v37 =	vor.u32 v11, v38;
	v36 =	vld [tilespmem:s25+$0x80];
	_ =	sdelay $0x4  }
0x341: {  	[tilespmem:v37+s17+$0x0] =	vst.idx.msk $0xffff, v36  }
0x342: {  	v37 =	vor.u32 v17, v38;
	v36 =	vld [tilespmem:s25+$0x90];
	_ =	sdelay $0x4  }
0x343: {  	[tilespmem:v37+s17+$0x0] =	vst.idx.msk $0xffff, v36  }
0x344: {  	v37 =	vor.u32 v18, v38;
	v36 =	vld [tilespmem:s25+$0xA0];
	_ =	sdelay $0x3  }
.Ltmp5:
0x345: {  	(pc) =	sbr.rel @p0 .LBB2_12-.Ltmp5, $3  }
0x346: {  	[tilespmem:v37+s17+$0x0] =	vst.idx.msk $0xffff, v36  }
0x347: {  	v37 =	vor.u32 v19, v38;
	v36 =	vld [tilespmem:s25+$0xB0];
	_ =	sdelay $0x1  }
0x348: {  	s28 =	sadd.s32 $0x4, s28;
	v38 =	vmov s26  }
0x349: {  	_ =	sdelay $0x1  }
0x34a: {  	v38 =	vand.u32 $0x7C, v38  }
0x34b: {  	v38 =	vbroadcast v38, $0x0  }
0x34c: {  	s0 =	sadd.s32 $0x200, s25;
	[tilespmem:v37+s17+$0x0] =	vst.idx.msk $0xffff, v36  }
0x34d: {  	v36 =	vld [tilespmem:s0+$0xFFFFFF00];
	v50 =	vor.u32 v11, v38;
	_ =	sdelay $0x4  }
0x34e: {  	[tilespmem:v50+s17+$0x0] =	vst.idx.msk $0xffff, v36  }
0x34f: {  	v51 =	vor.u32 v17, v38;
	v36 =	vld [tilespmem:s0+$0xFFFFFF10];
	_ =	sdelay $0x4  }
0x350: {  	[tilespmem:v51+s17+$0x0] =	vst.idx.msk $0xffff, v36  }
0x351: {  	v52 =	vor.u32 v18, v38;
	v36 =	vld [tilespmem:s0+$0xFFFFFF20];
	_ =	sdelay $0x4  }
0x352: {  	[tilespmem:v52+s17+$0x0] =	vst.idx.msk $0xffff, v36  }
0x353: {  	v53 =	vor.u32 v19, v38;
	v36 =	vld [tilespmem:s0+$0xFFFFFF30]  }
0x354: {  	s1 =	sadd.s32 $0x1, s26  }
0x355: {  	v54 =	vmov s1  }
0x356: {  	v38 =	vand.u32 $0x7D, v54  }
0x357: {  	v38 =	vbroadcast v38, $0x0  }
0x358: {  	[tilespmem:v53+s17+$0x0] =	vst.idx.msk $0xffff, v36  }
0x359: {  	v55 =	vor.u32 v11, v38;
	v36 =	vld [tilespmem:s0+$0xFFFFFF80];
	_ =	sdelay $0x4  }
0x35a: {  	[tilespmem:v55+s17+$0x0] =	vst.idx.msk $0xffff, v36  }
0x35b: {  	v56 =	vor.u32 v17, v38;
	v36 =	vld [tilespmem:s0+$0xFFFFFF90];
	_ =	sdelay $0x4  }
0x35c: {  	[tilespmem:v56+s17+$0x0] =	vst.idx.msk $0xffff, v36  }
0x35d: {  	v57 =	vor.u32 v18, v38;
	v36 =	vld [tilespmem:s0+$0xFFFFFFA0];
	_ =	sdelay $0x4  }
0x35e: {  	[tilespmem:v57+s17+$0x0] =	vst.idx.msk $0xffff, v36  }
0x35f: {  	v58 =	vor.u32 v19, v38;
	v36 =	vld [tilespmem:s0+$0xFFFFFFB0]  }
0x360: {  	s31 =	sadd.s32 $0x2, s26  }
0x361: {  	v59 =	vmov s31  }
0x362: {  	v38 =	vand.u32 $0x7E, v59  }
0x363: {  	v38 =	vbroadcast v38, $0x0  }
0x364: {  	[tilespmem:v58+s17+$0x0] =	vst.idx.msk $0xffff, v36  }
0x365: {  	v60 =	vor.u32 v11, v38;
	v36 =	vld [tilespmem:s0+$0x0];
	_ =	sdelay $0x4  }
0x366: {  	[tilespmem:v60+s17+$0x0] =	vst.idx.msk $0xffff, v36  }
0x367: {  	v61 =	vor.u32 v17, v38;
	v36 =	vld [tilespmem:s0+$0x10];
	_ =	sdelay $0x4  }
0x368: {  	[tilespmem:v61+s17+$0x0] =	vst.idx.msk $0xffff, v36  }
0x369: {  	v62 =	vor.u32 v18, v38;
	v36 =	vld [tilespmem:s0+$0x20];
	_ =	sdelay $0x4  }
0x36a: {  	[tilespmem:v62+s17+$0x0] =	vst.idx.msk $0xffff, v36  }
0x36b: {  	v63 =	vor.u32 v19, v38;
	v36 =	vld [tilespmem:s0+$0x30]  }
0x36c: {  	s25 =	sadd.s32 $0x3, s26  }
0x36d: {  	v40 =	vmov s25  }
0x36e: {  	v38 =	vand.u32 $0x7F, v40  }
0x36f: {  	v38 =	vbroadcast v38, $0x0  }
0x370: {  	[tilespmem:v63+s17+$0x0] =	vst.idx.msk $0xffff, v36  }
0x371: {  	v41 =	vor.u32 v11, v38;
	v36 =	vld [tilespmem:s0+$0x80];
	_ =	sdelay $0x4  }
0x372: {  	[tilespmem:v41+s17+$0x0] =	vst.idx.msk $0xffff, v36  }
0x373: {  	v42 =	vor.u32 v17, v38;
	v36 =	vld [tilespmem:s0+$0x90];
	_ =	sdelay $0x4  }
0x374: {  	[tilespmem:v42+s17+$0x0] =	vst.idx.msk $0xffff, v36  }
0x375: {  	v43 =	vor.u32 v18, v38;
	v36 =	vld [tilespmem:s0+$0xA0];
	_ =	sdelay $0x4  }
0x376: {  	[tilespmem:v43+s17+$0x0] =	vst.idx.msk $0xffff, v36  }
0x377: {  	v44 =	vor.u32 v19, v38;
	v36 =	vld [tilespmem:s0+$0xB0];
	_ =	sdelay $0x4  }
0x378: {  	[tilespmem:v44+s17+$0x0] =	vst.idx.msk $0xffff, v36  }
0x379: {  	[hbm4b:s7+s18] =	stream.strided.scatter [tilespmem:s17], [sflag:$0x3], $0x2000, s19, s18, $0x38;
	[tilespmem:$0xF500] =	vst v63  }
0x37a: {  	_ =	swait.ge [sflag:s20], $0x4000  }
0x37b: {  	s26 =	simm.s32 $0x0;
	[sflag:s20] =	ssyncset.done $0x0  }
0x37c: {  	v45 =	vmov s26;
	[sflag:s20] =	ssyncadd.s32 $0xFFFFC000  }
0x37d: {  	v36 =	vand.u32 $0x7C, v45;
	_ =	swait.ge [sflag:s23], $0x2000  }
0x37e: {  	v36 =	vbroadcast v36, $0x0;
	[sflag:s23] =	ssyncset.done $0x0  }
0x37f: {  	s25 =	simm.s32 $0x7600;
	[sflag:s23] =	ssyncadd.s32 $0xFFFFE000  }
0x380: {  	v47 =	vor.u32 v11, v36;
	v46 =	vld [tilespmem:s25+$0xFFFFFF00];
	_ =	sdelay $0x4  }
0x381: {  	[tilespmem:v47+s21+$0x0] =	vst.idx.msk $0xffff, v46  }
0x382: {  	v48 =	vor.u32 v17, v36;
	v37 =	vld [tilespmem:s25+$0xFFFFFF10];
	_ =	sdelay $0x4  }
0x383: {  	[tilespmem:v48+s21+$0x0] =	vst.idx.msk $0xffff, v37  }
0x384: {  	v49 =	vor.u32 v18, v36;
	v37 =	vld [tilespmem:s25+$0xFFFFFF20];
	_ =	sdelay $0x4  }
0x385: {  	[tilespmem:v49+s21+$0x0] =	vst.idx.msk $0xffff, v37  }
0x386: {  	v36 =	vor.u32 v19, v36;
	v37 =	vld [tilespmem:s25+$0xFFFFFF30]  }
0x387: {  	s29 =	simm.s32 $0x1  }
0x388: {  	v50 =	vmov s29  }
0x389: {  	v38 =	vand.u32 $0x7D, v50  }
0x38a: {  	v38 =	vbroadcast v38, $0x0  }
0x38b: {  	[tilespmem:v36+s21+$0x0] =	vst.idx.msk $0xffff, v37  }
0x38c: {  	v51 =	vor.u32 v11, v38;
	v36 =	vld [tilespmem:s25+$0xFFFFFF80];
	_ =	sdelay $0x4  }
0x38d: {  	[tilespmem:v51+s21+$0x0] =	vst.idx.msk $0xffff, v36  }
0x38e: {  	v52 =	vor.u32 v17, v38;
	v36 =	vld [tilespmem:s25+$0xFFFFFF90];
	_ =	sdelay $0x4  }
0x38f: {  	[tilespmem:v52+s21+$0x0] =	vst.idx.msk $0xffff, v36  }
0x390: {  	v53 =	vor.u32 v18, v38;
	v36 =	vld [tilespmem:s25+$0xFFFFFFA0];
	_ =	sdelay $0x4  }
0x391: {  	[tilespmem:v53+s21+$0x0] =	vst.idx.msk $0xffff, v36  }
0x392: {  	v54 =	vor.u32 v19, v38;
	v36 =	vld [tilespmem:s25+$0xFFFFFFB0]  }
0x393: {  	s30 =	simm.s32 $0x2  }
0x394: {  	v55 =	vmov s30  }
0x395: {  	v38 =	vand.u32 $0x7E, v55  }
0x396: {  	v38 =	vbroadcast v38, $0x0  }
0x397: {  	[tilespmem:v54+s21+$0x0] =	vst.idx.msk $0xffff, v36  }
0x398: {  	v56 =	vor.u32 v11, v38;
	v36 =	vld [tilespmem:s25+$0x0];
	_ =	sdelay $0x4  }
0x399: {  	[tilespmem:v56+s21+$0x0] =	vst.idx.msk $0xffff, v36  }
0x39a: {  	v57 =	vor.u32 v17, v38;
	v36 =	vld [tilespmem:s25+$0x10];
	_ =	sdelay $0x4  }
0x39b: {  	[tilespmem:v57+s21+$0x0] =	vst.idx.msk $0xffff, v36  }
0x39c: {  	v58 =	vor.u32 v18, v38;
	v36 =	vld [tilespmem:s25+$0x20];
	_ =	sdelay $0x4  }
0x39d: {  	[tilespmem:v58+s21+$0x0] =	vst.idx.msk $0xffff, v36  }
0x39e: {  	v59 =	vor.u32 v19, v38;
	v36 =	vld [tilespmem:s25+$0x30]  }
0x39f: {  	s31 =	simm.s32 $0x3  }
0x3a0: {  	v60 =	vmov s31  }
0x3a1: {  	v38 =	vand.u32 $0x7F, v60  }
0x3a2: {  	v38 =	vbroadcast v38, $0x0  }
0x3a3: {  	[tilespmem:v59+s21+$0x0] =	vst.idx.msk $0xffff, v36  }
0x3a4: {  	v61 =	vor.u32 v11, v38;
	v36 =	vld [tilespmem:s25+$0x80];
	_ =	sdelay $0x4  }
0x3a5: {  	[tilespmem:v61+s21+$0x0] =	vst.idx.msk $0xffff, v36  }
0x3a6: {  	v62 =	vor.u32 v17, v38;
	v36 =	vld [tilespmem:s25+$0x90];
	_ =	sdelay $0x4  }
0x3a7: {  	[tilespmem:v62+s21+$0x0] =	vst.idx.msk $0xffff, v36  }
0x3a8: {  	v63 =	vor.u32 v18, v38;
	v36 =	vld [tilespmem:s25+$0xA0];
	_ =	sdelay $0x4  }
0x3a9: {  	[tilespmem:v63+s21+$0x0] =	vst.idx.msk $0xffff, v36  }
0x3aa: {  	v37 =	vor.u32 v19, v38;
	v36 =	vld [tilespmem:s25+$0xB0]  }
0x3ab: {  	s26 =	simm.s32 $0x4  }
0x3ac: {  	s28 =	simm.s32 $0x8;
	v38 =	vmov s26  }
.LBB2_14:
0x3ad: {  	p0 =	sne.s32 s28, $0x7C;
	v38 =	vand.u32 $0x7C, v38  }
0x3ae: {  	v38 =	vbroadcast v38, $0x0  }
0x3af: {  	s25 =	sadd.s32 $0x200, s25;
	[tilespmem:v37+s21+$0x0] =	vst.idx.msk $0xffff, v36  }
0x3b0: {  	v36 =	vld [tilespmem:s25+$0xFFFFFF00];
	v37 =	vor.u32 v11, v38;
	_ =	sdelay $0x4  }
0x3b1: {  	[tilespmem:v37+s21+$0x0] =	vst.idx.msk $0xffff, v36  }
0x3b2: {  	v37 =	vor.u32 v17, v38;
	v36 =	vld [tilespmem:s25+$0xFFFFFF10];
	_ =	sdelay $0x4  }
0x3b3: {  	[tilespmem:v37+s21+$0x0] =	vst.idx.msk $0xffff, v36  }
0x3b4: {  	v37 =	vor.u32 v18, v38;
	v36 =	vld [tilespmem:s25+$0xFFFFFF20];
	_ =	sdelay $0x4  }
0x3b5: {  	[tilespmem:v37+s21+$0x0] =	vst.idx.msk $0xffff, v36  }
0x3b6: {  	v37 =	vor.u32 v19, v38;
	v36 =	vld [tilespmem:s25+$0xFFFFFF30]  }
0x3b7: {  	s0 =	sadd.s32 $0x1, s26  }
0x3b8: {  	v38 =	vmov s0  }
0x3b9: {  	v38 =	vand.u32 $0x7D, v38  }
0x3ba: {  	v38 =	vbroadcast v38, $0x0  }
0x3bb: {  	[tilespmem:v37+s21+$0x0] =	vst.idx.msk $0xffff, v36  }
0x3bc: {  	v37 =	vor.u32 v11, v38;
	v36 =	vld [tilespmem:s25+$0xFFFFFF80];
	_ =	sdelay $0x4  }
0x3bd: {  	[tilespmem:v37+s21+$0x0] =	vst.idx.msk $0xffff, v36  }
0x3be: {  	v37 =	vor.u32 v17, v38;
	v36 =	vld [tilespmem:s25+$0xFFFFFF90];
	_ =	sdelay $0x4  }
0x3bf: {  	[tilespmem:v37+s21+$0x0] =	vst.idx.msk $0xffff, v36  }
0x3c0: {  	v37 =	vor.u32 v18, v38;
	v36 =	vld [tilespmem:s25+$0xFFFFFFA0];
	_ =	sdelay $0x4  }
0x3c1: {  	[tilespmem:v37+s21+$0x0] =	vst.idx.msk $0xffff, v36  }
0x3c2: {  	v37 =	vor.u32 v19, v38;
	v36 =	vld [tilespmem:s25+$0xFFFFFFB0]  }
0x3c3: {  	s0 =	sadd.s32 $0x2, s26  }
0x3c4: {  	v38 =	vmov s0  }
0x3c5: {  	v38 =	vand.u32 $0x7E, v38  }
0x3c6: {  	v38 =	vbroadcast v38, $0x0  }
0x3c7: {  	[tilespmem:v37+s21+$0x0] =	vst.idx.msk $0xffff, v36  }
0x3c8: {  	v37 =	vor.u32 v11, v38;
	v36 =	vld [tilespmem:s25+$0x0];
	_ =	sdelay $0x4  }
0x3c9: {  	[tilespmem:v37+s21+$0x0] =	vst.idx.msk $0xffff, v36  }
0x3ca: {  	v37 =	vor.u32 v17, v38;
	v36 =	vld [tilespmem:s25+$0x10];
	_ =	sdelay $0x4  }
0x3cb: {  	[tilespmem:v37+s21+$0x0] =	vst.idx.msk $0xffff, v36  }
0x3cc: {  	v37 =	vor.u32 v18, v38;
	v36 =	vld [tilespmem:s25+$0x20];
	_ =	sdelay $0x4  }
0x3cd: {  	[tilespmem:v37+s21+$0x0] =	vst.idx.msk $0xffff, v36  }
0x3ce: {  	v37 =	vor.u32 v19, v38;
	v36 =	vld [tilespmem:s25+$0x30]  }
0x3cf: {  	s0 =	sadd.s32 $0x3, s26;
	s26 =	smov.u32 s28  }
0x3d0: {  	v38 =	vmov s0  }
0x3d1: {  	v38 =	vand.u32 $0x7F, v38  }
0x3d2: {  	v38 =	vbroadcast v38, $0x0  }
0x3d3: {  	[tilespmem:v37+s21+$0x0] =	vst.idx.msk $0xffff, v36  }
0x3d4: {  	v37 =	vor.u32 v11, v38;
	v36 =	vld [tilespmem:s25+$0x80];
	_ =	sdelay $0x4  }
0x3d5: {  	[tilespmem:v37+s21+$0x0] =	vst.idx.msk $0xffff, v36  }
0x3d6: {  	v37 =	vor.u32 v17, v38;
	v36 =	vld [tilespmem:s25+$0x90];
	_ =	sdelay $0x4  }
0x3d7: {  	[tilespmem:v37+s21+$0x0] =	vst.idx.msk $0xffff, v36  }
0x3d8: {  	v37 =	vor.u32 v18, v38;
	v36 =	vld [tilespmem:s25+$0xA0];
	_ =	sdelay $0x3  }
.Ltmp6:
0x3d9: {  	(pc) =	sbr.rel @p0 .LBB2_14-.Ltmp6, $3  }
0x3da: {  	[tilespmem:v37+s21+$0x0] =	vst.idx.msk $0xffff, v36  }
0x3db: {  	v37 =	vor.u32 v19, v38;
	v36 =	vld [tilespmem:s25+$0xB0];
	_ =	sdelay $0x1  }
0x3dc: {  	s28 =	sadd.s32 $0x4, s28;
	v38 =	vmov s26  }
0x3dd: {  	_ =	sdelay $0x1  }
0x3de: {  	v38 =	vand.u32 $0x7C, v38  }
0x3df: {  	v38 =	vbroadcast v38, $0x0  }
0x3e0: {  	s0 =	sadd.s32 $0x200, s25;
	[tilespmem:v37+s21+$0x0] =	vst.idx.msk $0xffff, v36  }
0x3e1: {  	v36 =	vld [tilespmem:s0+$0xFFFFFF00];
	v45 =	vor.u32 v11, v38;
	_ =	sdelay $0x4  }
0x3e2: {  	[tilespmem:v45+s21+$0x0] =	vst.idx.msk $0xffff, v36  }
0x3e3: {  	v46 =	vor.u32 v17, v38;
	v36 =	vld [tilespmem:s0+$0xFFFFFF10];
	_ =	sdelay $0x4  }
0x3e4: {  	[tilespmem:v46+s21+$0x0] =	vst.idx.msk $0xffff, v36  }
0x3e5: {  	v47 =	vor.u32 v18, v38;
	v36 =	vld [tilespmem:s0+$0xFFFFFF20];
	_ =	sdelay $0x4  }
0x3e6: {  	[tilespmem:v47+s21+$0x0] =	vst.idx.msk $0xffff, v36  }
0x3e7: {  	v48 =	vor.u32 v19, v38;
	v36 =	vld [tilespmem:s0+$0xFFFFFF30]  }
0x3e8: {  	s1 =	sadd.s32 $0x1, s26  }
0x3e9: {  	v49 =	vmov s1  }
0x3ea: {  	v38 =	vand.u32 $0x7D, v49  }
0x3eb: {  	v38 =	vbroadcast v38, $0x0  }
0x3ec: {  	[tilespmem:v48+s21+$0x0] =	vst.idx.msk $0xffff, v36  }
0x3ed: {  	v50 =	vor.u32 v11, v38;
	v36 =	vld [tilespmem:s0+$0xFFFFFF80];
	_ =	sdelay $0x4  }
0x3ee: {  	[tilespmem:v50+s21+$0x0] =	vst.idx.msk $0xffff, v36  }
0x3ef: {  	v51 =	vor.u32 v17, v38;
	v36 =	vld [tilespmem:s0+$0xFFFFFF90];
	_ =	sdelay $0x4  }
0x3f0: {  	[tilespmem:v51+s21+$0x0] =	vst.idx.msk $0xffff, v36  }
0x3f1: {  	v52 =	vor.u32 v18, v38;
	v36 =	vld [tilespmem:s0+$0xFFFFFFA0];
	_ =	sdelay $0x4  }
0x3f2: {  	[tilespmem:v52+s21+$0x0] =	vst.idx.msk $0xffff, v36  }
0x3f3: {  	v53 =	vor.u32 v19, v38;
	v36 =	vld [tilespmem:s0+$0xFFFFFFB0]  }
0x3f4: {  	s30 =	sadd.s32 $0x2, s26  }
0x3f5: {  	v54 =	vmov s30  }
0x3f6: {  	v38 =	vand.u32 $0x7E, v54  }
0x3f7: {  	v38 =	vbroadcast v38, $0x0  }
0x3f8: {  	[tilespmem:v53+s21+$0x0] =	vst.idx.msk $0xffff, v36  }
0x3f9: {  	v55 =	vor.u32 v11, v38;
	v36 =	vld [tilespmem:s0+$0x0];
	_ =	sdelay $0x4  }
0x3fa: {  	[tilespmem:v55+s21+$0x0] =	vst.idx.msk $0xffff, v36  }
0x3fb: {  	v56 =	vor.u32 v17, v38;
	v36 =	vld [tilespmem:s0+$0x10];
	_ =	sdelay $0x4  }
0x3fc: {  	[tilespmem:v56+s21+$0x0] =	vst.idx.msk $0xffff, v36  }
0x3fd: {  	v57 =	vor.u32 v18, v38;
	v36 =	vld [tilespmem:s0+$0x20];
	_ =	sdelay $0x4  }
0x3fe: {  	[tilespmem:v57+s21+$0x0] =	vst.idx.msk $0xffff, v36  }
0x3ff: {  	v58 =	vor.u32 v19, v38;
	v36 =	vld [tilespmem:s0+$0x30]  }
0x400: {  	s31 =	sadd.s32 $0x3, s26  }
0x401: {  	v59 =	vmov s31  }
0x402: {  	v38 =	vand.u32 $0x7F, v59  }
0x403: {  	v38 =	vbroadcast v38, $0x0  }
0x404: {  	[tilespmem:v58+s21+$0x0] =	vst.idx.msk $0xffff, v36  }
0x405: {  	v60 =	vor.u32 v11, v38;
	v36 =	vld [tilespmem:s0+$0x80];
	_ =	sdelay $0x4  }
0x406: {  	[tilespmem:v60+s21+$0x0] =	vst.idx.msk $0xffff, v36  }
0x407: {  	v61 =	vor.u32 v17, v38;
	v36 =	vld [tilespmem:s0+$0x90];
	_ =	sdelay $0x4  }
0x408: {  	[tilespmem:v61+s21+$0x0] =	vst.idx.msk $0xffff, v36  }
0x409: {  	v62 =	vor.u32 v18, v38;
	v36 =	vld [tilespmem:s0+$0xA0];
	_ =	sdelay $0x4  }
0x40a: {  	[tilespmem:v62+s21+$0x0] =	vst.idx.msk $0xffff, v36  }
0x40b: {  	v63 =	vor.u32 v19, v38;
	v36 =	vld [tilespmem:s0+$0xB0];
	_ =	sdelay $0x4  }
0x40c: {  	s24 =	sadd.s32 $0x1, s24;
	[tilespmem:v63+s21+$0x0] =	vst.idx.msk $0xffff, v36  }
0x40d: {  	[hbm4b:s8+s18] =	stream.strided.scatter [tilespmem:s21], [sflag:$0x4], $0x2000, s19, s18, $0x38;
	[tilespmem:$0xF500] =	vst v63  }
0x40e: {  	p0 =	sne.s32 s24, s9;
	_ =	swait.ge [sflag:s22], $0x2000  }
.Ltmp7:
0x40f: {  	[sflag:s22] =	ssyncset.done $0x0;
	(pc) =	sbr.rel @p0 .LBB2_1-.Ltmp7, $4  }
0x410: {  	[sflag:s22] =	ssyncadd.s32 $0xFFFFE000  }
0x411: {  	_ =	swait.ge [sflag:s23], $0x2000  }
0x412: {  	[sflag:s23] =	ssyncset.done $0x0  }
0x413: {  	[sflag:s23] =	ssyncadd.s32 $0xFFFFE000  }
0x414: {  	_ =	sfence.sel $0x180000  }
0x415: {  	[bflag:$0x0] =	sbarrier.arrive $0xFFFF  }
0x416: {  	_ =	strace $0x90000047  }
0x417: {  	s0 =	stileid.u32;
	[bflag:$0x2] =	sbarrier.arrive $0xFFFF  }
0x418: {  	p0 =	sne.s32 s0, $0x0;
	s0 =	rddreg [dreg:$0x2]  }
0x419: {  	s0 =	sadd.s32 @!p0 $0x100000, s0  }
0x41a: {  	[sflag:s0] =	ssyncadd.tile.s32 @!p0 $0x1;
	_ =	shalt  }
.Lfunc_end2:
_tile_overlayer_lowered:
.L_overlay_start_2:
0x41b: {  	(tag) =	ssettag $0x2  }
0x41c: {  	s0 =	rddreg [dreg:$0x0];
	s2 =	stileid.u32  }
0x41d: {  	s1 =	rddreg [dreg:$0x1];
	p0 =	sne.s32 s2, $0x0  }
0x41e: {  	s3 =	rddreg [dreg:$0x2];
	[bflag:$0x3] =	sbarrier.arrive $0xFFFF;
	s2 =	simm.s32 @!p0 $0x1C05  }
0x41f: {  	[timem:s3], [sflag:s2] =	dma.local @!p0 [hbm:s0], s1  }
0x420: {  	s0 =	simm.s32 @!p0 $0x5  }
0x421: {  	_ =	swait.ge @!p0 [sflag:s0], s1  }
0x422: {  	s1 =	ssub.s32 @!p0 $0x0, s1;
	[sflag:s0] =	ssyncset.done @!p0 $0x0  }
0x423: {  	[sflag:s0] =	ssyncadd.s32 @!p0 s1  }
0x424: {  	[bflag:$0x3] =	sbarrier.arrive $0xFFFF  }
0x425: {  	_ =	shalt  }

</sc_bundles>
